<compile_context>
chip_gen: v7x
topology: tpu7x:2x2x1
jax: 0.10.2.dev20260603
libtpu: 0.0.44.dev20260713+nightly
codegen_flags: <defaults>
</compile_context>

<pallas_src>
import functools

import jax
import jax.numpy as jnp
from jax import lax
from jax.experimental import pallas as pl
from jax.experimental.pallas import tpu as pltpu
from jax.experimental.pallas import tpu_sc as plsc

_S, _D, _U, _E, _K = 256, 256, 512, 64, 2
_G = 8
_NG = _E // _G
_NCHUNK = _E // 16


def _logits_kernel(x_ref, wr_ref, out_ref):
    lgt = jax.lax.dot_general(
        wr_ref[...], x_ref[...], (((1,), (1,)), ((), ())),
        preferred_element_type=jnp.float32,
    )
    for w in range(_S // 16):
        out_ref[w] = lgt[:, w * 16:(w + 1) * 16]


def _sc_routing_kernel(logits_hbm, wsel_hbm, logits_v, wsel_v):
    wid = lax.axis_index("s") * 2 + lax.axis_index("c")

    @pl.when(wid < 16)
    def _work():
        base = wid * 16
        pltpu.sync_copy(logits_hbm.at[wid], logits_v)
        nbig = jnp.full((16,), -1e30, jnp.float32)
        zero_i = jnp.zeros((16,), jnp.int32)
        m1 = nbig
        m2 = nbig
        i1 = zero_i
        i2 = zero_i
        for e in range(_E):
            v = logits_v[e, :]
            ev = jnp.full((16,), e, jnp.int32)
            gt1 = v > m1
            gt2 = v > m2
            m2 = jnp.where(gt1, m1, jnp.where(gt2, v, m2))
            i2 = jnp.where(gt1, i1, jnp.where(gt2, ev, i2))
            m1 = jnp.where(gt1, v, m1)
            i1 = jnp.where(gt1, ev, i1)
        onev = jnp.full((16,), 1.0, jnp.float32)
        w1 = onev / (onev + jnp.exp(m2 - m1))
        w2 = onev - w1
        zero_f = jnp.zeros((16,), jnp.float32)
        for e in range(_E):
            ev = jnp.full((16,), e, jnp.int32)
            wsel_v[e, :] = jnp.where(
                i1 == ev, w1, jnp.where(i2 == ev, w2, zero_f)
            )
        pltpu.sync_copy(wsel_v, wsel_hbm.at[wid])


def _moe_kernel(x_ref, wsel_in_ref, wu_ref, wd_ref, bu_ref, bd_ref, out_ref,
                wsel_ref):
    g = pl.program_id(0)
    x = x_ref[...]

    @pl.when(g == 0)
    def _regroup():
        wsel = wsel_in_ref[...]
        for ng in range(_NG):
            wsel_ref[ng] = wsel[:, ng * _G:(ng + 1) * _G]

    wstep = wsel_ref[g]
    acc = None
    for j in range(_G):
        h = jax.lax.dot_general(
            x, wu_ref[j], (((1,), (1,)), ((), ())),
            preferred_element_type=jnp.float32,
        )
        h = h + bu_ref[j]
        h = 0.5 * h * (1.0 + jax.lax.erf(h * 0.7071067811865476))
        y = jax.lax.dot_general(
            h, wd_ref[j], (((1,), (1,)), ((), ())),
            preferred_element_type=jnp.float32,
        )
        y = y + bd_ref[j]
        contrib = y * wstep[:, j:j + 1]
        acc = contrib if acc is None else acc + contrib

    @pl.when(g == 0)
    def _init():
        out_ref[...] = acc

    @pl.when(g != 0)
    def _acc():
        out_ref[...] += acc


def kernel(x, W_router, W_up, W_down, b_up, b_down):
    b, s, d = x.shape
    x2 = x.reshape(s, d)

    logits_t = pl.pallas_call(
        _logits_kernel,
        out_shape=jax.ShapeDtypeStruct((_S // 16, _E, 16), jnp.float32),
    )(x2, W_router)

    sc_route = functools.partial(
        pl.kernel,
        mesh=plsc.VectorSubcoreMesh(core_axis_name="c", subcore_axis_name="s"),
        out_type=jax.ShapeDtypeStruct((_S // 16, _E, 16), jnp.float32),
        scratch_types=[
            pltpu.VMEM((_E, 16), jnp.float32),
            pltpu.VMEM((_E, 16), jnp.float32),
        ],
    )(_sc_routing_kernel)
    wsel3 = sc_route(logits_t)
    wsel = wsel3.transpose(0, 2, 1).reshape(_S, _E)

    bu3 = b_up.reshape(_E, 1, _U)
    bd3 = b_down.reshape(_E, 1, _D)

    out = pl.pallas_call(
        _moe_kernel,
        grid=(_NG,),
        in_specs=[
            pl.BlockSpec((_S, _D), lambda g: (0, 0)),
            pl.BlockSpec((_S, _E), lambda g: (0, 0)),
            pl.BlockSpec((_G, _U, _D), lambda g: (g, 0, 0)),
            pl.BlockSpec((_G, _D, _U), lambda g: (g, 0, 0)),
            pl.BlockSpec((_G, 1, _U), lambda g: (g, 0, 0)),
            pl.BlockSpec((_G, 1, _D), lambda g: (g, 0, 0)),
        ],
        out_specs=pl.BlockSpec((_S, _D), lambda g: (0, 0)),
        out_shape=jax.ShapeDtypeStruct((_S, _D), jnp.float32),
        scratch_shapes=[pltpu.VMEM((_NG, _S, _G), jnp.float32)],
        compiler_params=pltpu.CompilerParams(
            dimension_semantics=("arbitrary",),
        ),
    )(x2, wsel, W_up, W_down, bu3, bd3)

    return out.reshape(b, s, d)

# --- scband reference (transcript-rebuilt; emitter-appended) ---
"""Pipeline reference for scband-mixtureof-experts-block-30382598652527 (READ-ONLY COPY).

The authoritative reference and input builder live on the scoring server;
editing this copy changes nothing except your own understanding.
"""

import jax, jax.numpy as jnp
import numpy as np

B, S, D, U, E, K = 1, 256, 256, 512, 64, 2


def setup_inputs(seed: int = 0) -> dict:
    key = jax.random.key(seed)
    ks = jax.random.split(key, 6)
    x = jax.random.normal(ks[0], (B, S, D), dtype=jnp.float32)
    W_router = jax.random.normal(ks[1], (E, D), dtype=jnp.float32) * (1.0 / np.sqrt(D))
    W_up = jax.random.normal(ks[2], (E, U, D), dtype=jnp.float32)
    W_down = jax.random.normal(ks[3], (E, D, U), dtype=jnp.float32)
    b_up = jax.random.normal(ks[4], (E, U), dtype=jnp.float32)
    b_down = jax.random.normal(ks[5], (E, D), dtype=jnp.float32)
    return {"x": x, "W_router": W_router, "W_up": W_up, "W_down": W_down, "b_up": b_up, "b_down": b_down}


def reference(x, W_router, W_up, W_down, b_up, b_down):
    b, s, d = x.shape
    u = W_up.shape[1]
    k = K
    # router: Linear(embed_dim, num_experts, bias=False) -> x @ W^T
    router_logits = jnp.einsum('bsd,ed->bse', x, W_router)
    top_logits, indices = jax.lax.top_k(router_logits, k)  # [b, s, k]
    router_weights = jax.nn.softmax(top_logits, axis=-1)
    flat_idx = indices.reshape(-1)  # [b*s*k]
    # sparse gather of full per-token expert weight matrices (memory-bound)
    Wu = jnp.take(W_up, flat_idx, axis=0).reshape(b, s, k, u, d)
    bu = jnp.take(b_up, flat_idx, axis=0).reshape(b, s, k, u)
    Wd = jnp.take(W_down, flat_idx, axis=0).reshape(b, s, k, d, u)
    bd = jnp.take(b_down, flat_idx, axis=0).reshape(b, s, k, d)
    h = jnp.einsum('bskud,bsd->bsku', Wu, x)
    h = h + bu
    h = jax.nn.gelu(h, approximate=False)
    y = jnp.einsum('bskdu,bsku->bskd', Wd, h)
    y = y + bd
    out = jnp.einsum('bskd,bsk->bsd', y, router_weights)
    return out

if __name__ == "__main__":
    import jax
    _d = setup_inputs()
    print(jax.jit(kernel)(*tuple(_d.values())))

</pallas_src>

<mosaic_0001>
#map = affine_map<(d0, d1) -> (0, 0, 0)>
module attributes {stable_mosaic.version = 14 : i64} {
  func.func @_sc_routing_kernel(%arg0: i32, %arg1: i32, %arg2: memref<16x64x16xf32, #tpu.memory_space<hbm>>, %arg3: memref<16x64x16xf32, #tpu.memory_space<hbm>>, %arg4: memref<64x16xf32, #tpu.memory_space<vmem>>, %arg5: memref<64x16xf32, #tpu.memory_space<vmem>>) attributes {dimension_semantics = [#tpu.dimension_semantics<core_parallel>, #tpu.dimension_semantics<subcore_parallel>], iteration_bounds = array<i64: 2, 16>, scalar_prefetch = 0 : i64, scratch_operands = 2 : i64, tpu.core_type = #tpu.core_type<sc_vector_subcore>, window_params = [{transform_indices = #map}, {transform_indices = #map}]} {
    %mul3A = arith.constant 2 : i32
    %mul3A_0 = arith.muli %arg1, %mul3A : i32
    %add3A = arith.addi %mul3A_0, %arg0 : i32
    %lt3A = arith.constant 16 : i32
    %lt3A_1 = arith.cmpi slt, %add3A, %lt3A : i32
    %convert_element_type3A = arith.extui %lt3A_1 : i1 to i32
    %cond3A = arith.constant 0 : i32
    %cond3A_2 = arith.cmpi ne, %convert_element_type3A, %cond3A : i32
    scf.if %cond3A_2 {
      %mul3A_3 = arith.constant 16 : i32
      %mul3A_4 = arith.muli %add3A, %mul3A_3 : i32
      "tpu.region"() ({
        %run_scoped3A = tpu.sem_alloc : memref<!tpu.dma_semaphore, #tpu.memory_space<semaphore_mem>>
        %dma_start3A = arith.constant 0 : i32
        %dma_start3A_1737 = arith.constant 0 : i32
        %dma_start3A_1738 = tpu.memref_slice %arg2[%add3A, %dma_start3A, %dma_start3A_1737] : memref<16x64x16xf32, #tpu.memory_space<hbm>> -> memref<1x64x16xf32, #tpu.memory_space<hbm>>
        %dma_start3A_1739 = tpu.memref_squeeze %dma_start3A_1738 : memref<1x64x16xf32, #tpu.memory_space<hbm>> -> memref<64x16xf32, #tpu.memory_space<hbm>>
        %dma_start3A_1740 = arith.constant 0 : i32
        %dma_start3A_1741 = arith.constant 0 : i32
        %dma_start3A_1742 = tpu.memref_slice %arg2[%add3A, %dma_start3A_1740, %dma_start3A_1741] : memref<16x64x16xf32, #tpu.memory_space<hbm>> -> memref<1x64x16xf32, #tpu.memory_space<hbm>>
        %dma_start3A_1743 = tpu.memref_squeeze %dma_start3A_1742 : memref<1x64x16xf32, #tpu.memory_space<hbm>> -> memref<64x16xf32, #tpu.memory_space<hbm>>
        tpu.enqueue_dma source(%dma_start3A_1743 : memref<64x16xf32, #tpu.memory_space<hbm>>) target(%arg4 : memref<64x16xf32, #tpu.memory_space<vmem>>) target_semaphore(%run_scoped3A : memref<!tpu.dma_semaphore, #tpu.memory_space<semaphore_mem>>)
        %dma_wait3A = arith.constant 0 : i32
        %dma_wait3A_1744 = arith.constant 0 : i32
        %dma_wait3A_1745 = tpu.memref_slice %arg2[%add3A, %dma_wait3A, %dma_wait3A_1744] : memref<16x64x16xf32, #tpu.memory_space<hbm>> -> memref<1x64x16xf32, #tpu.memory_space<hbm>>
        %dma_wait3A_1746 = tpu.memref_squeeze %dma_wait3A_1745 : memref<1x64x16xf32, #tpu.memory_space<hbm>> -> memref<64x16xf32, #tpu.memory_space<hbm>>
        %dma_wait3A_1747 = arith.constant 0 : i32
        %dma_wait3A_1748 = arith.constant 0 : i32
        %dma_wait3A_1749 = tpu.memref_slice %arg2[%add3A, %dma_wait3A_1747, %dma_wait3A_1748] : memref<16x64x16xf32, #tpu.memory_space<hbm>> -> memref<1x64x16xf32, #tpu.memory_space<hbm>>
        %dma_wait3A_1750 = tpu.memref_squeeze %dma_wait3A_1749 : memref<1x64x16xf32, #tpu.memory_space<hbm>> -> memref<64x16xf32, #tpu.memory_space<hbm>>
        tpu.wait_dma2 semaphore(%run_scoped3A : memref<!tpu.dma_semaphore, #tpu.memory_space<semaphore_mem>>) src(%dma_wait3A_1750 : memref<64x16xf32, #tpu.memory_space<hbm>>) dst(%arg4 : memref<64x16xf32, #tpu.memory_space<vmem>>)
        tpu.yield
      }) : () -> ()
      %broadcast_in_dim3A = arith.constant -1.000000e+30 : f32
      %broadcast_in_dim3A_5 = vector.broadcast %broadcast_in_dim3A : f32 to vector<16xf32>
      %broadcast_in_dim3A_6 = arith.constant 0 : i32
      %broadcast_in_dim3A_7 = vector.broadcast %broadcast_in_dim3A_6 : i32 to vector<16xi32>
      %get3A = arith.constant 0 : i32
      %get3A_8 = arith.index_cast %get3A : i32 to index
      %get3A_9 = arith.constant 0 : index
      %get3A_10 = tpu.vector_load %arg4[%get3A_8, %get3A_9] {strides = array<i32>} : memref<64x16xf32, #tpu.memory_space<vmem>>, vector<1x16xf32>,
      %get3A_11 = vector.shape_cast %get3A_10 : vector<1x16xf32> to vector<16xf32>
      %broadcast_in_dim3A_12 = arith.constant 0 : i32
      %broadcast_in_dim3A_13 = vector.broadcast %broadcast_in_dim3A_12 : i32 to vector<16xi32>
      %gt3A = arith.cmpf ogt, %get3A_11, %broadcast_in_dim3A_5 : vector<16xf32>
      %gt3A_14 = arith.cmpf ogt, %get3A_11, %broadcast_in_dim3A_5 : vector<16xf32>
      %select_n3A = arith.select %gt3A_14, %get3A_11, %broadcast_in_dim3A_5 : vector<16xi1>, vector<16xf32>
      %select_n3A_15 = arith.select %gt3A, %broadcast_in_dim3A_5, %select_n3A : vector<16xi1>, vector<16xf32>
      %select_n3A_16 = arith.select %gt3A_14, %broadcast_in_dim3A_13, %broadcast_in_dim3A_7 : vector<16xi1>, vector<16xi32>
      %select_n3A_17 = arith.select %gt3A, %broadcast_in_dim3A_7, %select_n3A_16 : vector<16xi1>, vector<16xi32>
      %select_n3A_18 = arith.select %gt3A, %get3A_11, %broadcast_in_dim3A_5 : vector<16xi1>, vector<16xf32>
      %select_n3A_19 = arith.select %gt3A, %broadcast_in_dim3A_13, %broadcast_in_dim3A_7 : vector<16xi1>, vector<16xi32>
      %get3A_20 = arith.constant 1 : i32
      %get3A_21 = arith.index_cast %get3A_20 : i32 to index
      %get3A_22 = arith.constant 0 : index
      %get3A_23 = tpu.vector_load %arg4[%get3A_21, %get3A_22] {strides = array<i32>} : memref<64x16xf32, #tpu.memory_space<vmem>>, vector<1x16xf32>,
      %get3A_24 = vector.shape_cast %get3A_23 : vector<1x16xf32> to vector<16xf32>
      %broadcast_in_dim3A_25 = arith.constant 1 : i32
      %broadcast_in_dim3A_26 = vector.broadcast %broadcast_in_dim3A_25 : i32 to vector<16xi32>
      %gt3A_27 = arith.cmpf ogt, %get3A_24, %select_n3A_18 : vector<16xf32>
      %gt3A_28 = arith.cmpf ogt, %get3A_24, %select_n3A_15 : vector<16xf32>
      %select_n3A_29 = arith.select %gt3A_28, %get3A_24, %select_n3A_15 : vector<16xi1>, vector<16xf32>
      %select_n3A_30 = arith.select %gt3A_27, %select_n3A_18, %select_n3A_29 : vector<16xi1>, vector<16xf32>
      %select_n3A_31 = arith.select %gt3A_28, %broadcast_in_dim3A_26, %select_n3A_17 : vector<16xi1>, vector<16xi32>
      %select_n3A_32 = arith.select %gt3A_27, %select_n3A_19, %select_n3A_31 : vector<16xi1>, vector<16xi32>
      %select_n3A_33 = arith.select %gt3A_27, %get3A_24, %select_n3A_18 : vector<16xi1>, vector<16xf32>
      %select_n3A_34 = arith.select %gt3A_27, %broadcast_in_dim3A_26, %select_n3A_19 : vector<16xi1>, vector<16xi32>
      %get3A_35 = arith.constant 2 : i32
      %get3A_36 = arith.index_cast %get3A_35 : i32 to index
      %get3A_37 = arith.constant 0 : index
      %get3A_38 = tpu.vector_load %arg4[%get3A_36, %get3A_37] {strides = array<i32>} : memref<64x16xf32, #tpu.memory_space<vmem>>, vector<1x16xf32>,
      %get3A_39 = vector.shape_cast %get3A_38 : vector<1x16xf32> to vector<16xf32>
      %broadcast_in_dim3A_40 = arith.constant 2 : i32
      %broadcast_in_dim3A_41 = vector.broadcast %broadcast_in_dim3A_40 : i32 to vector<16xi32>
      %gt3A_42 = arith.cmpf ogt, %get3A_39, %select_n3A_33 : vector<16xf32>
      %gt3A_43 = arith.cmpf ogt, %get3A_39, %select_n3A_30 : vector<16xf32>
      %select_n3A_44 = arith.select %gt3A_43, %get3A_39, %select_n3A_30 : vector<16xi1>, vector<16xf32>
      %select_n3A_45 = arith.select %gt3A_42, %select_n3A_33, %select_n3A_44 : vector<16xi1>, vector<16xf32>
      %select_n3A_46 = arith.select %gt3A_43, %broadcast_in_dim3A_41, %select_n3A_32 : vector<16xi1>, vector<16xi32>
      %select_n3A_47 = arith.select %gt3A_42, %select_n3A_34, %select_n3A_46 : vector<16xi1>, vector<16xi32>
      %select_n3A_48 = arith.select %gt3A_42, %get3A_39, %select_n3A_33 : vector<16xi1>, vector<16xf32>
      %select_n3A_49 = arith.select %gt3A_42, %broadcast_in_dim3A_41, %select_n3A_34 : vector<16xi1>, vector<16xi32>
      %get3A_50 = arith.constant 3 : i32
      %get3A_51 = arith.index_cast %get3A_50 : i32 to index
      %get3A_52 = arith.constant 0 : index
      %get3A_53 = tpu.vector_load %arg4[%get3A_51, %get3A_52] {strides = array<i32>} : memref<64x16xf32, #tpu.memory_space<vmem>>, vector<1x16xf32>,
      %get3A_54 = vector.shape_cast %get3A_53 : vector<1x16xf32> to vector<16xf32>
      %broadcast_in_dim3A_55 = arith.constant 3 : i32
      %broadcast_in_dim3A_56 = vector.broadcast %broadcast_in_dim3A_55 : i32 to vector<16xi32>
      %gt3A_57 = arith.cmpf ogt, %get3A_54, %select_n3A_48 : vector<16xf32>
      %gt3A_58 = arith.cmpf ogt, %get3A_54, %select_n3A_45 : vector<16xf32>
      %select_n3A_59 = arith.select %gt3A_58, %get3A_54, %select_n3A_45 : vector<16xi1>, vector<16xf32>
      %select_n3A_60 = arith.select %gt3A_57, %select_n3A_48, %select_n3A_59 : vector<16xi1>, vector<16xf32>
      %select_n3A_61 = arith.select %gt3A_58, %broadcast_in_dim3A_56, %select_n3A_47 : vector<16xi1>, vector<16xi32>
      %select_n3A_62 = arith.select %gt3A_57, %select_n3A_49, %select_n3A_61 : vector<16xi1>, vector<16xi32>
      %select_n3A_63 = arith.select %gt3A_57, %get3A_54, %select_n3A_48 : vector<16xi1>, vector<16xf32>
      %select_n3A_64 = arith.select %gt3A_57, %broadcast_in_dim3A_56, %select_n3A_49 : vector<16xi1>, vector<16xi32>
      %get3A_65 = arith.constant 4 : i32
      %get3A_66 = arith.index_cast %get3A_65 : i32 to index
      %get3A_67 = arith.constant 0 : index
      %get3A_68 = tpu.vector_load %arg4[%get3A_66, %get3A_67] {strides = array<i32>} : memref<64x16xf32, #tpu.memory_space<vmem>>, vector<1x16xf32>,
      %get3A_69 = vector.shape_cast %get3A_68 : vector<1x16xf32> to vector<16xf32>
      %broadcast_in_dim3A_70 = arith.constant 4 : i32
      %broadcast_in_dim3A_71 = vector.broadcast %broadcast_in_dim3A_70 : i32 to vector<16xi32>
      %gt3A_72 = arith.cmpf ogt, %get3A_69, %select_n3A_63 : vector<16xf32>
      %gt3A_73 = arith.cmpf ogt, %get3A_69, %select_n3A_60 : vector<16xf32>
      %select_n3A_74 = arith.select %gt3A_73, %get3A_69, %select_n3A_60 : vector<16xi1>, vector<16xf32>
      %select_n3A_75 = arith.select %gt3A_72, %select_n3A_63, %select_n3A_74 : vector<16xi1>, vector<16xf32>
      %select_n3A_76 = arith.select %gt3A_73, %broadcast_in_dim3A_71, %select_n3A_62 : vector<16xi1>, vector<16xi32>
      %select_n3A_77 = arith.select %gt3A_72, %select_n3A_64, %select_n3A_76 : vector<16xi1>, vector<16xi32>
      %select_n3A_78 = arith.select %gt3A_72, %get3A_69, %select_n3A_63 : vector<16xi1>, vector<16xf32>
      %select_n3A_79 = arith.select %gt3A_72, %broadcast_in_dim3A_71, %select_n3A_64 : vector<16xi1>, vector<16xi32>
      %get3A_80 = arith.constant 5 : i32
      %get3A_81 = arith.index_cast %get3A_80 : i32 to index
      %get3A_82 = arith.constant 0 : index
      %get3A_83 = tpu.vector_load %arg4[%get3A_81, %get3A_82] {strides = array<i32>} : memref<64x16xf32, #tpu.memory_space<vmem>>, vector<1x16xf32>,
      %get3A_84 = vector.shape_cast %get3A_83 : vector<1x16xf32> to vector<16xf32>
      %broadcast_in_dim3A_85 = arith.constant 5 : i32
      %broadcast_in_dim3A_86 = vector.broadcast %broadcast_in_dim3A_85 : i32 to vector<16xi32>
      %gt3A_87 = arith.cmpf ogt, %get3A_84, %select_n3A_78 : vector<16xf32>
      %gt3A_88 = arith.cmpf ogt, %get3A_84, %select_n3A_75 : vector<16xf32>
      %select_n3A_89 = arith.select %gt3A_88, %get3A_84, %select_n3A_75 : vector<16xi1>, vector<16xf32>
      %select_n3A_90 = arith.select %gt3A_87, %select_n3A_78, %select_n3A_89 : vector<16xi1>, vector<16xf32>
      %select_n3A_91 = arith.select %gt3A_88, %broadcast_in_dim3A_86, %select_n3A_77 : vector<16xi1>, vector<16xi32>
      %select_n3A_92 = arith.select %gt3A_87, %select_n3A_79, %select_n3A_91 : vector<16xi1>, vector<16xi32>
      %select_n3A_93 = arith.select %gt3A_87, %get3A_84, %select_n3A_78 : vector<16xi1>, vector<16xf32>
      %select_n3A_94 = arith.select %gt3A_87, %broadcast_in_dim3A_86, %select_n3A_79 : vector<16xi1>, vector<16xi32>
      %get3A_95 = arith.constant 6 : i32
      %get3A_96 = arith.index_cast %get3A_95 : i32 to index
      %get3A_97 = arith.constant 0 : index
      %get3A_98 = tpu.vector_load %arg4[%get3A_96, %get3A_97] {strides = array<i32>} : memref<64x16xf32, #tpu.memory_space<vmem>>, vector<1x16xf32>,
      %get3A_99 = vector.shape_cast %get3A_98 : vector<1x16xf32> to vector<16xf32>
      %broadcast_in_dim3A_100 = arith.constant 6 : i32
      %broadcast_in_dim3A_101 = vector.broadcast %broadcast_in_dim3A_100 : i32 to vector<16xi32>
      %gt3A_102 = arith.cmpf ogt, %get3A_99, %select_n3A_93 : vector<16xf32>
      %gt3A_103 = arith.cmpf ogt, %get3A_99, %select_n3A_90 : vector<16xf32>
      %select_n3A_104 = arith.select %gt3A_103, %get3A_99, %select_n3A_90 : vector<16xi1>, vector<16xf32>
      %select_n3A_105 = arith.select %gt3A_102, %select_n3A_93, %select_n3A_104 : vector<16xi1>, vector<16xf32>
      %select_n3A_106 = arith.select %gt3A_103, %broadcast_in_dim3A_101, %select_n3A_92 : vector<16xi1>, vector<16xi32>
      %select_n3A_107 = arith.select %gt3A_102, %select_n3A_94, %select_n3A_106 : vector<16xi1>, vector<16xi32>
      %select_n3A_108 = arith.select %gt3A_102, %get3A_99, %select_n3A_93 : vector<16xi1>, vector<16xf32>
      %select_n3A_109 = arith.select %gt3A_102, %broadcast_in_dim3A_101, %select_n3A_94 : vector<16xi1>, vector<16xi32>
      %get3A_110 = arith.constant 7 : i32
      %get3A_111 = arith.index_cast %get3A_110 : i32 to index
      %get3A_112 = arith.constant 0 : index
      %get3A_113 = tpu.vector_load %arg4[%get3A_111, %get3A_112] {strides = array<i32>} : memref<64x16xf32, #tpu.memory_space<vmem>>, vector<1x16xf32>,
      %get3A_114 = vector.shape_cast %get3A_113 : vector<1x16xf32> to vector<16xf32>
      %broadcast_in_dim3A_115 = arith.constant 7 : i32
      %broadcast_in_dim3A_116 = vector.broadcast %broadcast_in_dim3A_115 : i32 to vector<16xi32>
      %gt3A_117 = arith.cmpf ogt, %get3A_114, %select_n3A_108 : vector<16xf32>
      %gt3A_118 = arith.cmpf ogt, %get3A_114, %select_n3A_105 : vector<16xf32>
      %select_n3A_119 = arith.select %gt3A_118, %get3A_114, %select_n3A_105 : vector<16xi1>, vector<16xf32>
      %select_n3A_120 = arith.select %gt3A_117, %select_n3A_108, %select_n3A_119 : vector<16xi1>, vector<16xf32>
      %select_n3A_121 = arith.select %gt3A_118, %broadcast_in_dim3A_116, %select_n3A_107 : vector<16xi1>, vector<16xi32>
      %select_n3A_122 = arith.select %gt3A_117, %select_n3A_109, %select_n3A_121 : vector<16xi1>, vector<16xi32>
      %select_n3A_123 = arith.select %gt3A_117, %get3A_114, %select_n3A_108 : vector<16xi1>, vector<16xf32>
      %select_n3A_124 = arith.select %gt3A_117, %broadcast_in_dim3A_116, %select_n3A_109 : vector<16xi1>, vector<16xi32>
      %get3A_125 = arith.constant 8 : i32
      %get3A_126 = arith.index_cast %get3A_125 : i32 to index
      %get3A_127 = arith.constant 0 : index
      %get3A_128 = tpu.vector_load %arg4[%get3A_126, %get3A_127] {strides = array<i32>} : memref<64x16xf32, #tpu.memory_space<vmem>>, vector<1x16xf32>,
      %get3A_129 = vector.shape_cast %get3A_128 : vector<1x16xf32> to vector<16xf32>
      %broadcast_in_dim3A_130 = arith.constant 8 : i32
      %broadcast_in_dim3A_131 = vector.broadcast %broadcast_in_dim3A_130 : i32 to vector<16xi32>
      %gt3A_132 = arith.cmpf ogt, %get3A_129, %select_n3A_123 : vector<16xf32>
      %gt3A_133 = arith.cmpf ogt, %get3A_129, %select_n3A_120 : vector<16xf32>
      %select_n3A_134 = arith.select %gt3A_133, %get3A_129, %select_n3A_120 : vector<16xi1>, vector<16xf32>
      %select_n3A_135 = arith.select %gt3A_132, %select_n3A_123, %select_n3A_134 : vector<16xi1>, vector<16xf32>
      %select_n3A_136 = arith.select %gt3A_133, %broadcast_in_dim3A_131, %select_n3A_122 : vector<16xi1>, vector<16xi32>
      %select_n3A_137 = arith.select %gt3A_132, %select_n3A_124, %select_n3A_136 : vector<16xi1>, vector<16xi32>
      %select_n3A_138 = arith.select %gt3A_132, %get3A_129, %select_n3A_123 : vector<16xi1>, vector<16xf32>
      %select_n3A_139 = arith.select %gt3A_132, %broadcast_in_dim3A_131, %select_n3A_124 : vector<16xi1>, vector<16xi32>
      %get3A_140 = arith.constant 9 : i32
      %get3A_141 = arith.index_cast %get3A_140 : i32 to index
      %get3A_142 = arith.constant 0 : index
      %get3A_143 = tpu.vector_load %arg4[%get3A_141, %get3A_142] {strides = array<i32>} : memref<64x16xf32, #tpu.memory_space<vmem>>, vector<1x16xf32>,
      %get3A_144 = vector.shape_cast %get3A_143 : vector<1x16xf32> to vector<16xf32>
      %broadcast_in_dim3A_145 = arith.constant 9 : i32
      %broadcast_in_dim3A_146 = vector.broadcast %broadcast_in_dim3A_145 : i32 to vector<16xi32>
      %gt3A_147 = arith.cmpf ogt, %get3A_144, %select_n3A_138 : vector<16xf32>
      %gt3A_148 = arith.cmpf ogt, %get3A_144, %select_n3A_135 : vector<16xf32>
      %select_n3A_149 = arith.select %gt3A_148, %get3A_144, %select_n3A_135 : vector<16xi1>, vector<16xf32>
      %select_n3A_150 = arith.select %gt3A_147, %select_n3A_138, %select_n3A_149 : vector<16xi1>, vector<16xf32>
      %select_n3A_151 = arith.select %gt3A_148, %broadcast_in_dim3A_146, %select_n3A_137 : vector<16xi1>, vector<16xi32>
      %select_n3A_152 = arith.select %gt3A_147, %select_n3A_139, %select_n3A_151 : vector<16xi1>, vector<16xi32>
      %select_n3A_153 = arith.select %gt3A_147, %get3A_144, %select_n3A_138 : vector<16xi1>, vector<16xf32>
      %select_n3A_154 = arith.select %gt3A_147, %broadcast_in_dim3A_146, %select_n3A_139 : vector<16xi1>, vector<16xi32>
      %get3A_155 = arith.constant 10 : i32
      %get3A_156 = arith.index_cast %get3A_155 : i32 to index
      %get3A_157 = arith.constant 0 : index
      %get3A_158 = tpu.vector_load %arg4[%get3A_156, %get3A_157] {strides = array<i32>} : memref<64x16xf32, #tpu.memory_space<vmem>>, vector<1x16xf32>,
      %get3A_159 = vector.shape_cast %get3A_158 : vector<1x16xf32> to vector<16xf32>
      %broadcast_in_dim3A_160 = arith.constant 10 : i32
      %broadcast_in_dim3A_161 = vector.broadcast %broadcast_in_dim3A_160 : i32 to vector<16xi32>
      %gt3A_162 = arith.cmpf ogt, %get3A_159, %select_n3A_153 : vector<16xf32>
      %gt3A_163 = arith.cmpf ogt, %get3A_159, %select_n3A_150 : vector<16xf32>
      %select_n3A_164 = arith.select %gt3A_163, %get3A_159, %select_n3A_150 : vector<16xi1>, vector<16xf32>
      %select_n3A_165 = arith.select %gt3A_162, %select_n3A_153, %select_n3A_164 : vector<16xi1>, vector<16xf32>
      %select_n3A_166 = arith.select %gt3A_163, %broadcast_in_dim3A_161, %select_n3A_152 : vector<16xi1>, vector<16xi32>
      %select_n3A_167 = arith.select %gt3A_162, %select_n3A_154, %select_n3A_166 : vector<16xi1>, vector<16xi32>
      %select_n3A_168 = arith.select %gt3A_162, %get3A_159, %select_n3A_153 : vector<16xi1>, vector<16xf32>
      %select_n3A_169 = arith.select %gt3A_162, %broadcast_in_dim3A_161, %select_n3A_154 : vector<16xi1>, vector<16xi32>
      %get3A_170 = arith.constant 11 : i32
      %get3A_171 = arith.index_cast %get3A_170 : i32 to index
      %get3A_172 = arith.constant 0 : index
      %get3A_173 = tpu.vector_load %arg4[%get3A_171, %get3A_172] {strides = array<i32>} : memref<64x16xf32, #tpu.memory_space<vmem>>, vector<1x16xf32>,
      %get3A_174 = vector.shape_cast %get3A_173 : vector<1x16xf32> to vector<16xf32>
      %broadcast_in_dim3A_175 = arith.constant 11 : i32
      %broadcast_in_dim3A_176 = vector.broadcast %broadcast_in_dim3A_175 : i32 to vector<16xi32>
      %gt3A_177 = arith.cmpf ogt, %get3A_174, %select_n3A_168 : vector<16xf32>
      %gt3A_178 = arith.cmpf ogt, %get3A_174, %select_n3A_165 : vector<16xf32>
      %select_n3A_179 = arith.select %gt3A_178, %get3A_174, %select_n3A_165 : vector<16xi1>, vector<16xf32>
      %select_n3A_180 = arith.select %gt3A_177, %select_n3A_168, %select_n3A_179 : vector<16xi1>, vector<16xf32>
      %select_n3A_181 = arith.select %gt3A_178, %broadcast_in_dim3A_176, %select_n3A_167 : vector<16xi1>, vector<16xi32>
      %select_n3A_182 = arith.select %gt3A_177, %select_n3A_169, %select_n3A_181 : vector<16xi1>, vector<16xi32>
      %select_n3A_183 = arith.select %gt3A_177, %get3A_174, %select_n3A_168 : vector<16xi1>, vector<16xf32>
      %select_n3A_184 = arith.select %gt3A_177, %broadcast_in_dim3A_176, %select_n3A_169 : vector<16xi1>, vector<16xi32>
      %get3A_185 = arith.constant 12 : i32
      %get3A_186 = arith.index_cast %get3A_185 : i32 to index
      %get3A_187 = arith.constant 0 : index
      %get3A_188 = tpu.vector_load %arg4[%get3A_186, %get3A_187] {strides = array<i32>} : memref<64x16xf32, #tpu.memory_space<vmem>>, vector<1x16xf32>,
      %get3A_189 = vector.shape_cast %get3A_188 : vector<1x16xf32> to vector<16xf32>
      %broadcast_in_dim3A_190 = arith.constant 12 : i32
      %broadcast_in_dim3A_191 = vector.broadcast %broadcast_in_dim3A_190 : i32 to vector<16xi32>
      %gt3A_192 = arith.cmpf ogt, %get3A_189, %select_n3A_183 : vector<16xf32>
      %gt3A_193 = arith.cmpf ogt, %get3A_189, %select_n3A_180 : vector<16xf32>
      %select_n3A_194 = arith.select %gt3A_193, %get3A_189, %select_n3A_180 : vector<16xi1>, vector<16xf32>
      %select_n3A_195 = arith.select %gt3A_192, %select_n3A_183, %select_n3A_194 : vector<16xi1>, vector<16xf32>
      %select_n3A_196 = arith.select %gt3A_193, %broadcast_in_dim3A_191, %select_n3A_182 : vector<16xi1>, vector<16xi32>
      %select_n3A_197 = arith.select %gt3A_192, %select_n3A_184, %select_n3A_196 : vector<16xi1>, vector<16xi32>
      %select_n3A_198 = arith.select %gt3A_192, %get3A_189, %select_n3A_183 : vector<16xi1>, vector<16xf32>
      %select_n3A_199 = arith.select %gt3A_192, %broadcast_in_dim3A_191, %select_n3A_184 : vector<16xi1>, vector<16xi32>
      %get3A_200 = arith.constant 13 : i32
      %get3A_201 = arith.index_cast %get3A_200 : i32 to index
      %get3A_202 = arith.constant 0 : index
      %get3A_203 = tpu.vector_load %arg4[%get3A_201, %get3A_202] {strides = array<i32>} : memref<64x16xf32, #tpu.memory_space<vmem>>, vector<1x16xf32>,
      %get3A_204 = vector.shape_cast %get3A_203 : vector<1x16xf32> to vector<16xf32>
      %broadcast_in_dim3A_205 = arith.constant 13 : i32
      %broadcast_in_dim3A_206 = vector.broadcast %broadcast_in_dim3A_205 : i32 to vector<16xi32>
      %gt3A_207 = arith.cmpf ogt, %get3A_204, %select_n3A_198 : vector<16xf32>
      %gt3A_208 = arith.cmpf ogt, %get3A_204, %select_n3A_195 : vector<16xf32>
      %select_n3A_209 = arith.select %gt3A_208, %get3A_204, %select_n3A_195 : vector<16xi1>, vector<16xf32>
      %select_n3A_210 = arith.select %gt3A_207, %select_n3A_198, %select_n3A_209 : vector<16xi1>, vector<16xf32>
      %select_n3A_211 = arith.select %gt3A_208, %broadcast_in_dim3A_206, %select_n3A_197 : vector<16xi1>, vector<16xi32>
      %select_n3A_212 = arith.select %gt3A_207, %select_n3A_199, %select_n3A_211 : vector<16xi1>, vector<16xi32>
      %select_n3A_213 = arith.select %gt3A_207, %get3A_204, %select_n3A_198 : vector<16xi1>, vector<16xf32>
      %select_n3A_214 = arith.select %gt3A_207, %broadcast_in_dim3A_206, %select_n3A_199 : vector<16xi1>, vector<16xi32>
      %get3A_215 = arith.constant 14 : i32
      %get3A_216 = arith.index_cast %get3A_215 : i32 to index
      %get3A_217 = arith.constant 0 : index
      %get3A_218 = tpu.vector_load %arg4[%get3A_216, %get3A_217] {strides = array<i32>} : memref<64x16xf32, #tpu.memory_space<vmem>>, vector<1x16xf32>,
      %get3A_219 = vector.shape_cast %get3A_218 : vector<1x16xf32> to vector<16xf32>
      %broadcast_in_dim3A_220 = arith.constant 14 : i32
      %broadcast_in_dim3A_221 = vector.broadcast %broadcast_in_dim3A_220 : i32 to vector<16xi32>
      %gt3A_222 = arith.cmpf ogt, %get3A_219, %select_n3A_213 : vector<16xf32>
      %gt3A_223 = arith.cmpf ogt, %get3A_219, %select_n3A_210 : vector<16xf32>
      %select_n3A_224 = arith.select %gt3A_223, %get3A_219, %select_n3A_210 : vector<16xi1>, vector<16xf32>
      %select_n3A_225 = arith.select %gt3A_222, %select_n3A_213, %select_n3A_224 : vector<16xi1>, vector<16xf32>
      %select_n3A_226 = arith.select %gt3A_223, %broadcast_in_dim3A_221, %select_n3A_212 : vector<16xi1>, vector<16xi32>
      %select_n3A_227 = arith.select %gt3A_222, %select_n3A_214, %select_n3A_226 : vector<16xi1>, vector<16xi32>
      %select_n3A_228 = arith.select %gt3A_222, %get3A_219, %select_n3A_213 : vector<16xi1>, vector<16xf32>
      %select_n3A_229 = arith.select %gt3A_222, %broadcast_in_dim3A_221, %select_n3A_214 : vector<16xi1>, vector<16xi32>
      %get3A_230 = arith.constant 15 : i32
      %get3A_231 = arith.index_cast %get3A_230 : i32 to index
      %get3A_232 = arith.constant 0 : index
      %get3A_233 = tpu.vector_load %arg4[%get3A_231, %get3A_232] {strides = array<i32>} : memref<64x16xf32, #tpu.memory_space<vmem>>, vector<1x16xf32>,
      %get3A_234 = vector.shape_cast %get3A_233 : vector<1x16xf32> to vector<16xf32>
      %broadcast_in_dim3A_235 = arith.constant 15 : i32
      %broadcast_in_dim3A_236 = vector.broadcast %broadcast_in_dim3A_235 : i32 to vector<16xi32>
      %gt3A_237 = arith.cmpf ogt, %get3A_234, %select_n3A_228 : vector<16xf32>
      %gt3A_238 = arith.cmpf ogt, %get3A_234, %select_n3A_225 : vector<16xf32>
      %select_n3A_239 = arith.select %gt3A_238, %get3A_234, %select_n3A_225 : vector<16xi1>, vector<16xf32>
      %select_n3A_240 = arith.select %gt3A_237, %select_n3A_228, %select_n3A_239 : vector<16xi1>, vector<16xf32>
      %select_n3A_241 = arith.select %gt3A_238, %broadcast_in_dim3A_236, %select_n3A_227 : vector<16xi1>, vector<16xi32>
      %select_n3A_242 = arith.select %gt3A_237, %select_n3A_229, %select_n3A_241 : vector<16xi1>, vector<16xi32>
      %select_n3A_243 = arith.select %gt3A_237, %get3A_234, %select_n3A_228 : vector<16xi1>, vector<16xf32>
      %select_n3A_244 = arith.select %gt3A_237, %broadcast_in_dim3A_236, %select_n3A_229 : vector<16xi1>, vector<16xi32>
      %get3A_245 = arith.constant 16 : i32
      %get3A_246 = arith.index_cast %get3A_245 : i32 to index
      %get3A_247 = arith.constant 0 : index
      %get3A_248 = tpu.vector_load %arg4[%get3A_246, %get3A_247] {strides = array<i32>} : memref<64x16xf32, #tpu.memory_space<vmem>>, vector<1x16xf32>,
      %get3A_249 = vector.shape_cast %get3A_248 : vector<1x16xf32> to vector<16xf32>
      %broadcast_in_dim3A_250 = arith.constant 16 : i32
      %broadcast_in_dim3A_251 = vector.broadcast %broadcast_in_dim3A_250 : i32 to vector<16xi32>
      %gt3A_252 = arith.cmpf ogt, %get3A_249, %select_n3A_243 : vector<16xf32>
      %gt3A_253 = arith.cmpf ogt, %get3A_249, %select_n3A_240 : vector<16xf32>
      %select_n3A_254 = arith.select %gt3A_253, %get3A_249, %select_n3A_240 : vector<16xi1>, vector<16xf32>
      %select_n3A_255 = arith.select %gt3A_252, %select_n3A_243, %select_n3A_254 : vector<16xi1>, vector<16xf32>
      %select_n3A_256 = arith.select %gt3A_253, %broadcast_in_dim3A_251, %select_n3A_242 : vector<16xi1>, vector<16xi32>
      %select_n3A_257 = arith.select %gt3A_252, %select_n3A_244, %select_n3A_256 : vector<16xi1>, vector<16xi32>
      %select_n3A_258 = arith.select %gt3A_252, %get3A_249, %select_n3A_243 : vector<16xi1>, vector<16xf32>
      %select_n3A_259 = arith.select %gt3A_252, %broadcast_in_dim3A_251, %select_n3A_244 : vector<16xi1>, vector<16xi32>
      %get3A_260 = arith.constant 17 : i32
      %get3A_261 = arith.index_cast %get3A_260 : i32 to index
      %get3A_262 = arith.constant 0 : index
      %get3A_263 = tpu.vector_load %arg4[%get3A_261, %get3A_262] {strides = array<i32>} : memref<64x16xf32, #tpu.memory_space<vmem>>, vector<1x16xf32>,
      %get3A_264 = vector.shape_cast %get3A_263 : vector<1x16xf32> to vector<16xf32>
      %broadcast_in_dim3A_265 = arith.constant 17 : i32
      %broadcast_in_dim3A_266 = vector.broadcast %broadcast_in_dim3A_265 : i32 to vector<16xi32>
      %gt3A_267 = arith.cmpf ogt, %get3A_264, %select_n3A_258 : vector<16xf32>
      %gt3A_268 = arith.cmpf ogt, %get3A_264, %select_n3A_255 : vector<16xf32>
      %select_n3A_269 = arith.select %gt3A_268, %get3A_264, %select_n3A_255 : vector<16xi1>, vector<16xf32>
      %select_n3A_270 = arith.select %gt3A_267, %select_n3A_258, %select_n3A_269 : vector<16xi1>, vector<16xf32>
      %select_n3A_271 = arith.select %gt3A_268, %broadcast_in_dim3A_266, %select_n3A_257 : vector<16xi1>, vector<16xi32>
      %select_n3A_272 = arith.select %gt3A_267, %select_n3A_259, %select_n3A_271 : vector<16xi1>, vector<16xi32>
      %select_n3A_273 = arith.select %gt3A_267, %get3A_264, %select_n3A_258 : vector<16xi1>, vector<16xf32>
      %select_n3A_274 = arith.select %gt3A_267, %broadcast_in_dim3A_266, %select_n3A_259 : vector<16xi1>, vector<16xi32>
      %get3A_275 = arith.constant 18 : i32
      %get3A_276 = arith.index_cast %get3A_275 : i32 to index
      %get3A_277 = arith.constant 0 : index
      %get3A_278 = tpu.vector_load %arg4[%get3A_276, %get3A_277] {strides = array<i32>} : memref<64x16xf32, #tpu.memory_space<vmem>>, vector<1x16xf32>,
      %get3A_279 = vector.shape_cast %get3A_278 : vector<1x16xf32> to vector<16xf32>
      %broadcast_in_dim3A_280 = arith.constant 18 : i32
      %broadcast_in_dim3A_281 = vector.broadcast %broadcast_in_dim3A_280 : i32 to vector<16xi32>
      %gt3A_282 = arith.cmpf ogt, %get3A_279, %select_n3A_273 : vector<16xf32>
      %gt3A_283 = arith.cmpf ogt, %get3A_279, %select_n3A_270 : vector<16xf32>
      %select_n3A_284 = arith.select %gt3A_283, %get3A_279, %select_n3A_270 : vector<16xi1>, vector<16xf32>
      %select_n3A_285 = arith.select %gt3A_282, %select_n3A_273, %select_n3A_284 : vector<16xi1>, vector<16xf32>
      %select_n3A_286 = arith.select %gt3A_283, %broadcast_in_dim3A_281, %select_n3A_272 : vector<16xi1>, vector<16xi32>
      %select_n3A_287 = arith.select %gt3A_282, %select_n3A_274, %select_n3A_286 : vector<16xi1>, vector<16xi32>
      %select_n3A_288 = arith.select %gt3A_282, %get3A_279, %select_n3A_273 : vector<16xi1>, vector<16xf32>
      %select_n3A_289 = arith.select %gt3A_282, %broadcast_in_dim3A_281, %select_n3A_274 : vector<16xi1>, vector<16xi32>
      %get3A_290 = arith.constant 19 : i32
      %get3A_291 = arith.index_cast %get3A_290 : i32 to index
      %get3A_292 = arith.constant 0 : index
      %get3A_293 = tpu.vector_load %arg4[%get3A_291, %get3A_292] {strides = array<i32>} : memref<64x16xf32, #tpu.memory_space<vmem>>, vector<1x16xf32>,
      %get3A_294 = vector.shape_cast %get3A_293 : vector<1x16xf32> to vector<16xf32>
      %broadcast_in_dim3A_295 = arith.constant 19 : i32
      %broadcast_in_dim3A_296 = vector.broadcast %broadcast_in_dim3A_295 : i32 to vector<16xi32>
      %gt3A_297 = arith.cmpf ogt, %get3A_294, %select_n3A_288 : vector<16xf32>
      %gt3A_298 = arith.cmpf ogt, %get3A_294, %select_n3A_285 : vector<16xf32>
      %select_n3A_299 = arith.select %gt3A_298, %get3A_294, %select_n3A_285 : vector<16xi1>, vector<16xf32>
      %select_n3A_300 = arith.select %gt3A_297, %select_n3A_288, %select_n3A_299 : vector<16xi1>, vector<16xf32>
      %select_n3A_301 = arith.select %gt3A_298, %broadcast_in_dim3A_296, %select_n3A_287 : vector<16xi1>, vector<16xi32>
      %select_n3A_302 = arith.select %gt3A_297, %select_n3A_289, %select_n3A_301 : vector<16xi1>, vector<16xi32>
      %select_n3A_303 = arith.select %gt3A_297, %get3A_294, %select_n3A_288 : vector<16xi1>, vector<16xf32>
      %select_n3A_304 = arith.select %gt3A_297, %broadcast_in_dim3A_296, %select_n3A_289 : vector<16xi1>, vector<16xi32>
      %get3A_305 = arith.constant 20 : i32
      %get3A_306 = arith.index_cast %get3A_305 : i32 to index
      %get3A_307 = arith.constant 0 : index
      %get3A_308 = tpu.vector_load %arg4[%get3A_306, %get3A_307] {strides = array<i32>} : memref<64x16xf32, #tpu.memory_space<vmem>>, vector<1x16xf32>,
      %get3A_309 = vector.shape_cast %get3A_308 : vector<1x16xf32> to vector<16xf32>
      %broadcast_in_dim3A_310 = arith.constant 20 : i32
      %broadcast_in_dim3A_311 = vector.broadcast %broadcast_in_dim3A_310 : i32 to vector<16xi32>
      %gt3A_312 = arith.cmpf ogt, %get3A_309, %select_n3A_303 : vector<16xf32>
      %gt3A_313 = arith.cmpf ogt, %get3A_309, %select_n3A_300 : vector<16xf32>
      %select_n3A_314 = arith.select %gt3A_313, %get3A_309, %select_n3A_300 : vector<16xi1>, vector<16xf32>
      %select_n3A_315 = arith.select %gt3A_312, %select_n3A_303, %select_n3A_314 : vector<16xi1>, vector<16xf32>
      %select_n3A_316 = arith.select %gt3A_313, %broadcast_in_dim3A_311, %select_n3A_302 : vector<16xi1>, vector<16xi32>
      %select_n3A_317 = arith.select %gt3A_312, %select_n3A_304, %select_n3A_316 : vector<16xi1>, vector<16xi32>
      %select_n3A_318 = arith.select %gt3A_312, %get3A_309, %select_n3A_303 : vector<16xi1>, vector<16xf32>
      %select_n3A_319 = arith.select %gt3A_312, %broadcast_in_dim3A_311, %select_n3A_304 : vector<16xi1>, vector<16xi32>
      %get3A_320 = arith.constant 21 : i32
      %get3A_321 = arith.index_cast %get3A_320 : i32 to index
      %get3A_322 = arith.constant 0 : index
      %get3A_323 = tpu.vector_load %arg4[%get3A_321, %get3A_322] {strides = array<i32>} : memref<64x16xf32, #tpu.memory_space<vmem>>, vector<1x16xf32>,
      %get3A_324 = vector.shape_cast %get3A_323 : vector<1x16xf32> to vector<16xf32>
      %broadcast_in_dim3A_325 = arith.constant 21 : i32
      %broadcast_in_dim3A_326 = vector.broadcast %broadcast_in_dim3A_325 : i32 to vector<16xi32>
      %gt3A_327 = arith.cmpf ogt, %get3A_324, %select_n3A_318 : vector<16xf32>
      %gt3A_328 = arith.cmpf ogt, %get3A_324, %select_n3A_315 : vector<16xf32>
      %select_n3A_329 = arith.select %gt3A_328, %get3A_324, %select_n3A_315 : vector<16xi1>, vector<16xf32>
      %select_n3A_330 = arith.select %gt3A_327, %select_n3A_318, %select_n3A_329 : vector<16xi1>, vector<16xf32>
      %select_n3A_331 = arith.select %gt3A_328, %broadcast_in_dim3A_326, %select_n3A_317 : vector<16xi1>, vector<16xi32>
      %select_n3A_332 = arith.select %gt3A_327, %select_n3A_319, %select_n3A_331 : vector<16xi1>, vector<16xi32>
      %select_n3A_333 = arith.select %gt3A_327, %get3A_324, %select_n3A_318 : vector<16xi1>, vector<16xf32>
      %select_n3A_334 = arith.select %gt3A_327, %broadcast_in_dim3A_326, %select_n3A_319 : vector<16xi1>, vector<16xi32>
      %get3A_335 = arith.constant 22 : i32
      %get3A_336 = arith.index_cast %get3A_335 : i32 to index
      %get3A_337 = arith.constant 0 : index
      %get3A_338 = tpu.vector_load %arg4[%get3A_336, %get3A_337] {strides = array<i32>} : memref<64x16xf32, #tpu.memory_space<vmem>>, vector<1x16xf32>,
      %get3A_339 = vector.shape_cast %get3A_338 : vector<1x16xf32> to vector<16xf32>
      %broadcast_in_dim3A_340 = arith.constant 22 : i32
      %broadcast_in_dim3A_341 = vector.broadcast %broadcast_in_dim3A_340 : i32 to vector<16xi32>
      %gt3A_342 = arith.cmpf ogt, %get3A_339, %select_n3A_333 : vector<16xf32>
      %gt3A_343 = arith.cmpf ogt, %get3A_339, %select_n3A_330 : vector<16xf32>
      %select_n3A_344 = arith.select %gt3A_343, %get3A_339, %select_n3A_330 : vector<16xi1>, vector<16xf32>
      %select_n3A_345 = arith.select %gt3A_342, %select_n3A_333, %select_n3A_344 : vector<16xi1>, vector<16xf32>
      %select_n3A_346 = arith.select %gt3A_343, %broadcast_in_dim3A_341, %select_n3A_332 : vector<16xi1>, vector<16xi32>
      %select_n3A_347 = arith.select %gt3A_342, %select_n3A_334, %select_n3A_346 : vector<16xi1>, vector<16xi32>
      %select_n3A_348 = arith.select %gt3A_342, %get3A_339, %select_n3A_333 : vector<16xi1>, vector<16xf32>
      %select_n3A_349 = arith.select %gt3A_342, %broadcast_in_dim3A_341, %select_n3A_334 : vector<16xi1>, vector<16xi32>
      %get3A_350 = arith.constant 23 : i32
      %get3A_351 = arith.index_cast %get3A_350 : i32 to index
      %get3A_352 = arith.constant 0 : index
      %get3A_353 = tpu.vector_load %arg4[%get3A_351, %get3A_352] {strides = array<i32>} : memref<64x16xf32, #tpu.memory_space<vmem>>, vector<1x16xf32>,
      %get3A_354 = vector.shape_cast %get3A_353 : vector<1x16xf32> to vector<16xf32>
      %broadcast_in_dim3A_355 = arith.constant 23 : i32
      %broadcast_in_dim3A_356 = vector.broadcast %broadcast_in_dim3A_355 : i32 to vector<16xi32>
      %gt3A_357 = arith.cmpf ogt, %get3A_354, %select_n3A_348 : vector<16xf32>
      %gt3A_358 = arith.cmpf ogt, %get3A_354, %select_n3A_345 : vector<16xf32>
      %select_n3A_359 = arith.select %gt3A_358, %get3A_354, %select_n3A_345 : vector<16xi1>, vector<16xf32>
      %select_n3A_360 = arith.select %gt3A_357, %select_n3A_348, %select_n3A_359 : vector<16xi1>, vector<16xf32>
      %select_n3A_361 = arith.select %gt3A_358, %broadcast_in_dim3A_356, %select_n3A_347 : vector<16xi1>, vector<16xi32>
      %select_n3A_362 = arith.select %gt3A_357, %select_n3A_349, %select_n3A_361 : vector<16xi1>, vector<16xi32>
      %select_n3A_363 = arith.select %gt3A_357, %get3A_354, %select_n3A_348 : vector<16xi1>, vector<16xf32>
      %select_n3A_364 = arith.select %gt3A_357, %broadcast_in_dim3A_356, %select_n3A_349 : vector<16xi1>, vector<16xi32>
      %get3A_365 = arith.constant 24 : i32
      %get3A_366 = arith.index_cast %get3A_365 : i32 to index
      %get3A_367 = arith.constant 0 : index
      %get3A_368 = tpu.vector_load %arg4[%get3A_366, %get3A_367] {strides = array<i32>} : memref<64x16xf32, #tpu.memory_space<vmem>>, vector<1x16xf32>,
      %get3A_369 = vector.shape_cast %get3A_368 : vector<1x16xf32> to vector<16xf32>
      %broadcast_in_dim3A_370 = arith.constant 24 : i32
      %broadcast_in_dim3A_371 = vector.broadcast %broadcast_in_dim3A_370 : i32 to vector<16xi32>
      %gt3A_372 = arith.cmpf ogt, %get3A_369, %select_n3A_363 : vector<16xf32>
      %gt3A_373 = arith.cmpf ogt, %get3A_369, %select_n3A_360 : vector<16xf32>
      %select_n3A_374 = arith.select %gt3A_373, %get3A_369, %select_n3A_360 : vector<16xi1>, vector<16xf32>
      %select_n3A_375 = arith.select %gt3A_372, %select_n3A_363, %select_n3A_374 : vector<16xi1>, vector<16xf32>
      %select_n3A_376 = arith.select %gt3A_373, %broadcast_in_dim3A_371, %select_n3A_362 : vector<16xi1>, vector<16xi32>
      %select_n3A_377 = arith.select %gt3A_372, %select_n3A_364, %select_n3A_376 : vector<16xi1>, vector<16xi32>
      %select_n3A_378 = arith.select %gt3A_372, %get3A_369, %select_n3A_363 : vector<16xi1>, vector<16xf32>
      %select_n3A_379 = arith.select %gt3A_372, %broadcast_in_dim3A_371, %select_n3A_364 : vector<16xi1>, vector<16xi32>
      %get3A_380 = arith.constant 25 : i32
      %get3A_381 = arith.index_cast %get3A_380 : i32 to index
      %get3A_382 = arith.constant 0 : index
      %get3A_383 = tpu.vector_load %arg4[%get3A_381, %get3A_382] {strides = array<i32>} : memref<64x16xf32, #tpu.memory_space<vmem>>, vector<1x16xf32>,
      %get3A_384 = vector.shape_cast %get3A_383 : vector<1x16xf32> to vector<16xf32>
      %broadcast_in_dim3A_385 = arith.constant 25 : i32
      %broadcast_in_dim3A_386 = vector.broadcast %broadcast_in_dim3A_385 : i32 to vector<16xi32>
      %gt3A_387 = arith.cmpf ogt, %get3A_384, %select_n3A_378 : vector<16xf32>
      %gt3A_388 = arith.cmpf ogt, %get3A_384, %select_n3A_375 : vector<16xf32>
      %select_n3A_389 = arith.select %gt3A_388, %get3A_384, %select_n3A_375 : vector<16xi1>, vector<16xf32>
      %select_n3A_390 = arith.select %gt3A_387, %select_n3A_378, %select_n3A_389 : vector<16xi1>, vector<16xf32>
      %select_n3A_391 = arith.select %gt3A_388, %broadcast_in_dim3A_386, %select_n3A_377 : vector<16xi1>, vector<16xi32>
      %select_n3A_392 = arith.select %gt3A_387, %select_n3A_379, %select_n3A_391 : vector<16xi1>, vector<16xi32>
      %select_n3A_393 = arith.select %gt3A_387, %get3A_384, %select_n3A_378 : vector<16xi1>, vector<16xf32>
      %select_n3A_394 = arith.select %gt3A_387, %broadcast_in_dim3A_386, %select_n3A_379 : vector<16xi1>, vector<16xi32>
      %get3A_395 = arith.constant 26 : i32
      %get3A_396 = arith.index_cast %get3A_395 : i32 to index
      %get3A_397 = arith.constant 0 : index
      %get3A_398 = tpu.vector_load %arg4[%get3A_396, %get3A_397] {strides = array<i32>} : memref<64x16xf32, #tpu.memory_space<vmem>>, vector<1x16xf32>,
      %get3A_399 = vector.shape_cast %get3A_398 : vector<1x16xf32> to vector<16xf32>
      %broadcast_in_dim3A_400 = arith.constant 26 : i32
      %broadcast_in_dim3A_401 = vector.broadcast %broadcast_in_dim3A_400 : i32 to vector<16xi32>
      %gt3A_402 = arith.cmpf ogt, %get3A_399, %select_n3A_393 : vector<16xf32>
      %gt3A_403 = arith.cmpf ogt, %get3A_399, %select_n3A_390 : vector<16xf32>
      %select_n3A_404 = arith.select %gt3A_403, %get3A_399, %select_n3A_390 : vector<16xi1>, vector<16xf32>
      %select_n3A_405 = arith.select %gt3A_402, %select_n3A_393, %select_n3A_404 : vector<16xi1>, vector<16xf32>
      %select_n3A_406 = arith.select %gt3A_403, %broadcast_in_dim3A_401, %select_n3A_392 : vector<16xi1>, vector<16xi32>
      %select_n3A_407 = arith.select %gt3A_402, %select_n3A_394, %select_n3A_406 : vector<16xi1>, vector<16xi32>
      %select_n3A_408 = arith.select %gt3A_402, %get3A_399, %select_n3A_393 : vector<16xi1>, vector<16xf32>
      %select_n3A_409 = arith.select %gt3A_402, %broadcast_in_dim3A_401, %select_n3A_394 : vector<16xi1>, vector<16xi32>
      %get3A_410 = arith.constant 27 : i32
      %get3A_411 = arith.index_cast %get3A_410 : i32 to index
      %get3A_412 = arith.constant 0 : index
      %get3A_413 = tpu.vector_load %arg4[%get3A_411, %get3A_412] {strides = array<i32>} : memref<64x16xf32, #tpu.memory_space<vmem>>, vector<1x16xf32>,
      %get3A_414 = vector.shape_cast %get3A_413 : vector<1x16xf32> to vector<16xf32>
      %broadcast_in_dim3A_415 = arith.constant 27 : i32
      %broadcast_in_dim3A_416 = vector.broadcast %broadcast_in_dim3A_415 : i32 to vector<16xi32>
      %gt3A_417 = arith.cmpf ogt, %get3A_414, %select_n3A_408 : vector<16xf32>
      %gt3A_418 = arith.cmpf ogt, %get3A_414, %select_n3A_405 : vector<16xf32>
      %select_n3A_419 = arith.select %gt3A_418, %get3A_414, %select_n3A_405 : vector<16xi1>, vector<16xf32>
      %select_n3A_420 = arith.select %gt3A_417, %select_n3A_408, %select_n3A_419 : vector<16xi1>, vector<16xf32>
      %select_n3A_421 = arith.select %gt3A_418, %broadcast_in_dim3A_416, %select_n3A_407 : vector<16xi1>, vector<16xi32>
      %select_n3A_422 = arith.select %gt3A_417, %select_n3A_409, %select_n3A_421 : vector<16xi1>, vector<16xi32>
      %select_n3A_423 = arith.select %gt3A_417, %get3A_414, %select_n3A_408 : vector<16xi1>, vector<16xf32>
      %select_n3A_424 = arith.select %gt3A_417, %broadcast_in_dim3A_416, %select_n3A_409 : vector<16xi1>, vector<16xi32>
      %get3A_425 = arith.constant 28 : i32
      %get3A_426 = arith.index_cast %get3A_425 : i32 to index
      %get3A_427 = arith.constant 0 : index
      %get3A_428 = tpu.vector_load %arg4[%get3A_426, %get3A_427] {strides = array<i32>} : memref<64x16xf32, #tpu.memory_space<vmem>>, vector<1x16xf32>,
      %get3A_429 = vector.shape_cast %get3A_428 : vector<1x16xf32> to vector<16xf32>
      %broadcast_in_dim3A_430 = arith.constant 28 : i32
      %broadcast_in_dim3A_431 = vector.broadcast %broadcast_in_dim3A_430 : i32 to vector<16xi32>
      %gt3A_432 = arith.cmpf ogt, %get3A_429, %select_n3A_423 : vector<16xf32>
      %gt3A_433 = arith.cmpf ogt, %get3A_429, %select_n3A_420 : vector<16xf32>
      %select_n3A_434 = arith.select %gt3A_433, %get3A_429, %select_n3A_420 : vector<16xi1>, vector<16xf32>
      %select_n3A_435 = arith.select %gt3A_432, %select_n3A_423, %select_n3A_434 : vector<16xi1>, vector<16xf32>
      %select_n3A_436 = arith.select %gt3A_433, %broadcast_in_dim3A_431, %select_n3A_422 : vector<16xi1>, vector<16xi32>
      %select_n3A_437 = arith.select %gt3A_432, %select_n3A_424, %select_n3A_436 : vector<16xi1>, vector<16xi32>
      %select_n3A_438 = arith.select %gt3A_432, %get3A_429, %select_n3A_423 : vector<16xi1>, vector<16xf32>
      %select_n3A_439 = arith.select %gt3A_432, %broadcast_in_dim3A_431, %select_n3A_424 : vector<16xi1>, vector<16xi32>
      %get3A_440 = arith.constant 29 : i32
      %get3A_441 = arith.index_cast %get3A_440 : i32 to index
      %get3A_442 = arith.constant 0 : index
      %get3A_443 = tpu.vector_load %arg4[%get3A_441, %get3A_442] {strides = array<i32>} : memref<64x16xf32, #tpu.memory_space<vmem>>, vector<1x16xf32>,
      %get3A_444 = vector.shape_cast %get3A_443 : vector<1x16xf32> to vector<16xf32>
      %broadcast_in_dim3A_445 = arith.constant 29 : i32
      %broadcast_in_dim3A_446 = vector.broadcast %broadcast_in_dim3A_445 : i32 to vector<16xi32>
      %gt3A_447 = arith.cmpf ogt, %get3A_444, %select_n3A_438 : vector<16xf32>
      %gt3A_448 = arith.cmpf ogt, %get3A_444, %select_n3A_435 : vector<16xf32>
      %select_n3A_449 = arith.select %gt3A_448, %get3A_444, %select_n3A_435 : vector<16xi1>, vector<16xf32>
      %select_n3A_450 = arith.select %gt3A_447, %select_n3A_438, %select_n3A_449 : vector<16xi1>, vector<16xf32>
      %select_n3A_451 = arith.select %gt3A_448, %broadcast_in_dim3A_446, %select_n3A_437 : vector<16xi1>, vector<16xi32>
      %select_n3A_452 = arith.select %gt3A_447, %select_n3A_439, %select_n3A_451 : vector<16xi1>, vector<16xi32>
      %select_n3A_453 = arith.select %gt3A_447, %get3A_444, %select_n3A_438 : vector<16xi1>, vector<16xf32>
      %select_n3A_454 = arith.select %gt3A_447, %broadcast_in_dim3A_446, %select_n3A_439 : vector<16xi1>, vector<16xi32>
      %get3A_455 = arith.constant 30 : i32
      %get3A_456 = arith.index_cast %get3A_455 : i32 to index
      %get3A_457 = arith.constant 0 : index
      %get3A_458 = tpu.vector_load %arg4[%get3A_456, %get3A_457] {strides = array<i32>} : memref<64x16xf32, #tpu.memory_space<vmem>>, vector<1x16xf32>,
      %get3A_459 = vector.shape_cast %get3A_458 : vector<1x16xf32> to vector<16xf32>
      %broadcast_in_dim3A_460 = arith.constant 30 : i32
      %broadcast_in_dim3A_461 = vector.broadcast %broadcast_in_dim3A_460 : i32 to vector<16xi32>
      %gt3A_462 = arith.cmpf ogt, %get3A_459, %select_n3A_453 : vector<16xf32>
      %gt3A_463 = arith.cmpf ogt, %get3A_459, %select_n3A_450 : vector<16xf32>
      %select_n3A_464 = arith.select %gt3A_463, %get3A_459, %select_n3A_450 : vector<16xi1>, vector<16xf32>
      %select_n3A_465 = arith.select %gt3A_462, %select_n3A_453, %select_n3A_464 : vector<16xi1>, vector<16xf32>
      %select_n3A_466 = arith.select %gt3A_463, %broadcast_in_dim3A_461, %select_n3A_452 : vector<16xi1>, vector<16xi32>
      %select_n3A_467 = arith.select %gt3A_462, %select_n3A_454, %select_n3A_466 : vector<16xi1>, vector<16xi32>
      %select_n3A_468 = arith.select %gt3A_462, %get3A_459, %select_n3A_453 : vector<16xi1>, vector<16xf32>
      %select_n3A_469 = arith.select %gt3A_462, %broadcast_in_dim3A_461, %select_n3A_454 : vector<16xi1>, vector<16xi32>
      %get3A_470 = arith.constant 31 : i32
      %get3A_471 = arith.index_cast %get3A_470 : i32 to index
      %get3A_472 = arith.constant 0 : index
      %get3A_473 = tpu.vector_load %arg4[%get3A_471, %get3A_472] {strides = array<i32>} : memref<64x16xf32, #tpu.memory_space<vmem>>, vector<1x16xf32>,
      %get3A_474 = vector.shape_cast %get3A_473 : vector<1x16xf32> to vector<16xf32>
      %broadcast_in_dim3A_475 = arith.constant 31 : i32
      %broadcast_in_dim3A_476 = vector.broadcast %broadcast_in_dim3A_475 : i32 to vector<16xi32>
      %gt3A_477 = arith.cmpf ogt, %get3A_474, %select_n3A_468 : vector<16xf32>
      %gt3A_478 = arith.cmpf ogt, %get3A_474, %select_n3A_465 : vector<16xf32>
      %select_n3A_479 = arith.select %gt3A_478, %get3A_474, %select_n3A_465 : vector<16xi1>, vector<16xf32>
      %select_n3A_480 = arith.select %gt3A_477, %select_n3A_468, %select_n3A_479 : vector<16xi1>, vector<16xf32>
      %select_n3A_481 = arith.select %gt3A_478, %broadcast_in_dim3A_476, %select_n3A_467 : vector<16xi1>, vector<16xi32>
      %select_n3A_482 = arith.select %gt3A_477, %select_n3A_469, %select_n3A_481 : vector<16xi1>, vector<16xi32>
      %select_n3A_483 = arith.select %gt3A_477, %get3A_474, %select_n3A_468 : vector<16xi1>, vector<16xf32>
      %select_n3A_484 = arith.select %gt3A_477, %broadcast_in_dim3A_476, %select_n3A_469 : vector<16xi1>, vector<16xi32>
      %get3A_485 = arith.constant 32 : i32
      %get3A_486 = arith.index_cast %get3A_485 : i32 to index
      %get3A_487 = arith.constant 0 : index
      %get3A_488 = tpu.vector_load %arg4[%get3A_486, %get3A_487] {strides = array<i32>} : memref<64x16xf32, #tpu.memory_space<vmem>>, vector<1x16xf32>,
      %get3A_489 = vector.shape_cast %get3A_488 : vector<1x16xf32> to vector<16xf32>
      %broadcast_in_dim3A_490 = arith.constant 32 : i32
      %broadcast_in_dim3A_491 = vector.broadcast %broadcast_in_dim3A_490 : i32 to vector<16xi32>
      %gt3A_492 = arith.cmpf ogt, %get3A_489, %select_n3A_483 : vector<16xf32>
      %gt3A_493 = arith.cmpf ogt, %get3A_489, %select_n3A_480 : vector<16xf32>
      %select_n3A_494 = arith.select %gt3A_493, %get3A_489, %select_n3A_480 : vector<16xi1>, vector<16xf32>
      %select_n3A_495 = arith.select %gt3A_492, %select_n3A_483, %select_n3A_494 : vector<16xi1>, vector<16xf32>
      %select_n3A_496 = arith.select %gt3A_493, %broadcast_in_dim3A_491, %select_n3A_482 : vector<16xi1>, vector<16xi32>
      %select_n3A_497 = arith.select %gt3A_492, %select_n3A_484, %select_n3A_496 : vector<16xi1>, vector<16xi32>
      %select_n3A_498 = arith.select %gt3A_492, %get3A_489, %select_n3A_483 : vector<16xi1>, vector<16xf32>
      %select_n3A_499 = arith.select %gt3A_492, %broadcast_in_dim3A_491, %select_n3A_484 : vector<16xi1>, vector<16xi32>
      %get3A_500 = arith.constant 33 : i32
      %get3A_501 = arith.index_cast %get3A_500 : i32 to index
      %get3A_502 = arith.constant 0 : index
      %get3A_503 = tpu.vector_load %arg4[%get3A_501, %get3A_502] {strides = array<i32>} : memref<64x16xf32, #tpu.memory_space<vmem>>, vector<1x16xf32>,
      %get3A_504 = vector.shape_cast %get3A_503 : vector<1x16xf32> to vector<16xf32>
      %broadcast_in_dim3A_505 = arith.constant 33 : i32
      %broadcast_in_dim3A_506 = vector.broadcast %broadcast_in_dim3A_505 : i32 to vector<16xi32>
      %gt3A_507 = arith.cmpf ogt, %get3A_504, %select_n3A_498 : vector<16xf32>
      %gt3A_508 = arith.cmpf ogt, %get3A_504, %select_n3A_495 : vector<16xf32>
      %select_n3A_509 = arith.select %gt3A_508, %get3A_504, %select_n3A_495 : vector<16xi1>, vector<16xf32>
      %select_n3A_510 = arith.select %gt3A_507, %select_n3A_498, %select_n3A_509 : vector<16xi1>, vector<16xf32>
      %select_n3A_511 = arith.select %gt3A_508, %broadcast_in_dim3A_506, %select_n3A_497 : vector<16xi1>, vector<16xi32>
      %select_n3A_512 = arith.select %gt3A_507, %select_n3A_499, %select_n3A_511 : vector<16xi1>, vector<16xi32>
      %select_n3A_513 = arith.select %gt3A_507, %get3A_504, %select_n3A_498 : vector<16xi1>, vector<16xf32>
      %select_n3A_514 = arith.select %gt3A_507, %broadcast_in_dim3A_506, %select_n3A_499 : vector<16xi1>, vector<16xi32>
      %get3A_515 = arith.constant 34 : i32
      %get3A_516 = arith.index_cast %get3A_515 : i32 to index
      %get3A_517 = arith.constant 0 : index
      %get3A_518 = tpu.vector_load %arg4[%get3A_516, %get3A_517] {strides = array<i32>} : memref<64x16xf32, #tpu.memory_space<vmem>>, vector<1x16xf32>,
      %get3A_519 = vector.shape_cast %get3A_518 : vector<1x16xf32> to vector<16xf32>
      %broadcast_in_dim3A_520 = arith.constant 34 : i32
      %broadcast_in_dim3A_521 = vector.broadcast %broadcast_in_dim3A_520 : i32 to vector<16xi32>
      %gt3A_522 = arith.cmpf ogt, %get3A_519, %select_n3A_513 : vector<16xf32>
      %gt3A_523 = arith.cmpf ogt, %get3A_519, %select_n3A_510 : vector<16xf32>
      %select_n3A_524 = arith.select %gt3A_523, %get3A_519, %select_n3A_510 : vector<16xi1>, vector<16xf32>
      %select_n3A_525 = arith.select %gt3A_522, %select_n3A_513, %select_n3A_524 : vector<16xi1>, vector<16xf32>
      %select_n3A_526 = arith.select %gt3A_523, %broadcast_in_dim3A_521, %select_n3A_512 : vector<16xi1>, vector<16xi32>
      %select_n3A_527 = arith.select %gt3A_522, %select_n3A_514, %select_n3A_526 : vector<16xi1>, vector<16xi32>
      %select_n3A_528 = arith.select %gt3A_522, %get3A_519, %select_n3A_513 : vector<16xi1>, vector<16xf32>
      %select_n3A_529 = arith.select %gt3A_522, %broadcast_in_dim3A_521, %select_n3A_514 : vector<16xi1>, vector<16xi32>
      %get3A_530 = arith.constant 35 : i32
      %get3A_531 = arith.index_cast %get3A_530 : i32 to index
      %get3A_532 = arith.constant 0 : index
      %get3A_533 = tpu.vector_load %arg4[%get3A_531, %get3A_532] {strides = array<i32>} : memref<64x16xf32, #tpu.memory_space<vmem>>, vector<1x16xf32>,
      %get3A_534 = vector.shape_cast %get3A_533 : vector<1x16xf32> to vector<16xf32>
      %broadcast_in_dim3A_535 = arith.constant 35 : i32
      %broadcast_in_dim3A_536 = vector.broadcast %broadcast_in_dim3A_535 : i32 to vector<16xi32>
      %gt3A_537 = arith.cmpf ogt, %get3A_534, %select_n3A_528 : vector<16xf32>
      %gt3A_538 = arith.cmpf ogt, %get3A_534, %select_n3A_525 : vector<16xf32>
      %select_n3A_539 = arith.select %gt3A_538, %get3A_534, %select_n3A_525 : vector<16xi1>, vector<16xf32>
      %select_n3A_540 = arith.select %gt3A_537, %select_n3A_528, %select_n3A_539 : vector<16xi1>, vector<16xf32>
      %select_n3A_541 = arith.select %gt3A_538, %broadcast_in_dim3A_536, %select_n3A_527 : vector<16xi1>, vector<16xi32>
      %select_n3A_542 = arith.select %gt3A_537, %select_n3A_529, %select_n3A_541 : vector<16xi1>, vector<16xi32>
      %select_n3A_543 = arith.select %gt3A_537, %get3A_534, %select_n3A_528 : vector<16xi1>, vector<16xf32>
      %select_n3A_544 = arith.select %gt3A_537, %broadcast_in_dim3A_536, %select_n3A_529 : vector<16xi1>, vector<16xi32>
      %get3A_545 = arith.constant 36 : i32
      %get3A_546 = arith.index_cast %get3A_545 : i32 to index
      %get3A_547 = arith.constant 0 : index
      %get3A_548 = tpu.vector_load %arg4[%get3A_546, %get3A_547] {strides = array<i32>} : memref<64x16xf32, #tpu.memory_space<vmem>>, vector<1x16xf32>,
      %get3A_549 = vector.shape_cast %get3A_548 : vector<1x16xf32> to vector<16xf32>
      %broadcast_in_dim3A_550 = arith.constant 36 : i32
      %broadcast_in_dim3A_551 = vector.broadcast %broadcast_in_dim3A_550 : i32 to vector<16xi32>
      %gt3A_552 = arith.cmpf ogt, %get3A_549, %select_n3A_543 : vector<16xf32>
      %gt3A_553 = arith.cmpf ogt, %get3A_549, %select_n3A_540 : vector<16xf32>
      %select_n3A_554 = arith.select %gt3A_553, %get3A_549, %select_n3A_540 : vector<16xi1>, vector<16xf32>
      %select_n3A_555 = arith.select %gt3A_552, %select_n3A_543, %select_n3A_554 : vector<16xi1>, vector<16xf32>
      %select_n3A_556 = arith.select %gt3A_553, %broadcast_in_dim3A_551, %select_n3A_542 : vector<16xi1>, vector<16xi32>
      %select_n3A_557 = arith.select %gt3A_552, %select_n3A_544, %select_n3A_556 : vector<16xi1>, vector<16xi32>
      %select_n3A_558 = arith.select %gt3A_552, %get3A_549, %select_n3A_543 : vector<16xi1>, vector<16xf32>
      %select_n3A_559 = arith.select %gt3A_552, %broadcast_in_dim3A_551, %select_n3A_544 : vector<16xi1>, vector<16xi32>
      %get3A_560 = arith.constant 37 : i32
      %get3A_561 = arith.index_cast %get3A_560 : i32 to index
      %get3A_562 = arith.constant 0 : index
      %get3A_563 = tpu.vector_load %arg4[%get3A_561, %get3A_562] {strides = array<i32>} : memref<64x16xf32, #tpu.memory_space<vmem>>, vector<1x16xf32>,
      %get3A_564 = vector.shape_cast %get3A_563 : vector<1x16xf32> to vector<16xf32>
      %broadcast_in_dim3A_565 = arith.constant 37 : i32
      %broadcast_in_dim3A_566 = vector.broadcast %broadcast_in_dim3A_565 : i32 to vector<16xi32>
      %gt3A_567 = arith.cmpf ogt, %get3A_564, %select_n3A_558 : vector<16xf32>
      %gt3A_568 = arith.cmpf ogt, %get3A_564, %select_n3A_555 : vector<16xf32>
      %select_n3A_569 = arith.select %gt3A_568, %get3A_564, %select_n3A_555 : vector<16xi1>, vector<16xf32>
      %select_n3A_570 = arith.select %gt3A_567, %select_n3A_558, %select_n3A_569 : vector<16xi1>, vector<16xf32>
      %select_n3A_571 = arith.select %gt3A_568, %broadcast_in_dim3A_566, %select_n3A_557 : vector<16xi1>, vector<16xi32>
      %select_n3A_572 = arith.select %gt3A_567, %select_n3A_559, %select_n3A_571 : vector<16xi1>, vector<16xi32>
      %select_n3A_573 = arith.select %gt3A_567, %get3A_564, %select_n3A_558 : vector<16xi1>, vector<16xf32>
      %select_n3A_574 = arith.select %gt3A_567, %broadcast_in_dim3A_566, %select_n3A_559 : vector<16xi1>, vector<16xi32>
      %get3A_575 = arith.constant 38 : i32
      %get3A_576 = arith.index_cast %get3A_575 : i32 to index
      %get3A_577 = arith.constant 0 : index
      %get3A_578 = tpu.vector_load %arg4[%get3A_576, %get3A_577] {strides = array<i32>} : memref<64x16xf32, #tpu.memory_space<vmem>>, vector<1x16xf32>,
      %get3A_579 = vector.shape_cast %get3A_578 : vector<1x16xf32> to vector<16xf32>
      %broadcast_in_dim3A_580 = arith.constant 38 : i32
      %broadcast_in_dim3A_581 = vector.broadcast %broadcast_in_dim3A_580 : i32 to vector<16xi32>
      %gt3A_582 = arith.cmpf ogt, %get3A_579, %select_n3A_573 : vector<16xf32>
      %gt3A_583 = arith.cmpf ogt, %get3A_579, %select_n3A_570 : vector<16xf32>
      %select_n3A_584 = arith.select %gt3A_583, %get3A_579, %select_n3A_570 : vector<16xi1>, vector<16xf32>
      %select_n3A_585 = arith.select %gt3A_582, %select_n3A_573, %select_n3A_584 : vector<16xi1>, vector<16xf32>
      %select_n3A_586 = arith.select %gt3A_583, %broadcast_in_dim3A_581, %select_n3A_572 : vector<16xi1>, vector<16xi32>
      %select_n3A_587 = arith.select %gt3A_582, %select_n3A_574, %select_n3A_586 : vector<16xi1>, vector<16xi32>
      %select_n3A_588 = arith.select %gt3A_582, %get3A_579, %select_n3A_573 : vector<16xi1>, vector<16xf32>
      %select_n3A_589 = arith.select %gt3A_582, %broadcast_in_dim3A_581, %select_n3A_574 : vector<16xi1>, vector<16xi32>
      %get3A_590 = arith.constant 39 : i32
      %get3A_591 = arith.index_cast %get3A_590 : i32 to index
      %get3A_592 = arith.constant 0 : index
      %get3A_593 = tpu.vector_load %arg4[%get3A_591, %get3A_592] {strides = array<i32>} : memref<64x16xf32, #tpu.memory_space<vmem>>, vector<1x16xf32>,
      %get3A_594 = vector.shape_cast %get3A_593 : vector<1x16xf32> to vector<16xf32>
      %broadcast_in_dim3A_595 = arith.constant 39 : i32
      %broadcast_in_dim3A_596 = vector.broadcast %broadcast_in_dim3A_595 : i32 to vector<16xi32>
      %gt3A_597 = arith.cmpf ogt, %get3A_594, %select_n3A_588 : vector<16xf32>
      %gt3A_598 = arith.cmpf ogt, %get3A_594, %select_n3A_585 : vector<16xf32>
      %select_n3A_599 = arith.select %gt3A_598, %get3A_594, %select_n3A_585 : vector<16xi1>, vector<16xf32>
      %select_n3A_600 = arith.select %gt3A_597, %select_n3A_588, %select_n3A_599 : vector<16xi1>, vector<16xf32>
      %select_n3A_601 = arith.select %gt3A_598, %broadcast_in_dim3A_596, %select_n3A_587 : vector<16xi1>, vector<16xi32>
      %select_n3A_602 = arith.select %gt3A_597, %select_n3A_589, %select_n3A_601 : vector<16xi1>, vector<16xi32>
      %select_n3A_603 = arith.select %gt3A_597, %get3A_594, %select_n3A_588 : vector<16xi1>, vector<16xf32>
      %select_n3A_604 = arith.select %gt3A_597, %broadcast_in_dim3A_596, %select_n3A_589 : vector<16xi1>, vector<16xi32>
      %get3A_605 = arith.constant 40 : i32
      %get3A_606 = arith.index_cast %get3A_605 : i32 to index
      %get3A_607 = arith.constant 0 : index
      %get3A_608 = tpu.vector_load %arg4[%get3A_606, %get3A_607] {strides = array<i32>} : memref<64x16xf32, #tpu.memory_space<vmem>>, vector<1x16xf32>,
      %get3A_609 = vector.shape_cast %get3A_608 : vector<1x16xf32> to vector<16xf32>
      %broadcast_in_dim3A_610 = arith.constant 40 : i32
      %broadcast_in_dim3A_611 = vector.broadcast %broadcast_in_dim3A_610 : i32 to vector<16xi32>
      %gt3A_612 = arith.cmpf ogt, %get3A_609, %select_n3A_603 : vector<16xf32>
      %gt3A_613 = arith.cmpf ogt, %get3A_609, %select_n3A_600 : vector<16xf32>
      %select_n3A_614 = arith.select %gt3A_613, %get3A_609, %select_n3A_600 : vector<16xi1>, vector<16xf32>
      %select_n3A_615 = arith.select %gt3A_612, %select_n3A_603, %select_n3A_614 : vector<16xi1>, vector<16xf32>
      %select_n3A_616 = arith.select %gt3A_613, %broadcast_in_dim3A_611, %select_n3A_602 : vector<16xi1>, vector<16xi32>
      %select_n3A_617 = arith.select %gt3A_612, %select_n3A_604, %select_n3A_616 : vector<16xi1>, vector<16xi32>
      %select_n3A_618 = arith.select %gt3A_612, %get3A_609, %select_n3A_603 : vector<16xi1>, vector<16xf32>
      %select_n3A_619 = arith.select %gt3A_612, %broadcast_in_dim3A_611, %select_n3A_604 : vector<16xi1>, vector<16xi32>
      %get3A_620 = arith.constant 41 : i32
      %get3A_621 = arith.index_cast %get3A_620 : i32 to index
      %get3A_622 = arith.constant 0 : index
      %get3A_623 = tpu.vector_load %arg4[%get3A_621, %get3A_622] {strides = array<i32>} : memref<64x16xf32, #tpu.memory_space<vmem>>, vector<1x16xf32>,
      %get3A_624 = vector.shape_cast %get3A_623 : vector<1x16xf32> to vector<16xf32>
      %broadcast_in_dim3A_625 = arith.constant 41 : i32
      %broadcast_in_dim3A_626 = vector.broadcast %broadcast_in_dim3A_625 : i32 to vector<16xi32>
      %gt3A_627 = arith.cmpf ogt, %get3A_624, %select_n3A_618 : vector<16xf32>
      %gt3A_628 = arith.cmpf ogt, %get3A_624, %select_n3A_615 : vector<16xf32>
      %select_n3A_629 = arith.select %gt3A_628, %get3A_624, %select_n3A_615 : vector<16xi1>, vector<16xf32>
      %select_n3A_630 = arith.select %gt3A_627, %select_n3A_618, %select_n3A_629 : vector<16xi1>, vector<16xf32>
      %select_n3A_631 = arith.select %gt3A_628, %broadcast_in_dim3A_626, %select_n3A_617 : vector<16xi1>, vector<16xi32>
      %select_n3A_632 = arith.select %gt3A_627, %select_n3A_619, %select_n3A_631 : vector<16xi1>, vector<16xi32>
      %select_n3A_633 = arith.select %gt3A_627, %get3A_624, %select_n3A_618 : vector<16xi1>, vector<16xf32>
      %select_n3A_634 = arith.select %gt3A_627, %broadcast_in_dim3A_626, %select_n3A_619 : vector<16xi1>, vector<16xi32>
      %get3A_635 = arith.constant 42 : i32
      %get3A_636 = arith.index_cast %get3A_635 : i32 to index
      %get3A_637 = arith.constant 0 : index
      %get3A_638 = tpu.vector_load %arg4[%get3A_636, %get3A_637] {strides = array<i32>} : memref<64x16xf32, #tpu.memory_space<vmem>>, vector<1x16xf32>,
      %get3A_639 = vector.shape_cast %get3A_638 : vector<1x16xf32> to vector<16xf32>
      %broadcast_in_dim3A_640 = arith.constant 42 : i32
      %broadcast_in_dim3A_641 = vector.broadcast %broadcast_in_dim3A_640 : i32 to vector<16xi32>
      %gt3A_642 = arith.cmpf ogt, %get3A_639, %select_n3A_633 : vector<16xf32>
      %gt3A_643 = arith.cmpf ogt, %get3A_639, %select_n3A_630 : vector<16xf32>
      %select_n3A_644 = arith.select %gt3A_643, %get3A_639, %select_n3A_630 : vector<16xi1>, vector<16xf32>
      %select_n3A_645 = arith.select %gt3A_642, %select_n3A_633, %select_n3A_644 : vector<16xi1>, vector<16xf32>
      %select_n3A_646 = arith.select %gt3A_643, %broadcast_in_dim3A_641, %select_n3A_632 : vector<16xi1>, vector<16xi32>
      %select_n3A_647 = arith.select %gt3A_642, %select_n3A_634, %select_n3A_646 : vector<16xi1>, vector<16xi32>
      %select_n3A_648 = arith.select %gt3A_642, %get3A_639, %select_n3A_633 : vector<16xi1>, vector<16xf32>
      %select_n3A_649 = arith.select %gt3A_642, %broadcast_in_dim3A_641, %select_n3A_634 : vector<16xi1>, vector<16xi32>
      %get3A_650 = arith.constant 43 : i32
      %get3A_651 = arith.index_cast %get3A_650 : i32 to index
      %get3A_652 = arith.constant 0 : index
      %get3A_653 = tpu.vector_load %arg4[%get3A_651, %get3A_652] {strides = array<i32>} : memref<64x16xf32, #tpu.memory_space<vmem>>, vector<1x16xf32>,
      %get3A_654 = vector.shape_cast %get3A_653 : vector<1x16xf32> to vector<16xf32>
      %broadcast_in_dim3A_655 = arith.constant 43 : i32
      %broadcast_in_dim3A_656 = vector.broadcast %broadcast_in_dim3A_655 : i32 to vector<16xi32>
      %gt3A_657 = arith.cmpf ogt, %get3A_654, %select_n3A_648 : vector<16xf32>
      %gt3A_658 = arith.cmpf ogt, %get3A_654, %select_n3A_645 : vector<16xf32>
      %select_n3A_659 = arith.select %gt3A_658, %get3A_654, %select_n3A_645 : vector<16xi1>, vector<16xf32>
      %select_n3A_660 = arith.select %gt3A_657, %select_n3A_648, %select_n3A_659 : vector<16xi1>, vector<16xf32>
      %select_n3A_661 = arith.select %gt3A_658, %broadcast_in_dim3A_656, %select_n3A_647 : vector<16xi1>, vector<16xi32>
      %select_n3A_662 = arith.select %gt3A_657, %select_n3A_649, %select_n3A_661 : vector<16xi1>, vector<16xi32>
      %select_n3A_663 = arith.select %gt3A_657, %get3A_654, %select_n3A_648 : vector<16xi1>, vector<16xf32>
      %select_n3A_664 = arith.select %gt3A_657, %broadcast_in_dim3A_656, %select_n3A_649 : vector<16xi1>, vector<16xi32>
      %get3A_665 = arith.constant 44 : i32
      %get3A_666 = arith.index_cast %get3A_665 : i32 to index
      %get3A_667 = arith.constant 0 : index
      %get3A_668 = tpu.vector_load %arg4[%get3A_666, %get3A_667] {strides = array<i32>} : memref<64x16xf32, #tpu.memory_space<vmem>>, vector<1x16xf32>,
      %get3A_669 = vector.shape_cast %get3A_668 : vector<1x16xf32> to vector<16xf32>
      %broadcast_in_dim3A_670 = arith.constant 44 : i32
      %broadcast_in_dim3A_671 = vector.broadcast %broadcast_in_dim3A_670 : i32 to vector<16xi32>
      %gt3A_672 = arith.cmpf ogt, %get3A_669, %select_n3A_663 : vector<16xf32>
      %gt3A_673 = arith.cmpf ogt, %get3A_669, %select_n3A_660 : vector<16xf32>
      %select_n3A_674 = arith.select %gt3A_673, %get3A_669, %select_n3A_660 : vector<16xi1>, vector<16xf32>
      %select_n3A_675 = arith.select %gt3A_672, %select_n3A_663, %select_n3A_674 : vector<16xi1>, vector<16xf32>
      %select_n3A_676 = arith.select %gt3A_673, %broadcast_in_dim3A_671, %select_n3A_662 : vector<16xi1>, vector<16xi32>
      %select_n3A_677 = arith.select %gt3A_672, %select_n3A_664, %select_n3A_676 : vector<16xi1>, vector<16xi32>
      %select_n3A_678 = arith.select %gt3A_672, %get3A_669, %select_n3A_663 : vector<16xi1>, vector<16xf32>
      %select_n3A_679 = arith.select %gt3A_672, %broadcast_in_dim3A_671, %select_n3A_664 : vector<16xi1>, vector<16xi32>
      %get3A_680 = arith.constant 45 : i32
      %get3A_681 = arith.index_cast %get3A_680 : i32 to index
      %get3A_682 = arith.constant 0 : index
      %get3A_683 = tpu.vector_load %arg4[%get3A_681, %get3A_682] {strides = array<i32>} : memref<64x16xf32, #tpu.memory_space<vmem>>, vector<1x16xf32>,
      %get3A_684 = vector.shape_cast %get3A_683 : vector<1x16xf32> to vector<16xf32>
      %broadcast_in_dim3A_685 = arith.constant 45 : i32
      %broadcast_in_dim3A_686 = vector.broadcast %broadcast_in_dim3A_685 : i32 to vector<16xi32>
      %gt3A_687 = arith.cmpf ogt, %get3A_684, %select_n3A_678 : vector<16xf32>
      %gt3A_688 = arith.cmpf ogt, %get3A_684, %select_n3A_675 : vector<16xf32>
      %select_n3A_689 = arith.select %gt3A_688, %get3A_684, %select_n3A_675 : vector<16xi1>, vector<16xf32>
      %select_n3A_690 = arith.select %gt3A_687, %select_n3A_678, %select_n3A_689 : vector<16xi1>, vector<16xf32>
      %select_n3A_691 = arith.select %gt3A_688, %broadcast_in_dim3A_686, %select_n3A_677 : vector<16xi1>, vector<16xi32>
      %select_n3A_692 = arith.select %gt3A_687, %select_n3A_679, %select_n3A_691 : vector<16xi1>, vector<16xi32>
      %select_n3A_693 = arith.select %gt3A_687, %get3A_684, %select_n3A_678 : vector<16xi1>, vector<16xf32>
      %select_n3A_694 = arith.select %gt3A_687, %broadcast_in_dim3A_686, %select_n3A_679 : vector<16xi1>, vector<16xi32>
      %get3A_695 = arith.constant 46 : i32
      %get3A_696 = arith.index_cast %get3A_695 : i32 to index
      %get3A_697 = arith.constant 0 : index
      %get3A_698 = tpu.vector_load %arg4[%get3A_696, %get3A_697] {strides = array<i32>} : memref<64x16xf32, #tpu.memory_space<vmem>>, vector<1x16xf32>,
      %get3A_699 = vector.shape_cast %get3A_698 : vector<1x16xf32> to vector<16xf32>
      %broadcast_in_dim3A_700 = arith.constant 46 : i32
      %broadcast_in_dim3A_701 = vector.broadcast %broadcast_in_dim3A_700 : i32 to vector<16xi32>
      %gt3A_702 = arith.cmpf ogt, %get3A_699, %select_n3A_693 : vector<16xf32>
      %gt3A_703 = arith.cmpf ogt, %get3A_699, %select_n3A_690 : vector<16xf32>
      %select_n3A_704 = arith.select %gt3A_703, %get3A_699, %select_n3A_690 : vector<16xi1>, vector<16xf32>
      %select_n3A_705 = arith.select %gt3A_702, %select_n3A_693, %select_n3A_704 : vector<16xi1>, vector<16xf32>
      %select_n3A_706 = arith.select %gt3A_703, %broadcast_in_dim3A_701, %select_n3A_692 : vector<16xi1>, vector<16xi32>
      %select_n3A_707 = arith.select %gt3A_702, %select_n3A_694, %select_n3A_706 : vector<16xi1>, vector<16xi32>
      %select_n3A_708 = arith.select %gt3A_702, %get3A_699, %select_n3A_693 : vector<16xi1>, vector<16xf32>
      %select_n3A_709 = arith.select %gt3A_702, %broadcast_in_dim3A_701, %select_n3A_694 : vector<16xi1>, vector<16xi32>
      %get3A_710 = arith.constant 47 : i32
      %get3A_711 = arith.index_cast %get3A_710 : i32 to index
      %get3A_712 = arith.constant 0 : index
      %get3A_713 = tpu.vector_load %arg4[%get3A_711, %get3A_712] {strides = array<i32>} : memref<64x16xf32, #tpu.memory_space<vmem>>, vector<1x16xf32>,
      %get3A_714 = vector.shape_cast %get3A_713 : vector<1x16xf32> to vector<16xf32>
      %broadcast_in_dim3A_715 = arith.constant 47 : i32
      %broadcast_in_dim3A_716 = vector.broadcast %broadcast_in_dim3A_715 : i32 to vector<16xi32>
      %gt3A_717 = arith.cmpf ogt, %get3A_714, %select_n3A_708 : vector<16xf32>
      %gt3A_718 = arith.cmpf ogt, %get3A_714, %select_n3A_705 : vector<16xf32>
      %select_n3A_719 = arith.select %gt3A_718, %get3A_714, %select_n3A_705 : vector<16xi1>, vector<16xf32>
      %select_n3A_720 = arith.select %gt3A_717, %select_n3A_708, %select_n3A_719 : vector<16xi1>, vector<16xf32>
      %select_n3A_721 = arith.select %gt3A_718, %broadcast_in_dim3A_716, %select_n3A_707 : vector<16xi1>, vector<16xi32>
      %select_n3A_722 = arith.select %gt3A_717, %select_n3A_709, %select_n3A_721 : vector<16xi1>, vector<16xi32>
      %select_n3A_723 = arith.select %gt3A_717, %get3A_714, %select_n3A_708 : vector<16xi1>, vector<16xf32>
      %select_n3A_724 = arith.select %gt3A_717, %broadcast_in_dim3A_716, %select_n3A_709 : vector<16xi1>, vector<16xi32>
      %get3A_725 = arith.constant 48 : i32
      %get3A_726 = arith.index_cast %get3A_725 : i32 to index
      %get3A_727 = arith.constant 0 : index
      %get3A_728 = tpu.vector_load %arg4[%get3A_726, %get3A_727] {strides = array<i32>} : memref<64x16xf32, #tpu.memory_space<vmem>>, vector<1x16xf32>,
      %get3A_729 = vector.shape_cast %get3A_728 : vector<1x16xf32> to vector<16xf32>
      %broadcast_in_dim3A_730 = arith.constant 48 : i32
      %broadcast_in_dim3A_731 = vector.broadcast %broadcast_in_dim3A_730 : i32 to vector<16xi32>
      %gt3A_732 = arith.cmpf ogt, %get3A_729, %select_n3A_723 : vector<16xf32>
      %gt3A_733 = arith.cmpf ogt, %get3A_729, %select_n3A_720 : vector<16xf32>
      %select_n3A_734 = arith.select %gt3A_733, %get3A_729, %select_n3A_720 : vector<16xi1>, vector<16xf32>
      %select_n3A_735 = arith.select %gt3A_732, %select_n3A_723, %select_n3A_734 : vector<16xi1>, vector<16xf32>
      %select_n3A_736 = arith.select %gt3A_733, %broadcast_in_dim3A_731, %select_n3A_722 : vector<16xi1>, vector<16xi32>
      %select_n3A_737 = arith.select %gt3A_732, %select_n3A_724, %select_n3A_736 : vector<16xi1>, vector<16xi32>
      %select_n3A_738 = arith.select %gt3A_732, %get3A_729, %select_n3A_723 : vector<16xi1>, vector<16xf32>
      %select_n3A_739 = arith.select %gt3A_732, %broadcast_in_dim3A_731, %select_n3A_724 : vector<16xi1>, vector<16xi32>
      %get3A_740 = arith.constant 49 : i32
      %get3A_741 = arith.index_cast %get3A_740 : i32 to index
      %get3A_742 = arith.constant 0 : index
      %get3A_743 = tpu.vector_load %arg4[%get3A_741, %get3A_742] {strides = array<i32>} : memref<64x16xf32, #tpu.memory_space<vmem>>, vector<1x16xf32>,
      %get3A_744 = vector.shape_cast %get3A_743 : vector<1x16xf32> to vector<16xf32>
      %broadcast_in_dim3A_745 = arith.constant 49 : i32
      %broadcast_in_dim3A_746 = vector.broadcast %broadcast_in_dim3A_745 : i32 to vector<16xi32>
      %gt3A_747 = arith.cmpf ogt, %get3A_744, %select_n3A_738 : vector<16xf32>
      %gt3A_748 = arith.cmpf ogt, %get3A_744, %select_n3A_735 : vector<16xf32>
      %select_n3A_749 = arith.select %gt3A_748, %get3A_744, %select_n3A_735 : vector<16xi1>, vector<16xf32>
      %select_n3A_750 = arith.select %gt3A_747, %select_n3A_738, %select_n3A_749 : vector<16xi1>, vector<16xf32>
      %select_n3A_751 = arith.select %gt3A_748, %broadcast_in_dim3A_746, %select_n3A_737 : vector<16xi1>, vector<16xi32>
      %select_n3A_752 = arith.select %gt3A_747, %select_n3A_739, %select_n3A_751 : vector<16xi1>, vector<16xi32>
      %select_n3A_753 = arith.select %gt3A_747, %get3A_744, %select_n3A_738 : vector<16xi1>, vector<16xf32>
      %select_n3A_754 = arith.select %gt3A_747, %broadcast_in_dim3A_746, %select_n3A_739 : vector<16xi1>, vector<16xi32>
      %get3A_755 = arith.constant 50 : i32
      %get3A_756 = arith.index_cast %get3A_755 : i32 to index
      %get3A_757 = arith.constant 0 : index
      %get3A_758 = tpu.vector_load %arg4[%get3A_756, %get3A_757] {strides = array<i32>} : memref<64x16xf32, #tpu.memory_space<vmem>>, vector<1x16xf32>,
      %get3A_759 = vector.shape_cast %get3A_758 : vector<1x16xf32> to vector<16xf32>
      %broadcast_in_dim3A_760 = arith.constant 50 : i32
      %broadcast_in_dim3A_761 = vector.broadcast %broadcast_in_dim3A_760 : i32 to vector<16xi32>
      %gt3A_762 = arith.cmpf ogt, %get3A_759, %select_n3A_753 : vector<16xf32>
      %gt3A_763 = arith.cmpf ogt, %get3A_759, %select_n3A_750 : vector<16xf32>
      %select_n3A_764 = arith.select %gt3A_763, %get3A_759, %select_n3A_750 : vector<16xi1>, vector<16xf32>
      %select_n3A_765 = arith.select %gt3A_762, %select_n3A_753, %select_n3A_764 : vector<16xi1>, vector<16xf32>
      %select_n3A_766 = arith.select %gt3A_763, %broadcast_in_dim3A_761, %select_n3A_752 : vector<16xi1>, vector<16xi32>
      %select_n3A_767 = arith.select %gt3A_762, %select_n3A_754, %select_n3A_766 : vector<16xi1>, vector<16xi32>
      %select_n3A_768 = arith.select %gt3A_762, %get3A_759, %select_n3A_753 : vector<16xi1>, vector<16xf32>
      %select_n3A_769 = arith.select %gt3A_762, %broadcast_in_dim3A_761, %select_n3A_754 : vector<16xi1>, vector<16xi32>
      %get3A_770 = arith.constant 51 : i32
      %get3A_771 = arith.index_cast %get3A_770 : i32 to index
      %get3A_772 = arith.constant 0 : index
      %get3A_773 = tpu.vector_load %arg4[%get3A_771, %get3A_772] {strides = array<i32>} : memref<64x16xf32, #tpu.memory_space<vmem>>, vector<1x16xf32>,
      %get3A_774 = vector.shape_cast %get3A_773 : vector<1x16xf32> to vector<16xf32>
      %broadcast_in_dim3A_775 = arith.constant 51 : i32
      %broadcast_in_dim3A_776 = vector.broadcast %broadcast_in_dim3A_775 : i32 to vector<16xi32>
      %gt3A_777 = arith.cmpf ogt, %get3A_774, %select_n3A_768 : vector<16xf32>
      %gt3A_778 = arith.cmpf ogt, %get3A_774, %select_n3A_765 : vector<16xf32>
      %select_n3A_779 = arith.select %gt3A_778, %get3A_774, %select_n3A_765 : vector<16xi1>, vector<16xf32>
      %select_n3A_780 = arith.select %gt3A_777, %select_n3A_768, %select_n3A_779 : vector<16xi1>, vector<16xf32>
      %select_n3A_781 = arith.select %gt3A_778, %broadcast_in_dim3A_776, %select_n3A_767 : vector<16xi1>, vector<16xi32>
      %select_n3A_782 = arith.select %gt3A_777, %select_n3A_769, %select_n3A_781 : vector<16xi1>, vector<16xi32>
      %select_n3A_783 = arith.select %gt3A_777, %get3A_774, %select_n3A_768 : vector<16xi1>, vector<16xf32>
      %select_n3A_784 = arith.select %gt3A_777, %broadcast_in_dim3A_776, %select_n3A_769 : vector<16xi1>, vector<16xi32>
      %get3A_785 = arith.constant 52 : i32
      %get3A_786 = arith.index_cast %get3A_785 : i32 to index
      %get3A_787 = arith.constant 0 : index
      %get3A_788 = tpu.vector_load %arg4[%get3A_786, %get3A_787] {strides = array<i32>} : memref<64x16xf32, #tpu.memory_space<vmem>>, vector<1x16xf32>,
      %get3A_789 = vector.shape_cast %get3A_788 : vector<1x16xf32> to vector<16xf32>
      %broadcast_in_dim3A_790 = arith.constant 52 : i32
      %broadcast_in_dim3A_791 = vector.broadcast %broadcast_in_dim3A_790 : i32 to vector<16xi32>
      %gt3A_792 = arith.cmpf ogt, %get3A_789, %select_n3A_783 : vector<16xf32>
      %gt3A_793 = arith.cmpf ogt, %get3A_789, %select_n3A_780 : vector<16xf32>
      %select_n3A_794 = arith.select %gt3A_793, %get3A_789, %select_n3A_780 : vector<16xi1>, vector<16xf32>
      %select_n3A_795 = arith.select %gt3A_792, %select_n3A_783, %select_n3A_794 : vector<16xi1>, vector<16xf32>
      %select_n3A_796 = arith.select %gt3A_793, %broadcast_in_dim3A_791, %select_n3A_782 : vector<16xi1>, vector<16xi32>
      %select_n3A_797 = arith.select %gt3A_792, %select_n3A_784, %select_n3A_796 : vector<16xi1>, vector<16xi32>
      %select_n3A_798 = arith.select %gt3A_792, %get3A_789, %select_n3A_783 : vector<16xi1>, vector<16xf32>
      %select_n3A_799 = arith.select %gt3A_792, %broadcast_in_dim3A_791, %select_n3A_784 : vector<16xi1>, vector<16xi32>
      %get3A_800 = arith.constant 53 : i32
      %get3A_801 = arith.index_cast %get3A_800 : i32 to index
      %get3A_802 = arith.constant 0 : index
      %get3A_803 = tpu.vector_load %arg4[%get3A_801, %get3A_802] {strides = array<i32>} : memref<64x16xf32, #tpu.memory_space<vmem>>, vector<1x16xf32>,
      %get3A_804 = vector.shape_cast %get3A_803 : vector<1x16xf32> to vector<16xf32>
      %broadcast_in_dim3A_805 = arith.constant 53 : i32
      %broadcast_in_dim3A_806 = vector.broadcast %broadcast_in_dim3A_805 : i32 to vector<16xi32>
      %gt3A_807 = arith.cmpf ogt, %get3A_804, %select_n3A_798 : vector<16xf32>
      %gt3A_808 = arith.cmpf ogt, %get3A_804, %select_n3A_795 : vector<16xf32>
      %select_n3A_809 = arith.select %gt3A_808, %get3A_804, %select_n3A_795 : vector<16xi1>, vector<16xf32>
      %select_n3A_810 = arith.select %gt3A_807, %select_n3A_798, %select_n3A_809 : vector<16xi1>, vector<16xf32>
      %select_n3A_811 = arith.select %gt3A_808, %broadcast_in_dim3A_806, %select_n3A_797 : vector<16xi1>, vector<16xi32>
      %select_n3A_812 = arith.select %gt3A_807, %select_n3A_799, %select_n3A_811 : vector<16xi1>, vector<16xi32>
      %select_n3A_813 = arith.select %gt3A_807, %get3A_804, %select_n3A_798 : vector<16xi1>, vector<16xf32>
      %select_n3A_814 = arith.select %gt3A_807, %broadcast_in_dim3A_806, %select_n3A_799 : vector<16xi1>, vector<16xi32>
      %get3A_815 = arith.constant 54 : i32
      %get3A_816 = arith.index_cast %get3A_815 : i32 to index
      %get3A_817 = arith.constant 0 : index
      %get3A_818 = tpu.vector_load %arg4[%get3A_816, %get3A_817] {strides = array<i32>} : memref<64x16xf32, #tpu.memory_space<vmem>>, vector<1x16xf32>,
      %get3A_819 = vector.shape_cast %get3A_818 : vector<1x16xf32> to vector<16xf32>
      %broadcast_in_dim3A_820 = arith.constant 54 : i32
      %broadcast_in_dim3A_821 = vector.broadcast %broadcast_in_dim3A_820 : i32 to vector<16xi32>
      %gt3A_822 = arith.cmpf ogt, %get3A_819, %select_n3A_813 : vector<16xf32>
      %gt3A_823 = arith.cmpf ogt, %get3A_819, %select_n3A_810 : vector<16xf32>
      %select_n3A_824 = arith.select %gt3A_823, %get3A_819, %select_n3A_810 : vector<16xi1>, vector<16xf32>
      %select_n3A_825 = arith.select %gt3A_822, %select_n3A_813, %select_n3A_824 : vector<16xi1>, vector<16xf32>
      %select_n3A_826 = arith.select %gt3A_823, %broadcast_in_dim3A_821, %select_n3A_812 : vector<16xi1>, vector<16xi32>
      %select_n3A_827 = arith.select %gt3A_822, %select_n3A_814, %select_n3A_826 : vector<16xi1>, vector<16xi32>
      %select_n3A_828 = arith.select %gt3A_822, %get3A_819, %select_n3A_813 : vector<16xi1>, vector<16xf32>
      %select_n3A_829 = arith.select %gt3A_822, %broadcast_in_dim3A_821, %select_n3A_814 : vector<16xi1>, vector<16xi32>
      %get3A_830 = arith.constant 55 : i32
      %get3A_831 = arith.index_cast %get3A_830 : i32 to index
      %get3A_832 = arith.constant 0 : index
      %get3A_833 = tpu.vector_load %arg4[%get3A_831, %get3A_832] {strides = array<i32>} : memref<64x16xf32, #tpu.memory_space<vmem>>, vector<1x16xf32>,
      %get3A_834 = vector.shape_cast %get3A_833 : vector<1x16xf32> to vector<16xf32>
      %broadcast_in_dim3A_835 = arith.constant 55 : i32
      %broadcast_in_dim3A_836 = vector.broadcast %broadcast_in_dim3A_835 : i32 to vector<16xi32>
      %gt3A_837 = arith.cmpf ogt, %get3A_834, %select_n3A_828 : vector<16xf32>
      %gt3A_838 = arith.cmpf ogt, %get3A_834, %select_n3A_825 : vector<16xf32>
      %select_n3A_839 = arith.select %gt3A_838, %get3A_834, %select_n3A_825 : vector<16xi1>, vector<16xf32>
      %select_n3A_840 = arith.select %gt3A_837, %select_n3A_828, %select_n3A_839 : vector<16xi1>, vector<16xf32>
      %select_n3A_841 = arith.select %gt3A_838, %broadcast_in_dim3A_836, %select_n3A_827 : vector<16xi1>, vector<16xi32>
      %select_n3A_842 = arith.select %gt3A_837, %select_n3A_829, %select_n3A_841 : vector<16xi1>, vector<16xi32>
      %select_n3A_843 = arith.select %gt3A_837, %get3A_834, %select_n3A_828 : vector<16xi1>, vector<16xf32>
      %select_n3A_844 = arith.select %gt3A_837, %broadcast_in_dim3A_836, %select_n3A_829 : vector<16xi1>, vector<16xi32>
      %get3A_845 = arith.constant 56 : i32
      %get3A_846 = arith.index_cast %get3A_845 : i32 to index
      %get3A_847 = arith.constant 0 : index
      %get3A_848 = tpu.vector_load %arg4[%get3A_846, %get3A_847] {strides = array<i32>} : memref<64x16xf32, #tpu.memory_space<vmem>>, vector<1x16xf32>,
      %get3A_849 = vector.shape_cast %get3A_848 : vector<1x16xf32> to vector<16xf32>
      %broadcast_in_dim3A_850 = arith.constant 56 : i32
      %broadcast_in_dim3A_851 = vector.broadcast %broadcast_in_dim3A_850 : i32 to vector<16xi32>
      %gt3A_852 = arith.cmpf ogt, %get3A_849, %select_n3A_843 : vector<16xf32>
      %gt3A_853 = arith.cmpf ogt, %get3A_849, %select_n3A_840 : vector<16xf32>
      %select_n3A_854 = arith.select %gt3A_853, %get3A_849, %select_n3A_840 : vector<16xi1>, vector<16xf32>
      %select_n3A_855 = arith.select %gt3A_852, %select_n3A_843, %select_n3A_854 : vector<16xi1>, vector<16xf32>
      %select_n3A_856 = arith.select %gt3A_853, %broadcast_in_dim3A_851, %select_n3A_842 : vector<16xi1>, vector<16xi32>
      %select_n3A_857 = arith.select %gt3A_852, %select_n3A_844, %select_n3A_856 : vector<16xi1>, vector<16xi32>
      %select_n3A_858 = arith.select %gt3A_852, %get3A_849, %select_n3A_843 : vector<16xi1>, vector<16xf32>
      %select_n3A_859 = arith.select %gt3A_852, %broadcast_in_dim3A_851, %select_n3A_844 : vector<16xi1>, vector<16xi32>
      %get3A_860 = arith.constant 57 : i32
      %get3A_861 = arith.index_cast %get3A_860 : i32 to index
      %get3A_862 = arith.constant 0 : index
      %get3A_863 = tpu.vector_load %arg4[%get3A_861, %get3A_862] {strides = array<i32>} : memref<64x16xf32, #tpu.memory_space<vmem>>, vector<1x16xf32>,
      %get3A_864 = vector.shape_cast %get3A_863 : vector<1x16xf32> to vector<16xf32>
      %broadcast_in_dim3A_865 = arith.constant 57 : i32
      %broadcast_in_dim3A_866 = vector.broadcast %broadcast_in_dim3A_865 : i32 to vector<16xi32>
      %gt3A_867 = arith.cmpf ogt, %get3A_864, %select_n3A_858 : vector<16xf32>
      %gt3A_868 = arith.cmpf ogt, %get3A_864, %select_n3A_855 : vector<16xf32>
      %select_n3A_869 = arith.select %gt3A_868, %get3A_864, %select_n3A_855 : vector<16xi1>, vector<16xf32>
      %select_n3A_870 = arith.select %gt3A_867, %select_n3A_858, %select_n3A_869 : vector<16xi1>, vector<16xf32>
      %select_n3A_871 = arith.select %gt3A_868, %broadcast_in_dim3A_866, %select_n3A_857 : vector<16xi1>, vector<16xi32>
      %select_n3A_872 = arith.select %gt3A_867, %select_n3A_859, %select_n3A_871 : vector<16xi1>, vector<16xi32>
      %select_n3A_873 = arith.select %gt3A_867, %get3A_864, %select_n3A_858 : vector<16xi1>, vector<16xf32>
      %select_n3A_874 = arith.select %gt3A_867, %broadcast_in_dim3A_866, %select_n3A_859 : vector<16xi1>, vector<16xi32>
      %get3A_875 = arith.constant 58 : i32
      %get3A_876 = arith.index_cast %get3A_875 : i32 to index
      %get3A_877 = arith.constant 0 : index
      %get3A_878 = tpu.vector_load %arg4[%get3A_876, %get3A_877] {strides = array<i32>} : memref<64x16xf32, #tpu.memory_space<vmem>>, vector<1x16xf32>,
      %get3A_879 = vector.shape_cast %get3A_878 : vector<1x16xf32> to vector<16xf32>
      %broadcast_in_dim3A_880 = arith.constant 58 : i32
      %broadcast_in_dim3A_881 = vector.broadcast %broadcast_in_dim3A_880 : i32 to vector<16xi32>
      %gt3A_882 = arith.cmpf ogt, %get3A_879, %select_n3A_873 : vector<16xf32>
      %gt3A_883 = arith.cmpf ogt, %get3A_879, %select_n3A_870 : vector<16xf32>
      %select_n3A_884 = arith.select %gt3A_883, %get3A_879, %select_n3A_870 : vector<16xi1>, vector<16xf32>
      %select_n3A_885 = arith.select %gt3A_882, %select_n3A_873, %select_n3A_884 : vector<16xi1>, vector<16xf32>
      %select_n3A_886 = arith.select %gt3A_883, %broadcast_in_dim3A_881, %select_n3A_872 : vector<16xi1>, vector<16xi32>
      %select_n3A_887 = arith.select %gt3A_882, %select_n3A_874, %select_n3A_886 : vector<16xi1>, vector<16xi32>
      %select_n3A_888 = arith.select %gt3A_882, %get3A_879, %select_n3A_873 : vector<16xi1>, vector<16xf32>
      %select_n3A_889 = arith.select %gt3A_882, %broadcast_in_dim3A_881, %select_n3A_874 : vector<16xi1>, vector<16xi32>
      %get3A_890 = arith.constant 59 : i32
      %get3A_891 = arith.index_cast %get3A_890 : i32 to index
      %get3A_892 = arith.constant 0 : index
      %get3A_893 = tpu.vector_load %arg4[%get3A_891, %get3A_892] {strides = array<i32>} : memref<64x16xf32, #tpu.memory_space<vmem>>, vector<1x16xf32>,
      %get3A_894 = vector.shape_cast %get3A_893 : vector<1x16xf32> to vector<16xf32>
      %broadcast_in_dim3A_895 = arith.constant 59 : i32
      %broadcast_in_dim3A_896 = vector.broadcast %broadcast_in_dim3A_895 : i32 to vector<16xi32>
      %gt3A_897 = arith.cmpf ogt, %get3A_894, %select_n3A_888 : vector<16xf32>
      %gt3A_898 = arith.cmpf ogt, %get3A_894, %select_n3A_885 : vector<16xf32>
      %select_n3A_899 = arith.select %gt3A_898, %get3A_894, %select_n3A_885 : vector<16xi1>, vector<16xf32>
      %select_n3A_900 = arith.select %gt3A_897, %select_n3A_888, %select_n3A_899 : vector<16xi1>, vector<16xf32>
      %select_n3A_901 = arith.select %gt3A_898, %broadcast_in_dim3A_896, %select_n3A_887 : vector<16xi1>, vector<16xi32>
      %select_n3A_902 = arith.select %gt3A_897, %select_n3A_889, %select_n3A_901 : vector<16xi1>, vector<16xi32>
      %select_n3A_903 = arith.select %gt3A_897, %get3A_894, %select_n3A_888 : vector<16xi1>, vector<16xf32>
      %select_n3A_904 = arith.select %gt3A_897, %broadcast_in_dim3A_896, %select_n3A_889 : vector<16xi1>, vector<16xi32>
      %get3A_905 = arith.constant 60 : i32
      %get3A_906 = arith.index_cast %get3A_905 : i32 to index
      %get3A_907 = arith.constant 0 : index
      %get3A_908 = tpu.vector_load %arg4[%get3A_906, %get3A_907] {strides = array<i32>} : memref<64x16xf32, #tpu.memory_space<vmem>>, vector<1x16xf32>,
      %get3A_909 = vector.shape_cast %get3A_908 : vector<1x16xf32> to vector<16xf32>
      %broadcast_in_dim3A_910 = arith.constant 60 : i32
      %broadcast_in_dim3A_911 = vector.broadcast %broadcast_in_dim3A_910 : i32 to vector<16xi32>
      %gt3A_912 = arith.cmpf ogt, %get3A_909, %select_n3A_903 : vector<16xf32>
      %gt3A_913 = arith.cmpf ogt, %get3A_909, %select_n3A_900 : vector<16xf32>
      %select_n3A_914 = arith.select %gt3A_913, %get3A_909, %select_n3A_900 : vector<16xi1>, vector<16xf32>
      %select_n3A_915 = arith.select %gt3A_912, %select_n3A_903, %select_n3A_914 : vector<16xi1>, vector<16xf32>
      %select_n3A_916 = arith.select %gt3A_913, %broadcast_in_dim3A_911, %select_n3A_902 : vector<16xi1>, vector<16xi32>
      %select_n3A_917 = arith.select %gt3A_912, %select_n3A_904, %select_n3A_916 : vector<16xi1>, vector<16xi32>
      %select_n3A_918 = arith.select %gt3A_912, %get3A_909, %select_n3A_903 : vector<16xi1>, vector<16xf32>
      %select_n3A_919 = arith.select %gt3A_912, %broadcast_in_dim3A_911, %select_n3A_904 : vector<16xi1>, vector<16xi32>
      %get3A_920 = arith.constant 61 : i32
      %get3A_921 = arith.index_cast %get3A_920 : i32 to index
      %get3A_922 = arith.constant 0 : index
      %get3A_923 = tpu.vector_load %arg4[%get3A_921, %get3A_922] {strides = array<i32>} : memref<64x16xf32, #tpu.memory_space<vmem>>, vector<1x16xf32>,
      %get3A_924 = vector.shape_cast %get3A_923 : vector<1x16xf32> to vector<16xf32>
      %broadcast_in_dim3A_925 = arith.constant 61 : i32
      %broadcast_in_dim3A_926 = vector.broadcast %broadcast_in_dim3A_925 : i32 to vector<16xi32>
      %gt3A_927 = arith.cmpf ogt, %get3A_924, %select_n3A_918 : vector<16xf32>
      %gt3A_928 = arith.cmpf ogt, %get3A_924, %select_n3A_915 : vector<16xf32>
      %select_n3A_929 = arith.select %gt3A_928, %get3A_924, %select_n3A_915 : vector<16xi1>, vector<16xf32>
      %select_n3A_930 = arith.select %gt3A_927, %select_n3A_918, %select_n3A_929 : vector<16xi1>, vector<16xf32>
      %select_n3A_931 = arith.select %gt3A_928, %broadcast_in_dim3A_926, %select_n3A_917 : vector<16xi1>, vector<16xi32>
      %select_n3A_932 = arith.select %gt3A_927, %select_n3A_919, %select_n3A_931 : vector<16xi1>, vector<16xi32>
      %select_n3A_933 = arith.select %gt3A_927, %get3A_924, %select_n3A_918 : vector<16xi1>, vector<16xf32>
      %select_n3A_934 = arith.select %gt3A_927, %broadcast_in_dim3A_926, %select_n3A_919 : vector<16xi1>, vector<16xi32>
      %get3A_935 = arith.constant 62 : i32
      %get3A_936 = arith.index_cast %get3A_935 : i32 to index
      %get3A_937 = arith.constant 0 : index
      %get3A_938 = tpu.vector_load %arg4[%get3A_936, %get3A_937] {strides = array<i32>} : memref<64x16xf32, #tpu.memory_space<vmem>>, vector<1x16xf32>,
      %get3A_939 = vector.shape_cast %get3A_938 : vector<1x16xf32> to vector<16xf32>
      %broadcast_in_dim3A_940 = arith.constant 62 : i32
      %broadcast_in_dim3A_941 = vector.broadcast %broadcast_in_dim3A_940 : i32 to vector<16xi32>
      %gt3A_942 = arith.cmpf ogt, %get3A_939, %select_n3A_933 : vector<16xf32>
      %gt3A_943 = arith.cmpf ogt, %get3A_939, %select_n3A_930 : vector<16xf32>
      %select_n3A_944 = arith.select %gt3A_943, %get3A_939, %select_n3A_930 : vector<16xi1>, vector<16xf32>
      %select_n3A_945 = arith.select %gt3A_942, %select_n3A_933, %select_n3A_944 : vector<16xi1>, vector<16xf32>
      %select_n3A_946 = arith.select %gt3A_943, %broadcast_in_dim3A_941, %select_n3A_932 : vector<16xi1>, vector<16xi32>
      %select_n3A_947 = arith.select %gt3A_942, %select_n3A_934, %select_n3A_946 : vector<16xi1>, vector<16xi32>
      %select_n3A_948 = arith.select %gt3A_942, %get3A_939, %select_n3A_933 : vector<16xi1>, vector<16xf32>
      %select_n3A_949 = arith.select %gt3A_942, %broadcast_in_dim3A_941, %select_n3A_934 : vector<16xi1>, vector<16xi32>
      %get3A_950 = arith.constant 63 : i32
      %get3A_951 = arith.index_cast %get3A_950 : i32 to index
      %get3A_952 = arith.constant 0 : index
      %get3A_953 = tpu.vector_load %arg4[%get3A_951, %get3A_952] {strides = array<i32>} : memref<64x16xf32, #tpu.memory_space<vmem>>, vector<1x16xf32>,
      %get3A_954 = vector.shape_cast %get3A_953 : vector<1x16xf32> to vector<16xf32>
      %broadcast_in_dim3A_955 = arith.constant 63 : i32
      %broadcast_in_dim3A_956 = vector.broadcast %broadcast_in_dim3A_955 : i32 to vector<16xi32>
      %gt3A_957 = arith.cmpf ogt, %get3A_954, %select_n3A_948 : vector<16xf32>
      %gt3A_958 = arith.cmpf ogt, %get3A_954, %select_n3A_945 : vector<16xf32>
      %select_n3A_959 = arith.select %gt3A_958, %get3A_954, %select_n3A_945 : vector<16xi1>, vector<16xf32>
      %select_n3A_960 = arith.select %gt3A_957, %select_n3A_948, %select_n3A_959 : vector<16xi1>, vector<16xf32>
      %select_n3A_961 = arith.select %gt3A_958, %broadcast_in_dim3A_956, %select_n3A_947 : vector<16xi1>, vector<16xi32>
      %select_n3A_962 = arith.select %gt3A_957, %select_n3A_949, %select_n3A_961 : vector<16xi1>, vector<16xi32>
      %select_n3A_963 = arith.select %gt3A_957, %get3A_954, %select_n3A_948 : vector<16xi1>, vector<16xf32>
      %select_n3A_964 = arith.select %gt3A_957, %broadcast_in_dim3A_956, %select_n3A_949 : vector<16xi1>, vector<16xi32>
      %broadcast_in_dim3A_965 = arith.constant 1.000000e+00 : f32
      %broadcast_in_dim3A_966 = vector.broadcast %broadcast_in_dim3A_965 : f32 to vector<16xf32>
      %sub3A = arith.subf %select_n3A_960, %select_n3A_963 : vector<16xf32>
      %exp3A = math.exp %sub3A : vector<16xf32>
      %add3A_967 = arith.addf %broadcast_in_dim3A_966, %exp3A : vector<16xf32>
      %div3A = arith.divf %broadcast_in_dim3A_966, %add3A_967 : vector<16xf32>
      %sub3A_968 = arith.subf %broadcast_in_dim3A_966, %div3A : vector<16xf32>
      %broadcast_in_dim3A_969 = arith.constant 0.000000e+00 : f32
      %broadcast_in_dim3A_970 = vector.broadcast %broadcast_in_dim3A_969 : f32 to vector<16xf32>
      %broadcast_in_dim3A_971 = arith.constant 0 : i32
      %broadcast_in_dim3A_972 = vector.broadcast %broadcast_in_dim3A_971 : i32 to vector<16xi32>
      %eq3A = arith.cmpi eq, %select_n3A_964, %broadcast_in_dim3A_972 : vector<16xi32>
      %eq3A_973 = arith.cmpi eq, %select_n3A_962, %broadcast_in_dim3A_972 : vector<16xi32>
      %select_n3A_974 = arith.select %eq3A_973, %sub3A_968, %broadcast_in_dim3A_970 : vector<16xi1>, vector<16xf32>
      %select_n3A_975 = arith.select %eq3A, %div3A, %select_n3A_974 : vector<16xi1>, vector<16xf32>
      %swap3A = arith.constant 0 : i32
      %swap3A_976 = arith.index_cast %swap3A : i32 to index
      %swap3A_977 = arith.constant 0 : index
      %swap3A_978 = tpu.vector_load %arg5[%swap3A_976, %swap3A_977] {strides = array<i32>} : memref<64x16xf32, #tpu.memory_space<vmem>>, vector<1x16xf32>,
      %swap3A_979 = vector.shape_cast %swap3A_978 : vector<1x16xf32> to vector<16xf32>
      %swap3A_980 = vector.shape_cast %select_n3A_975 : vector<16xf32> to vector<1x16xf32>
      tpu.vector_store %arg5[%swap3A_976, %swap3A_977], %swap3A_980 {strides = array<i32>} : memref<64x16xf32, #tpu.memory_space<vmem>>, vector<1x16xf32>,
      %broadcast_in_dim3A_981 = arith.constant 1 : i32
      %broadcast_in_dim3A_982 = vector.broadcast %broadcast_in_dim3A_981 : i32 to vector<16xi32>
      %eq3A_983 = arith.cmpi eq, %select_n3A_964, %broadcast_in_dim3A_982 : vector<16xi32>
      %eq3A_984 = arith.cmpi eq, %select_n3A_962, %broadcast_in_dim3A_982 : vector<16xi32>
      %select_n3A_985 = arith.select %eq3A_984, %sub3A_968, %broadcast_in_dim3A_970 : vector<16xi1>, vector<16xf32>
      %select_n3A_986 = arith.select %eq3A_983, %div3A, %select_n3A_985 : vector<16xi1>, vector<16xf32>
      %swap3A_987 = arith.constant 1 : i32
      %swap3A_988 = arith.index_cast %swap3A_987 : i32 to index
      %swap3A_989 = arith.constant 0 : index
      %swap3A_990 = tpu.vector_load %arg5[%swap3A_988, %swap3A_989] {strides = array<i32>} : memref<64x16xf32, #tpu.memory_space<vmem>>, vector<1x16xf32>,
      %swap3A_991 = vector.shape_cast %swap3A_990 : vector<1x16xf32> to vector<16xf32>
      %swap3A_992 = vector.shape_cast %select_n3A_986 : vector<16xf32> to vector<1x16xf32>
      tpu.vector_store %arg5[%swap3A_988, %swap3A_989], %swap3A_992 {strides = array<i32>} : memref<64x16xf32, #tpu.memory_space<vmem>>, vector<1x16xf32>,
      %broadcast_in_dim3A_993 = arith.constant 2 : i32
      %broadcast_in_dim3A_994 = vector.broadcast %broadcast_in_dim3A_993 : i32 to vector<16xi32>
      %eq3A_995 = arith.cmpi eq, %select_n3A_964, %broadcast_in_dim3A_994 : vector<16xi32>
      %eq3A_996 = arith.cmpi eq, %select_n3A_962, %broadcast_in_dim3A_994 : vector<16xi32>
      %select_n3A_997 = arith.select %eq3A_996, %sub3A_968, %broadcast_in_dim3A_970 : vector<16xi1>, vector<16xf32>
      %select_n3A_998 = arith.select %eq3A_995, %div3A, %select_n3A_997 : vector<16xi1>, vector<16xf32>
      %swap3A_999 = arith.constant 2 : i32
      %swap3A_1000 = arith.index_cast %swap3A_999 : i32 to index
      %swap3A_1001 = arith.constant 0 : index
      %swap3A_1002 = tpu.vector_load %arg5[%swap3A_1000, %swap3A_1001] {strides = array<i32>} : memref<64x16xf32, #tpu.memory_space<vmem>>, vector<1x16xf32>,
      %swap3A_1003 = vector.shape_cast %swap3A_1002 : vector<1x16xf32> to vector<16xf32>
      %swap3A_1004 = vector.shape_cast %select_n3A_998 : vector<16xf32> to vector<1x16xf32>
      tpu.vector_store %arg5[%swap3A_1000, %swap3A_1001], %swap3A_1004 {strides = array<i32>} : memref<64x16xf32, #tpu.memory_space<vmem>>, vector<1x16xf32>,
      %broadcast_in_dim3A_1005 = arith.constant 3 : i32
      %broadcast_in_dim3A_1006 = vector.broadcast %broadcast_in_dim3A_1005 : i32 to vector<16xi32>
      %eq3A_1007 = arith.cmpi eq, %select_n3A_964, %broadcast_in_dim3A_1006 : vector<16xi32>
      %eq3A_1008 = arith.cmpi eq, %select_n3A_962, %broadcast_in_dim3A_1006 : vector<16xi32>
      %select_n3A_1009 = arith.select %eq3A_1008, %sub3A_968, %broadcast_in_dim3A_970 : vector<16xi1>, vector<16xf32>
      %select_n3A_1010 = arith.select %eq3A_1007, %div3A, %select_n3A_1009 : vector<16xi1>, vector<16xf32>
      %swap3A_1011 = arith.constant 3 : i32
      %swap3A_1012 = arith.index_cast %swap3A_1011 : i32 to index
      %swap3A_1013 = arith.constant 0 : index
      %swap3A_1014 = tpu.vector_load %arg5[%swap3A_1012, %swap3A_1013] {strides = array<i32>} : memref<64x16xf32, #tpu.memory_space<vmem>>, vector<1x16xf32>,
      %swap3A_1015 = vector.shape_cast %swap3A_1014 : vector<1x16xf32> to vector<16xf32>
      %swap3A_1016 = vector.shape_cast %select_n3A_1010 : vector<16xf32> to vector<1x16xf32>
      tpu.vector_store %arg5[%swap3A_1012, %swap3A_1013], %swap3A_1016 {strides = array<i32>} : memref<64x16xf32, #tpu.memory_space<vmem>>, vector<1x16xf32>,
      %broadcast_in_dim3A_1017 = arith.constant 4 : i32
      %broadcast_in_dim3A_1018 = vector.broadcast %broadcast_in_dim3A_1017 : i32 to vector<16xi32>
      %eq3A_1019 = arith.cmpi eq, %select_n3A_964, %broadcast_in_dim3A_1018 : vector<16xi32>
      %eq3A_1020 = arith.cmpi eq, %select_n3A_962, %broadcast_in_dim3A_1018 : vector<16xi32>
      %select_n3A_1021 = arith.select %eq3A_1020, %sub3A_968, %broadcast_in_dim3A_970 : vector<16xi1>, vector<16xf32>
      %select_n3A_1022 = arith.select %eq3A_1019, %div3A, %select_n3A_1021 : vector<16xi1>, vector<16xf32>
      %swap3A_1023 = arith.constant 4 : i32
      %swap3A_1024 = arith.index_cast %swap3A_1023 : i32 to index
      %swap3A_1025 = arith.constant 0 : index
      %swap3A_1026 = tpu.vector_load %arg5[%swap3A_1024, %swap3A_1025] {strides = array<i32>} : memref<64x16xf32, #tpu.memory_space<vmem>>, vector<1x16xf32>,
      %swap3A_1027 = vector.shape_cast %swap3A_1026 : vector<1x16xf32> to vector<16xf32>
      %swap3A_1028 = vector.shape_cast %select_n3A_1022 : vector<16xf32> to vector<1x16xf32>
      tpu.vector_store %arg5[%swap3A_1024, %swap3A_1025], %swap3A_1028 {strides = array<i32>} : memref<64x16xf32, #tpu.memory_space<vmem>>, vector<1x16xf32>,
      %broadcast_in_dim3A_1029 = arith.constant 5 : i32
      %broadcast_in_dim3A_1030 = vector.broadcast %broadcast_in_dim3A_1029 : i32 to vector<16xi32>
      %eq3A_1031 = arith.cmpi eq, %select_n3A_964, %broadcast_in_dim3A_1030 : vector<16xi32>
      %eq3A_1032 = arith.cmpi eq, %select_n3A_962, %broadcast_in_dim3A_1030 : vector<16xi32>
      %select_n3A_1033 = arith.select %eq3A_1032, %sub3A_968, %broadcast_in_dim3A_970 : vector<16xi1>, vector<16xf32>
      %select_n3A_1034 = arith.select %eq3A_1031, %div3A, %select_n3A_1033 : vector<16xi1>, vector<16xf32>
      %swap3A_1035 = arith.constant 5 : i32
      %swap3A_1036 = arith.index_cast %swap3A_1035 : i32 to index
      %swap3A_1037 = arith.constant 0 : index
      %swap3A_1038 = tpu.vector_load %arg5[%swap3A_1036, %swap3A_1037] {strides = array<i32>} : memref<64x16xf32, #tpu.memory_space<vmem>>, vector<1x16xf32>,
      %swap3A_1039 = vector.shape_cast %swap3A_1038 : vector<1x16xf32> to vector<16xf32>
      %swap3A_1040 = vector.shape_cast %select_n3A_1034 : vector<16xf32> to vector<1x16xf32>
      tpu.vector_store %arg5[%swap3A_1036, %swap3A_1037], %swap3A_1040 {strides = array<i32>} : memref<64x16xf32, #tpu.memory_space<vmem>>, vector<1x16xf32>,
      %broadcast_in_dim3A_1041 = arith.constant 6 : i32
      %broadcast_in_dim3A_1042 = vector.broadcast %broadcast_in_dim3A_1041 : i32 to vector<16xi32>
      %eq3A_1043 = arith.cmpi eq, %select_n3A_964, %broadcast_in_dim3A_1042 : vector<16xi32>
      %eq3A_1044 = arith.cmpi eq, %select_n3A_962, %broadcast_in_dim3A_1042 : vector<16xi32>
      %select_n3A_1045 = arith.select %eq3A_1044, %sub3A_968, %broadcast_in_dim3A_970 : vector<16xi1>, vector<16xf32>
      %select_n3A_1046 = arith.select %eq3A_1043, %div3A, %select_n3A_1045 : vector<16xi1>, vector<16xf32>
      %swap3A_1047 = arith.constant 6 : i32
      %swap3A_1048 = arith.index_cast %swap3A_1047 : i32 to index
      %swap3A_1049 = arith.constant 0 : index
      %swap3A_1050 = tpu.vector_load %arg5[%swap3A_1048, %swap3A_1049] {strides = array<i32>} : memref<64x16xf32, #tpu.memory_space<vmem>>, vector<1x16xf32>,
      %swap3A_1051 = vector.shape_cast %swap3A_1050 : vector<1x16xf32> to vector<16xf32>
      %swap3A_1052 = vector.shape_cast %select_n3A_1046 : vector<16xf32> to vector<1x16xf32>
      tpu.vector_store %arg5[%swap3A_1048, %swap3A_1049], %swap3A_1052 {strides = array<i32>} : memref<64x16xf32, #tpu.memory_space<vmem>>, vector<1x16xf32>,
      %broadcast_in_dim3A_1053 = arith.constant 7 : i32
      %broadcast_in_dim3A_1054 = vector.broadcast %broadcast_in_dim3A_1053 : i32 to vector<16xi32>
      %eq3A_1055 = arith.cmpi eq, %select_n3A_964, %broadcast_in_dim3A_1054 : vector<16xi32>
      %eq3A_1056 = arith.cmpi eq, %select_n3A_962, %broadcast_in_dim3A_1054 : vector<16xi32>
      %select_n3A_1057 = arith.select %eq3A_1056, %sub3A_968, %broadcast_in_dim3A_970 : vector<16xi1>, vector<16xf32>
      %select_n3A_1058 = arith.select %eq3A_1055, %div3A, %select_n3A_1057 : vector<16xi1>, vector<16xf32>
      %swap3A_1059 = arith.constant 7 : i32
      %swap3A_1060 = arith.index_cast %swap3A_1059 : i32 to index
      %swap3A_1061 = arith.constant 0 : index
      %swap3A_1062 = tpu.vector_load %arg5[%swap3A_1060, %swap3A_1061] {strides = array<i32>} : memref<64x16xf32, #tpu.memory_space<vmem>>, vector<1x16xf32>,
      %swap3A_1063 = vector.shape_cast %swap3A_1062 : vector<1x16xf32> to vector<16xf32>
      %swap3A_1064 = vector.shape_cast %select_n3A_1058 : vector<16xf32> to vector<1x16xf32>
      tpu.vector_store %arg5[%swap3A_1060, %swap3A_1061], %swap3A_1064 {strides = array<i32>} : memref<64x16xf32, #tpu.memory_space<vmem>>, vector<1x16xf32>,
      %broadcast_in_dim3A_1065 = arith.constant 8 : i32
      %broadcast_in_dim3A_1066 = vector.broadcast %broadcast_in_dim3A_1065 : i32 to vector<16xi32>
      %eq3A_1067 = arith.cmpi eq, %select_n3A_964, %broadcast_in_dim3A_1066 : vector<16xi32>
      %eq3A_1068 = arith.cmpi eq, %select_n3A_962, %broadcast_in_dim3A_1066 : vector<16xi32>
      %select_n3A_1069 = arith.select %eq3A_1068, %sub3A_968, %broadcast_in_dim3A_970 : vector<16xi1>, vector<16xf32>
      %select_n3A_1070 = arith.select %eq3A_1067, %div3A, %select_n3A_1069 : vector<16xi1>, vector<16xf32>
      %swap3A_1071 = arith.constant 8 : i32
      %swap3A_1072 = arith.index_cast %swap3A_1071 : i32 to index
      %swap3A_1073 = arith.constant 0 : index
      %swap3A_1074 = tpu.vector_load %arg5[%swap3A_1072, %swap3A_1073] {strides = array<i32>} : memref<64x16xf32, #tpu.memory_space<vmem>>, vector<1x16xf32>,
      %swap3A_1075 = vector.shape_cast %swap3A_1074 : vector<1x16xf32> to vector<16xf32>
      %swap3A_1076 = vector.shape_cast %select_n3A_1070 : vector<16xf32> to vector<1x16xf32>
      tpu.vector_store %arg5[%swap3A_1072, %swap3A_1073], %swap3A_1076 {strides = array<i32>} : memref<64x16xf32, #tpu.memory_space<vmem>>, vector<1x16xf32>,
      %broadcast_in_dim3A_1077 = arith.constant 9 : i32
      %broadcast_in_dim3A_1078 = vector.broadcast %broadcast_in_dim3A_1077 : i32 to vector<16xi32>
      %eq3A_1079 = arith.cmpi eq, %select_n3A_964, %broadcast_in_dim3A_1078 : vector<16xi32>
      %eq3A_1080 = arith.cmpi eq, %select_n3A_962, %broadcast_in_dim3A_1078 : vector<16xi32>
      %select_n3A_1081 = arith.select %eq3A_1080, %sub3A_968, %broadcast_in_dim3A_970 : vector<16xi1>, vector<16xf32>
      %select_n3A_1082 = arith.select %eq3A_1079, %div3A, %select_n3A_1081 : vector<16xi1>, vector<16xf32>
      %swap3A_1083 = arith.constant 9 : i32
      %swap3A_1084 = arith.index_cast %swap3A_1083 : i32 to index
      %swap3A_1085 = arith.constant 0 : index
      %swap3A_1086 = tpu.vector_load %arg5[%swap3A_1084, %swap3A_1085] {strides = array<i32>} : memref<64x16xf32, #tpu.memory_space<vmem>>, vector<1x16xf32>,
      %swap3A_1087 = vector.shape_cast %swap3A_1086 : vector<1x16xf32> to vector<16xf32>
      %swap3A_1088 = vector.shape_cast %select_n3A_1082 : vector<16xf32> to vector<1x16xf32>
      tpu.vector_store %arg5[%swap3A_1084, %swap3A_1085], %swap3A_1088 {strides = array<i32>} : memref<64x16xf32, #tpu.memory_space<vmem>>, vector<1x16xf32>,
      %broadcast_in_dim3A_1089 = arith.constant 10 : i32
      %broadcast_in_dim3A_1090 = vector.broadcast %broadcast_in_dim3A_1089 : i32 to vector<16xi32>
      %eq3A_1091 = arith.cmpi eq, %select_n3A_964, %broadcast_in_dim3A_1090 : vector<16xi32>
      %eq3A_1092 = arith.cmpi eq, %select_n3A_962, %broadcast_in_dim3A_1090 : vector<16xi32>
      %select_n3A_1093 = arith.select %eq3A_1092, %sub3A_968, %broadcast_in_dim3A_970 : vector<16xi1>, vector<16xf32>
      %select_n3A_1094 = arith.select %eq3A_1091, %div3A, %select_n3A_1093 : vector<16xi1>, vector<16xf32>
      %swap3A_1095 = arith.constant 10 : i32
      %swap3A_1096 = arith.index_cast %swap3A_1095 : i32 to index
      %swap3A_1097 = arith.constant 0 : index
      %swap3A_1098 = tpu.vector_load %arg5[%swap3A_1096, %swap3A_1097] {strides = array<i32>} : memref<64x16xf32, #tpu.memory_space<vmem>>, vector<1x16xf32>,
      %swap3A_1099 = vector.shape_cast %swap3A_1098 : vector<1x16xf32> to vector<16xf32>
      %swap3A_1100 = vector.shape_cast %select_n3A_1094 : vector<16xf32> to vector<1x16xf32>
      tpu.vector_store %arg5[%swap3A_1096, %swap3A_1097], %swap3A_1100 {strides = array<i32>} : memref<64x16xf32, #tpu.memory_space<vmem>>, vector<1x16xf32>,
      %broadcast_in_dim3A_1101 = arith.constant 11 : i32
      %broadcast_in_dim3A_1102 = vector.broadcast %broadcast_in_dim3A_1101 : i32 to vector<16xi32>
      %eq3A_1103 = arith.cmpi eq, %select_n3A_964, %broadcast_in_dim3A_1102 : vector<16xi32>
      %eq3A_1104 = arith.cmpi eq, %select_n3A_962, %broadcast_in_dim3A_1102 : vector<16xi32>
      %select_n3A_1105 = arith.select %eq3A_1104, %sub3A_968, %broadcast_in_dim3A_970 : vector<16xi1>, vector<16xf32>
      %select_n3A_1106 = arith.select %eq3A_1103, %div3A, %select_n3A_1105 : vector<16xi1>, vector<16xf32>
      %swap3A_1107 = arith.constant 11 : i32
      %swap3A_1108 = arith.index_cast %swap3A_1107 : i32 to index
      %swap3A_1109 = arith.constant 0 : index
      %swap3A_1110 = tpu.vector_load %arg5[%swap3A_1108, %swap3A_1109] {strides = array<i32>} : memref<64x16xf32, #tpu.memory_space<vmem>>, vector<1x16xf32>,
      %swap3A_1111 = vector.shape_cast %swap3A_1110 : vector<1x16xf32> to vector<16xf32>
      %swap3A_1112 = vector.shape_cast %select_n3A_1106 : vector<16xf32> to vector<1x16xf32>
      tpu.vector_store %arg5[%swap3A_1108, %swap3A_1109], %swap3A_1112 {strides = array<i32>} : memref<64x16xf32, #tpu.memory_space<vmem>>, vector<1x16xf32>,
      %broadcast_in_dim3A_1113 = arith.constant 12 : i32
      %broadcast_in_dim3A_1114 = vector.broadcast %broadcast_in_dim3A_1113 : i32 to vector<16xi32>
      %eq3A_1115 = arith.cmpi eq, %select_n3A_964, %broadcast_in_dim3A_1114 : vector<16xi32>
      %eq3A_1116 = arith.cmpi eq, %select_n3A_962, %broadcast_in_dim3A_1114 : vector<16xi32>
      %select_n3A_1117 = arith.select %eq3A_1116, %sub3A_968, %broadcast_in_dim3A_970 : vector<16xi1>, vector<16xf32>
      %select_n3A_1118 = arith.select %eq3A_1115, %div3A, %select_n3A_1117 : vector<16xi1>, vector<16xf32>
      %swap3A_1119 = arith.constant 12 : i32
      %swap3A_1120 = arith.index_cast %swap3A_1119 : i32 to index
      %swap3A_1121 = arith.constant 0 : index
      %swap3A_1122 = tpu.vector_load %arg5[%swap3A_1120, %swap3A_1121] {strides = array<i32>} : memref<64x16xf32, #tpu.memory_space<vmem>>, vector<1x16xf32>,
      %swap3A_1123 = vector.shape_cast %swap3A_1122 : vector<1x16xf32> to vector<16xf32>
      %swap3A_1124 = vector.shape_cast %select_n3A_1118 : vector<16xf32> to vector<1x16xf32>
      tpu.vector_store %arg5[%swap3A_1120, %swap3A_1121], %swap3A_1124 {strides = array<i32>} : memref<64x16xf32, #tpu.memory_space<vmem>>, vector<1x16xf32>,
      %broadcast_in_dim3A_1125 = arith.constant 13 : i32
      %broadcast_in_dim3A_1126 = vector.broadcast %broadcast_in_dim3A_1125 : i32 to vector<16xi32>
      %eq3A_1127 = arith.cmpi eq, %select_n3A_964, %broadcast_in_dim3A_1126 : vector<16xi32>
      %eq3A_1128 = arith.cmpi eq, %select_n3A_962, %broadcast_in_dim3A_1126 : vector<16xi32>
      %select_n3A_1129 = arith.select %eq3A_1128, %sub3A_968, %broadcast_in_dim3A_970 : vector<16xi1>, vector<16xf32>
      %select_n3A_1130 = arith.select %eq3A_1127, %div3A, %select_n3A_1129 : vector<16xi1>, vector<16xf32>
      %swap3A_1131 = arith.constant 13 : i32
      %swap3A_1132 = arith.index_cast %swap3A_1131 : i32 to index
      %swap3A_1133 = arith.constant 0 : index
      %swap3A_1134 = tpu.vector_load %arg5[%swap3A_1132, %swap3A_1133] {strides = array<i32>} : memref<64x16xf32, #tpu.memory_space<vmem>>, vector<1x16xf32>,
      %swap3A_1135 = vector.shape_cast %swap3A_1134 : vector<1x16xf32> to vector<16xf32>
      %swap3A_1136 = vector.shape_cast %select_n3A_1130 : vector<16xf32> to vector<1x16xf32>
      tpu.vector_store %arg5[%swap3A_1132, %swap3A_1133], %swap3A_1136 {strides = array<i32>} : memref<64x16xf32, #tpu.memory_space<vmem>>, vector<1x16xf32>,
      %broadcast_in_dim3A_1137 = arith.constant 14 : i32
      %broadcast_in_dim3A_1138 = vector.broadcast %broadcast_in_dim3A_1137 : i32 to vector<16xi32>
      %eq3A_1139 = arith.cmpi eq, %select_n3A_964, %broadcast_in_dim3A_1138 : vector<16xi32>
      %eq3A_1140 = arith.cmpi eq, %select_n3A_962, %broadcast_in_dim3A_1138 : vector<16xi32>
      %select_n3A_1141 = arith.select %eq3A_1140, %sub3A_968, %broadcast_in_dim3A_970 : vector<16xi1>, vector<16xf32>
      %select_n3A_1142 = arith.select %eq3A_1139, %div3A, %select_n3A_1141 : vector<16xi1>, vector<16xf32>
      %swap3A_1143 = arith.constant 14 : i32
      %swap3A_1144 = arith.index_cast %swap3A_1143 : i32 to index
      %swap3A_1145 = arith.constant 0 : index
      %swap3A_1146 = tpu.vector_load %arg5[%swap3A_1144, %swap3A_1145] {strides = array<i32>} : memref<64x16xf32, #tpu.memory_space<vmem>>, vector<1x16xf32>,
      %swap3A_1147 = vector.shape_cast %swap3A_1146 : vector<1x16xf32> to vector<16xf32>
      %swap3A_1148 = vector.shape_cast %select_n3A_1142 : vector<16xf32> to vector<1x16xf32>
      tpu.vector_store %arg5[%swap3A_1144, %swap3A_1145], %swap3A_1148 {strides = array<i32>} : memref<64x16xf32, #tpu.memory_space<vmem>>, vector<1x16xf32>,
      %broadcast_in_dim3A_1149 = arith.constant 15 : i32
      %broadcast_in_dim3A_1150 = vector.broadcast %broadcast_in_dim3A_1149 : i32 to vector<16xi32>
      %eq3A_1151 = arith.cmpi eq, %select_n3A_964, %broadcast_in_dim3A_1150 : vector<16xi32>
      %eq3A_1152 = arith.cmpi eq, %select_n3A_962, %broadcast_in_dim3A_1150 : vector<16xi32>
      %select_n3A_1153 = arith.select %eq3A_1152, %sub3A_968, %broadcast_in_dim3A_970 : vector<16xi1>, vector<16xf32>
      %select_n3A_1154 = arith.select %eq3A_1151, %div3A, %select_n3A_1153 : vector<16xi1>, vector<16xf32>
      %swap3A_1155 = arith.constant 15 : i32
      %swap3A_1156 = arith.index_cast %swap3A_1155 : i32 to index
      %swap3A_1157 = arith.constant 0 : index
      %swap3A_1158 = tpu.vector_load %arg5[%swap3A_1156, %swap3A_1157] {strides = array<i32>} : memref<64x16xf32, #tpu.memory_space<vmem>>, vector<1x16xf32>,
      %swap3A_1159 = vector.shape_cast %swap3A_1158 : vector<1x16xf32> to vector<16xf32>
      %swap3A_1160 = vector.shape_cast %select_n3A_1154 : vector<16xf32> to vector<1x16xf32>
      tpu.vector_store %arg5[%swap3A_1156, %swap3A_1157], %swap3A_1160 {strides = array<i32>} : memref<64x16xf32, #tpu.memory_space<vmem>>, vector<1x16xf32>,
      %broadcast_in_dim3A_1161 = arith.constant 16 : i32
      %broadcast_in_dim3A_1162 = vector.broadcast %broadcast_in_dim3A_1161 : i32 to vector<16xi32>
      %eq3A_1163 = arith.cmpi eq, %select_n3A_964, %broadcast_in_dim3A_1162 : vector<16xi32>
      %eq3A_1164 = arith.cmpi eq, %select_n3A_962, %broadcast_in_dim3A_1162 : vector<16xi32>
      %select_n3A_1165 = arith.select %eq3A_1164, %sub3A_968, %broadcast_in_dim3A_970 : vector<16xi1>, vector<16xf32>
      %select_n3A_1166 = arith.select %eq3A_1163, %div3A, %select_n3A_1165 : vector<16xi1>, vector<16xf32>
      %swap3A_1167 = arith.constant 16 : i32
      %swap3A_1168 = arith.index_cast %swap3A_1167 : i32 to index
      %swap3A_1169 = arith.constant 0 : index
      %swap3A_1170 = tpu.vector_load %arg5[%swap3A_1168, %swap3A_1169] {strides = array<i32>} : memref<64x16xf32, #tpu.memory_space<vmem>>, vector<1x16xf32>,
      %swap3A_1171 = vector.shape_cast %swap3A_1170 : vector<1x16xf32> to vector<16xf32>
      %swap3A_1172 = vector.shape_cast %select_n3A_1166 : vector<16xf32> to vector<1x16xf32>
      tpu.vector_store %arg5[%swap3A_1168, %swap3A_1169], %swap3A_1172 {strides = array<i32>} : memref<64x16xf32, #tpu.memory_space<vmem>>, vector<1x16xf32>,
      %broadcast_in_dim3A_1173 = arith.constant 17 : i32
      %broadcast_in_dim3A_1174 = vector.broadcast %broadcast_in_dim3A_1173 : i32 to vector<16xi32>
      %eq3A_1175 = arith.cmpi eq, %select_n3A_964, %broadcast_in_dim3A_1174 : vector<16xi32>
      %eq3A_1176 = arith.cmpi eq, %select_n3A_962, %broadcast_in_dim3A_1174 : vector<16xi32>
      %select_n3A_1177 = arith.select %eq3A_1176, %sub3A_968, %broadcast_in_dim3A_970 : vector<16xi1>, vector<16xf32>
      %select_n3A_1178 = arith.select %eq3A_1175, %div3A, %select_n3A_1177 : vector<16xi1>, vector<16xf32>
      %swap3A_1179 = arith.constant 17 : i32
      %swap3A_1180 = arith.index_cast %swap3A_1179 : i32 to index
      %swap3A_1181 = arith.constant 0 : index
      %swap3A_1182 = tpu.vector_load %arg5[%swap3A_1180, %swap3A_1181] {strides = array<i32>} : memref<64x16xf32, #tpu.memory_space<vmem>>, vector<1x16xf32>,
      %swap3A_1183 = vector.shape_cast %swap3A_1182 : vector<1x16xf32> to vector<16xf32>
      %swap3A_1184 = vector.shape_cast %select_n3A_1178 : vector<16xf32> to vector<1x16xf32>
      tpu.vector_store %arg5[%swap3A_1180, %swap3A_1181], %swap3A_1184 {strides = array<i32>} : memref<64x16xf32, #tpu.memory_space<vmem>>, vector<1x16xf32>,
      %broadcast_in_dim3A_1185 = arith.constant 18 : i32
      %broadcast_in_dim3A_1186 = vector.broadcast %broadcast_in_dim3A_1185 : i32 to vector<16xi32>
      %eq3A_1187 = arith.cmpi eq, %select_n3A_964, %broadcast_in_dim3A_1186 : vector<16xi32>
      %eq3A_1188 = arith.cmpi eq, %select_n3A_962, %broadcast_in_dim3A_1186 : vector<16xi32>
      %select_n3A_1189 = arith.select %eq3A_1188, %sub3A_968, %broadcast_in_dim3A_970 : vector<16xi1>, vector<16xf32>
      %select_n3A_1190 = arith.select %eq3A_1187, %div3A, %select_n3A_1189 : vector<16xi1>, vector<16xf32>
      %swap3A_1191 = arith.constant 18 : i32
      %swap3A_1192 = arith.index_cast %swap3A_1191 : i32 to index
      %swap3A_1193 = arith.constant 0 : index
      %swap3A_1194 = tpu.vector_load %arg5[%swap3A_1192, %swap3A_1193] {strides = array<i32>} : memref<64x16xf32, #tpu.memory_space<vmem>>, vector<1x16xf32>,
      %swap3A_1195 = vector.shape_cast %swap3A_1194 : vector<1x16xf32> to vector<16xf32>
      %swap3A_1196 = vector.shape_cast %select_n3A_1190 : vector<16xf32> to vector<1x16xf32>
      tpu.vector_store %arg5[%swap3A_1192, %swap3A_1193], %swap3A_1196 {strides = array<i32>} : memref<64x16xf32, #tpu.memory_space<vmem>>, vector<1x16xf32>,
      %broadcast_in_dim3A_1197 = arith.constant 19 : i32
      %broadcast_in_dim3A_1198 = vector.broadcast %broadcast_in_dim3A_1197 : i32 to vector<16xi32>
      %eq3A_1199 = arith.cmpi eq, %select_n3A_964, %broadcast_in_dim3A_1198 : vector<16xi32>
      %eq3A_1200 = arith.cmpi eq, %select_n3A_962, %broadcast_in_dim3A_1198 : vector<16xi32>
      %select_n3A_1201 = arith.select %eq3A_1200, %sub3A_968, %broadcast_in_dim3A_970 : vector<16xi1>, vector<16xf32>
      %select_n3A_1202 = arith.select %eq3A_1199, %div3A, %select_n3A_1201 : vector<16xi1>, vector<16xf32>
      %swap3A_1203 = arith.constant 19 : i32
      %swap3A_1204 = arith.index_cast %swap3A_1203 : i32 to index
      %swap3A_1205 = arith.constant 0 : index
      %swap3A_1206 = tpu.vector_load %arg5[%swap3A_1204, %swap3A_1205] {strides = array<i32>} : memref<64x16xf32, #tpu.memory_space<vmem>>, vector<1x16xf32>,
      %swap3A_1207 = vector.shape_cast %swap3A_1206 : vector<1x16xf32> to vector<16xf32>
      %swap3A_1208 = vector.shape_cast %select_n3A_1202 : vector<16xf32> to vector<1x16xf32>
      tpu.vector_store %arg5[%swap3A_1204, %swap3A_1205], %swap3A_1208 {strides = array<i32>} : memref<64x16xf32, #tpu.memory_space<vmem>>, vector<1x16xf32>,
      %broadcast_in_dim3A_1209 = arith.constant 20 : i32
      %broadcast_in_dim3A_1210 = vector.broadcast %broadcast_in_dim3A_1209 : i32 to vector<16xi32>
      %eq3A_1211 = arith.cmpi eq, %select_n3A_964, %broadcast_in_dim3A_1210 : vector<16xi32>
      %eq3A_1212 = arith.cmpi eq, %select_n3A_962, %broadcast_in_dim3A_1210 : vector<16xi32>
      %select_n3A_1213 = arith.select %eq3A_1212, %sub3A_968, %broadcast_in_dim3A_970 : vector<16xi1>, vector<16xf32>
      %select_n3A_1214 = arith.select %eq3A_1211, %div3A, %select_n3A_1213 : vector<16xi1>, vector<16xf32>
      %swap3A_1215 = arith.constant 20 : i32
      %swap3A_1216 = arith.index_cast %swap3A_1215 : i32 to index
      %swap3A_1217 = arith.constant 0 : index
      %swap3A_1218 = tpu.vector_load %arg5[%swap3A_1216, %swap3A_1217] {strides = array<i32>} : memref<64x16xf32, #tpu.memory_space<vmem>>, vector<1x16xf32>,
      %swap3A_1219 = vector.shape_cast %swap3A_1218 : vector<1x16xf32> to vector<16xf32>
      %swap3A_1220 = vector.shape_cast %select_n3A_1214 : vector<16xf32> to vector<1x16xf32>
      tpu.vector_store %arg5[%swap3A_1216, %swap3A_1217], %swap3A_1220 {strides = array<i32>} : memref<64x16xf32, #tpu.memory_space<vmem>>, vector<1x16xf32>,
      %broadcast_in_dim3A_1221 = arith.constant 21 : i32
      %broadcast_in_dim3A_1222 = vector.broadcast %broadcast_in_dim3A_1221 : i32 to vector<16xi32>
      %eq3A_1223 = arith.cmpi eq, %select_n3A_964, %broadcast_in_dim3A_1222 : vector<16xi32>
      %eq3A_1224 = arith.cmpi eq, %select_n3A_962, %broadcast_in_dim3A_1222 : vector<16xi32>
      %select_n3A_1225 = arith.select %eq3A_1224, %sub3A_968, %broadcast_in_dim3A_970 : vector<16xi1>, vector<16xf32>
      %select_n3A_1226 = arith.select %eq3A_1223, %div3A, %select_n3A_1225 : vector<16xi1>, vector<16xf32>
      %swap3A_1227 = arith.constant 21 : i32
      %swap3A_1228 = arith.index_cast %swap3A_1227 : i32 to index
      %swap3A_1229 = arith.constant 0 : index
      %swap3A_1230 = tpu.vector_load %arg5[%swap3A_1228, %swap3A_1229] {strides = array<i32>} : memref<64x16xf32, #tpu.memory_space<vmem>>, vector<1x16xf32>,
      %swap3A_1231 = vector.shape_cast %swap3A_1230 : vector<1x16xf32> to vector<16xf32>
      %swap3A_1232 = vector.shape_cast %select_n3A_1226 : vector<16xf32> to vector<1x16xf32>
      tpu.vector_store %arg5[%swap3A_1228, %swap3A_1229], %swap3A_1232 {strides = array<i32>} : memref<64x16xf32, #tpu.memory_space<vmem>>, vector<1x16xf32>,
      %broadcast_in_dim3A_1233 = arith.constant 22 : i32
      %broadcast_in_dim3A_1234 = vector.broadcast %broadcast_in_dim3A_1233 : i32 to vector<16xi32>
      %eq3A_1235 = arith.cmpi eq, %select_n3A_964, %broadcast_in_dim3A_1234 : vector<16xi32>
      %eq3A_1236 = arith.cmpi eq, %select_n3A_962, %broadcast_in_dim3A_1234 : vector<16xi32>
      %select_n3A_1237 = arith.select %eq3A_1236, %sub3A_968, %broadcast_in_dim3A_970 : vector<16xi1>, vector<16xf32>
      %select_n3A_1238 = arith.select %eq3A_1235, %div3A, %select_n3A_1237 : vector<16xi1>, vector<16xf32>
      %swap3A_1239 = arith.constant 22 : i32
      %swap3A_1240 = arith.index_cast %swap3A_1239 : i32 to index
      %swap3A_1241 = arith.constant 0 : index
      %swap3A_1242 = tpu.vector_load %arg5[%swap3A_1240, %swap3A_1241] {strides = array<i32>} : memref<64x16xf32, #tpu.memory_space<vmem>>, vector<1x16xf32>,
      %swap3A_1243 = vector.shape_cast %swap3A_1242 : vector<1x16xf32> to vector<16xf32>
      %swap3A_1244 = vector.shape_cast %select_n3A_1238 : vector<16xf32> to vector<1x16xf32>
      tpu.vector_store %arg5[%swap3A_1240, %swap3A_1241], %swap3A_1244 {strides = array<i32>} : memref<64x16xf32, #tpu.memory_space<vmem>>, vector<1x16xf32>,
      %broadcast_in_dim3A_1245 = arith.constant 23 : i32
      %broadcast_in_dim3A_1246 = vector.broadcast %broadcast_in_dim3A_1245 : i32 to vector<16xi32>
      %eq3A_1247 = arith.cmpi eq, %select_n3A_964, %broadcast_in_dim3A_1246 : vector<16xi32>
      %eq3A_1248 = arith.cmpi eq, %select_n3A_962, %broadcast_in_dim3A_1246 : vector<16xi32>
      %select_n3A_1249 = arith.select %eq3A_1248, %sub3A_968, %broadcast_in_dim3A_970 : vector<16xi1>, vector<16xf32>
      %select_n3A_1250 = arith.select %eq3A_1247, %div3A, %select_n3A_1249 : vector<16xi1>, vector<16xf32>
      %swap3A_1251 = arith.constant 23 : i32
      %swap3A_1252 = arith.index_cast %swap3A_1251 : i32 to index
      %swap3A_1253 = arith.constant 0 : index
      %swap3A_1254 = tpu.vector_load %arg5[%swap3A_1252, %swap3A_1253] {strides = array<i32>} : memref<64x16xf32, #tpu.memory_space<vmem>>, vector<1x16xf32>,
      %swap3A_1255 = vector.shape_cast %swap3A_1254 : vector<1x16xf32> to vector<16xf32>
      %swap3A_1256 = vector.shape_cast %select_n3A_1250 : vector<16xf32> to vector<1x16xf32>
      tpu.vector_store %arg5[%swap3A_1252, %swap3A_1253], %swap3A_1256 {strides = array<i32>} : memref<64x16xf32, #tpu.memory_space<vmem>>, vector<1x16xf32>,
      %broadcast_in_dim3A_1257 = arith.constant 24 : i32
      %broadcast_in_dim3A_1258 = vector.broadcast %broadcast_in_dim3A_1257 : i32 to vector<16xi32>
      %eq3A_1259 = arith.cmpi eq, %select_n3A_964, %broadcast_in_dim3A_1258 : vector<16xi32>
      %eq3A_1260 = arith.cmpi eq, %select_n3A_962, %broadcast_in_dim3A_1258 : vector<16xi32>
      %select_n3A_1261 = arith.select %eq3A_1260, %sub3A_968, %broadcast_in_dim3A_970 : vector<16xi1>, vector<16xf32>
      %select_n3A_1262 = arith.select %eq3A_1259, %div3A, %select_n3A_1261 : vector<16xi1>, vector<16xf32>
      %swap3A_1263 = arith.constant 24 : i32
      %swap3A_1264 = arith.index_cast %swap3A_1263 : i32 to index
      %swap3A_1265 = arith.constant 0 : index
      %swap3A_1266 = tpu.vector_load %arg5[%swap3A_1264, %swap3A_1265] {strides = array<i32>} : memref<64x16xf32, #tpu.memory_space<vmem>>, vector<1x16xf32>,
      %swap3A_1267 = vector.shape_cast %swap3A_1266 : vector<1x16xf32> to vector<16xf32>
      %swap3A_1268 = vector.shape_cast %select_n3A_1262 : vector<16xf32> to vector<1x16xf32>
      tpu.vector_store %arg5[%swap3A_1264, %swap3A_1265], %swap3A_1268 {strides = array<i32>} : memref<64x16xf32, #tpu.memory_space<vmem>>, vector<1x16xf32>,
      %broadcast_in_dim3A_1269 = arith.constant 25 : i32
      %broadcast_in_dim3A_1270 = vector.broadcast %broadcast_in_dim3A_1269 : i32 to vector<16xi32>
      %eq3A_1271 = arith.cmpi eq, %select_n3A_964, %broadcast_in_dim3A_1270 : vector<16xi32>
      %eq3A_1272 = arith.cmpi eq, %select_n3A_962, %broadcast_in_dim3A_1270 : vector<16xi32>
      %select_n3A_1273 = arith.select %eq3A_1272, %sub3A_968, %broadcast_in_dim3A_970 : vector<16xi1>, vector<16xf32>
      %select_n3A_1274 = arith.select %eq3A_1271, %div3A, %select_n3A_1273 : vector<16xi1>, vector<16xf32>
      %swap3A_1275 = arith.constant 25 : i32
      %swap3A_1276 = arith.index_cast %swap3A_1275 : i32 to index
      %swap3A_1277 = arith.constant 0 : index
      %swap3A_1278 = tpu.vector_load %arg5[%swap3A_1276, %swap3A_1277] {strides = array<i32>} : memref<64x16xf32, #tpu.memory_space<vmem>>, vector<1x16xf32>,
      %swap3A_1279 = vector.shape_cast %swap3A_1278 : vector<1x16xf32> to vector<16xf32>
      %swap3A_1280 = vector.shape_cast %select_n3A_1274 : vector<16xf32> to vector<1x16xf32>
      tpu.vector_store %arg5[%swap3A_1276, %swap3A_1277], %swap3A_1280 {strides = array<i32>} : memref<64x16xf32, #tpu.memory_space<vmem>>, vector<1x16xf32>,
      %broadcast_in_dim3A_1281 = arith.constant 26 : i32
      %broadcast_in_dim3A_1282 = vector.broadcast %broadcast_in_dim3A_1281 : i32 to vector<16xi32>
      %eq3A_1283 = arith.cmpi eq, %select_n3A_964, %broadcast_in_dim3A_1282 : vector<16xi32>
      %eq3A_1284 = arith.cmpi eq, %select_n3A_962, %broadcast_in_dim3A_1282 : vector<16xi32>
      %select_n3A_1285 = arith.select %eq3A_1284, %sub3A_968, %broadcast_in_dim3A_970 : vector<16xi1>, vector<16xf32>
      %select_n3A_1286 = arith.select %eq3A_1283, %div3A, %select_n3A_1285 : vector<16xi1>, vector<16xf32>
      %swap3A_1287 = arith.constant 26 : i32
      %swap3A_1288 = arith.index_cast %swap3A_1287 : i32 to index
      %swap3A_1289 = arith.constant 0 : index
      %swap3A_1290 = tpu.vector_load %arg5[%swap3A_1288, %swap3A_1289] {strides = array<i32>} : memref<64x16xf32, #tpu.memory_space<vmem>>, vector<1x16xf32>,
      %swap3A_1291 = vector.shape_cast %swap3A_1290 : vector<1x16xf32> to vector<16xf32>
      %swap3A_1292 = vector.shape_cast %select_n3A_1286 : vector<16xf32> to vector<1x16xf32>
      tpu.vector_store %arg5[%swap3A_1288, %swap3A_1289], %swap3A_1292 {strides = array<i32>} : memref<64x16xf32, #tpu.memory_space<vmem>>, vector<1x16xf32>,
      %broadcast_in_dim3A_1293 = arith.constant 27 : i32
      %broadcast_in_dim3A_1294 = vector.broadcast %broadcast_in_dim3A_1293 : i32 to vector<16xi32>
      %eq3A_1295 = arith.cmpi eq, %select_n3A_964, %broadcast_in_dim3A_1294 : vector<16xi32>
      %eq3A_1296 = arith.cmpi eq, %select_n3A_962, %broadcast_in_dim3A_1294 : vector<16xi32>
      %select_n3A_1297 = arith.select %eq3A_1296, %sub3A_968, %broadcast_in_dim3A_970 : vector<16xi1>, vector<16xf32>
      %select_n3A_1298 = arith.select %eq3A_1295, %div3A, %select_n3A_1297 : vector<16xi1>, vector<16xf32>
      %swap3A_1299 = arith.constant 27 : i32
      %swap3A_1300 = arith.index_cast %swap3A_1299 : i32 to index
      %swap3A_1301 = arith.constant 0 : index
      %swap3A_1302 = tpu.vector_load %arg5[%swap3A_1300, %swap3A_1301] {strides = array<i32>} : memref<64x16xf32, #tpu.memory_space<vmem>>, vector<1x16xf32>,
      %swap3A_1303 = vector.shape_cast %swap3A_1302 : vector<1x16xf32> to vector<16xf32>
      %swap3A_1304 = vector.shape_cast %select_n3A_1298 : vector<16xf32> to vector<1x16xf32>
      tpu.vector_store %arg5[%swap3A_1300, %swap3A_1301], %swap3A_1304 {strides = array<i32>} : memref<64x16xf32, #tpu.memory_space<vmem>>, vector<1x16xf32>,
      %broadcast_in_dim3A_1305 = arith.constant 28 : i32
      %broadcast_in_dim3A_1306 = vector.broadcast %broadcast_in_dim3A_1305 : i32 to vector<16xi32>
      %eq3A_1307 = arith.cmpi eq, %select_n3A_964, %broadcast_in_dim3A_1306 : vector<16xi32>
      %eq3A_1308 = arith.cmpi eq, %select_n3A_962, %broadcast_in_dim3A_1306 : vector<16xi32>
      %select_n3A_1309 = arith.select %eq3A_1308, %sub3A_968, %broadcast_in_dim3A_970 : vector<16xi1>, vector<16xf32>
      %select_n3A_1310 = arith.select %eq3A_1307, %div3A, %select_n3A_1309 : vector<16xi1>, vector<16xf32>
      %swap3A_1311 = arith.constant 28 : i32
      %swap3A_1312 = arith.index_cast %swap3A_1311 : i32 to index
      %swap3A_1313 = arith.constant 0 : index
      %swap3A_1314 = tpu.vector_load %arg5[%swap3A_1312, %swap3A_1313] {strides = array<i32>} : memref<64x16xf32, #tpu.memory_space<vmem>>, vector<1x16xf32>,
      %swap3A_1315 = vector.shape_cast %swap3A_1314 : vector<1x16xf32> to vector<16xf32>
      %swap3A_1316 = vector.shape_cast %select_n3A_1310 : vector<16xf32> to vector<1x16xf32>
      tpu.vector_store %arg5[%swap3A_1312, %swap3A_1313], %swap3A_1316 {strides = array<i32>} : memref<64x16xf32, #tpu.memory_space<vmem>>, vector<1x16xf32>,
      %broadcast_in_dim3A_1317 = arith.constant 29 : i32
      %broadcast_in_dim3A_1318 = vector.broadcast %broadcast_in_dim3A_1317 : i32 to vector<16xi32>
      %eq3A_1319 = arith.cmpi eq, %select_n3A_964, %broadcast_in_dim3A_1318 : vector<16xi32>
      %eq3A_1320 = arith.cmpi eq, %select_n3A_962, %broadcast_in_dim3A_1318 : vector<16xi32>
      %select_n3A_1321 = arith.select %eq3A_1320, %sub3A_968, %broadcast_in_dim3A_970 : vector<16xi1>, vector<16xf32>
      %select_n3A_1322 = arith.select %eq3A_1319, %div3A, %select_n3A_1321 : vector<16xi1>, vector<16xf32>
      %swap3A_1323 = arith.constant 29 : i32
      %swap3A_1324 = arith.index_cast %swap3A_1323 : i32 to index
      %swap3A_1325 = arith.constant 0 : index
      %swap3A_1326 = tpu.vector_load %arg5[%swap3A_1324, %swap3A_1325] {strides = array<i32>} : memref<64x16xf32, #tpu.memory_space<vmem>>, vector<1x16xf32>,
      %swap3A_1327 = vector.shape_cast %swap3A_1326 : vector<1x16xf32> to vector<16xf32>
      %swap3A_1328 = vector.shape_cast %select_n3A_1322 : vector<16xf32> to vector<1x16xf32>
      tpu.vector_store %arg5[%swap3A_1324, %swap3A_1325], %swap3A_1328 {strides = array<i32>} : memref<64x16xf32, #tpu.memory_space<vmem>>, vector<1x16xf32>,
      %broadcast_in_dim3A_1329 = arith.constant 30 : i32
      %broadcast_in_dim3A_1330 = vector.broadcast %broadcast_in_dim3A_1329 : i32 to vector<16xi32>
      %eq3A_1331 = arith.cmpi eq, %select_n3A_964, %broadcast_in_dim3A_1330 : vector<16xi32>
      %eq3A_1332 = arith.cmpi eq, %select_n3A_962, %broadcast_in_dim3A_1330 : vector<16xi32>
      %select_n3A_1333 = arith.select %eq3A_1332, %sub3A_968, %broadcast_in_dim3A_970 : vector<16xi1>, vector<16xf32>
      %select_n3A_1334 = arith.select %eq3A_1331, %div3A, %select_n3A_1333 : vector<16xi1>, vector<16xf32>
      %swap3A_1335 = arith.constant 30 : i32
      %swap3A_1336 = arith.index_cast %swap3A_1335 : i32 to index
      %swap3A_1337 = arith.constant 0 : index
      %swap3A_1338 = tpu.vector_load %arg5[%swap3A_1336, %swap3A_1337] {strides = array<i32>} : memref<64x16xf32, #tpu.memory_space<vmem>>, vector<1x16xf32>,
      %swap3A_1339 = vector.shape_cast %swap3A_1338 : vector<1x16xf32> to vector<16xf32>
      %swap3A_1340 = vector.shape_cast %select_n3A_1334 : vector<16xf32> to vector<1x16xf32>
      tpu.vector_store %arg5[%swap3A_1336, %swap3A_1337], %swap3A_1340 {strides = array<i32>} : memref<64x16xf32, #tpu.memory_space<vmem>>, vector<1x16xf32>,
      %broadcast_in_dim3A_1341 = arith.constant 31 : i32
      %broadcast_in_dim3A_1342 = vector.broadcast %broadcast_in_dim3A_1341 : i32 to vector<16xi32>
      %eq3A_1343 = arith.cmpi eq, %select_n3A_964, %broadcast_in_dim3A_1342 : vector<16xi32>
      %eq3A_1344 = arith.cmpi eq, %select_n3A_962, %broadcast_in_dim3A_1342 : vector<16xi32>
      %select_n3A_1345 = arith.select %eq3A_1344, %sub3A_968, %broadcast_in_dim3A_970 : vector<16xi1>, vector<16xf32>
      %select_n3A_1346 = arith.select %eq3A_1343, %div3A, %select_n3A_1345 : vector<16xi1>, vector<16xf32>
      %swap3A_1347 = arith.constant 31 : i32
      %swap3A_1348 = arith.index_cast %swap3A_1347 : i32 to index
      %swap3A_1349 = arith.constant 0 : index
      %swap3A_1350 = tpu.vector_load %arg5[%swap3A_1348, %swap3A_1349] {strides = array<i32>} : memref<64x16xf32, #tpu.memory_space<vmem>>, vector<1x16xf32>,
      %swap3A_1351 = vector.shape_cast %swap3A_1350 : vector<1x16xf32> to vector<16xf32>
      %swap3A_1352 = vector.shape_cast %select_n3A_1346 : vector<16xf32> to vector<1x16xf32>
      tpu.vector_store %arg5[%swap3A_1348, %swap3A_1349], %swap3A_1352 {strides = array<i32>} : memref<64x16xf32, #tpu.memory_space<vmem>>, vector<1x16xf32>,
      %broadcast_in_dim3A_1353 = arith.constant 32 : i32
      %broadcast_in_dim3A_1354 = vector.broadcast %broadcast_in_dim3A_1353 : i32 to vector<16xi32>
      %eq3A_1355 = arith.cmpi eq, %select_n3A_964, %broadcast_in_dim3A_1354 : vector<16xi32>
      %eq3A_1356 = arith.cmpi eq, %select_n3A_962, %broadcast_in_dim3A_1354 : vector<16xi32>
      %select_n3A_1357 = arith.select %eq3A_1356, %sub3A_968, %broadcast_in_dim3A_970 : vector<16xi1>, vector<16xf32>
      %select_n3A_1358 = arith.select %eq3A_1355, %div3A, %select_n3A_1357 : vector<16xi1>, vector<16xf32>
      %swap3A_1359 = arith.constant 32 : i32
      %swap3A_1360 = arith.index_cast %swap3A_1359 : i32 to index
      %swap3A_1361 = arith.constant 0 : index
      %swap3A_1362 = tpu.vector_load %arg5[%swap3A_1360, %swap3A_1361] {strides = array<i32>} : memref<64x16xf32, #tpu.memory_space<vmem>>, vector<1x16xf32>,
      %swap3A_1363 = vector.shape_cast %swap3A_1362 : vector<1x16xf32> to vector<16xf32>
      %swap3A_1364 = vector.shape_cast %select_n3A_1358 : vector<16xf32> to vector<1x16xf32>
      tpu.vector_store %arg5[%swap3A_1360, %swap3A_1361], %swap3A_1364 {strides = array<i32>} : memref<64x16xf32, #tpu.memory_space<vmem>>, vector<1x16xf32>,
      %broadcast_in_dim3A_1365 = arith.constant 33 : i32
      %broadcast_in_dim3A_1366 = vector.broadcast %broadcast_in_dim3A_1365 : i32 to vector<16xi32>
      %eq3A_1367 = arith.cmpi eq, %select_n3A_964, %broadcast_in_dim3A_1366 : vector<16xi32>
      %eq3A_1368 = arith.cmpi eq, %select_n3A_962, %broadcast_in_dim3A_1366 : vector<16xi32>
      %select_n3A_1369 = arith.select %eq3A_1368, %sub3A_968, %broadcast_in_dim3A_970 : vector<16xi1>, vector<16xf32>
      %select_n3A_1370 = arith.select %eq3A_1367, %div3A, %select_n3A_1369 : vector<16xi1>, vector<16xf32>
      %swap3A_1371 = arith.constant 33 : i32
      %swap3A_1372 = arith.index_cast %swap3A_1371 : i32 to index
      %swap3A_1373 = arith.constant 0 : index
      %swap3A_1374 = tpu.vector_load %arg5[%swap3A_1372, %swap3A_1373] {strides = array<i32>} : memref<64x16xf32, #tpu.memory_space<vmem>>, vector<1x16xf32>,
      %swap3A_1375 = vector.shape_cast %swap3A_1374 : vector<1x16xf32> to vector<16xf32>
      %swap3A_1376 = vector.shape_cast %select_n3A_1370 : vector<16xf32> to vector<1x16xf32>
      tpu.vector_store %arg5[%swap3A_1372, %swap3A_1373], %swap3A_1376 {strides = array<i32>} : memref<64x16xf32, #tpu.memory_space<vmem>>, vector<1x16xf32>,
      %broadcast_in_dim3A_1377 = arith.constant 34 : i32
      %broadcast_in_dim3A_1378 = vector.broadcast %broadcast_in_dim3A_1377 : i32 to vector<16xi32>
      %eq3A_1379 = arith.cmpi eq, %select_n3A_964, %broadcast_in_dim3A_1378 : vector<16xi32>
      %eq3A_1380 = arith.cmpi eq, %select_n3A_962, %broadcast_in_dim3A_1378 : vector<16xi32>
      %select_n3A_1381 = arith.select %eq3A_1380, %sub3A_968, %broadcast_in_dim3A_970 : vector<16xi1>, vector<16xf32>
      %select_n3A_1382 = arith.select %eq3A_1379, %div3A, %select_n3A_1381 : vector<16xi1>, vector<16xf32>
      %swap3A_1383 = arith.constant 34 : i32
      %swap3A_1384 = arith.index_cast %swap3A_1383 : i32 to index
      %swap3A_1385 = arith.constant 0 : index
      %swap3A_1386 = tpu.vector_load %arg5[%swap3A_1384, %swap3A_1385] {strides = array<i32>} : memref<64x16xf32, #tpu.memory_space<vmem>>, vector<1x16xf32>,
      %swap3A_1387 = vector.shape_cast %swap3A_1386 : vector<1x16xf32> to vector<16xf32>
      %swap3A_1388 = vector.shape_cast %select_n3A_1382 : vector<16xf32> to vector<1x16xf32>
      tpu.vector_store %arg5[%swap3A_1384, %swap3A_1385], %swap3A_1388 {strides = array<i32>} : memref<64x16xf32, #tpu.memory_space<vmem>>, vector<1x16xf32>,
      %broadcast_in_dim3A_1389 = arith.constant 35 : i32
      %broadcast_in_dim3A_1390 = vector.broadcast %broadcast_in_dim3A_1389 : i32 to vector<16xi32>
      %eq3A_1391 = arith.cmpi eq, %select_n3A_964, %broadcast_in_dim3A_1390 : vector<16xi32>
      %eq3A_1392 = arith.cmpi eq, %select_n3A_962, %broadcast_in_dim3A_1390 : vector<16xi32>
      %select_n3A_1393 = arith.select %eq3A_1392, %sub3A_968, %broadcast_in_dim3A_970 : vector<16xi1>, vector<16xf32>
      %select_n3A_1394 = arith.select %eq3A_1391, %div3A, %select_n3A_1393 : vector<16xi1>, vector<16xf32>
      %swap3A_1395 = arith.constant 35 : i32
      %swap3A_1396 = arith.index_cast %swap3A_1395 : i32 to index
      %swap3A_1397 = arith.constant 0 : index
      %swap3A_1398 = tpu.vector_load %arg5[%swap3A_1396, %swap3A_1397] {strides = array<i32>} : memref<64x16xf32, #tpu.memory_space<vmem>>, vector<1x16xf32>,
      %swap3A_1399 = vector.shape_cast %swap3A_1398 : vector<1x16xf32> to vector<16xf32>
      %swap3A_1400 = vector.shape_cast %select_n3A_1394 : vector<16xf32> to vector<1x16xf32>
      tpu.vector_store %arg5[%swap3A_1396, %swap3A_1397], %swap3A_1400 {strides = array<i32>} : memref<64x16xf32, #tpu.memory_space<vmem>>, vector<1x16xf32>,
      %broadcast_in_dim3A_1401 = arith.constant 36 : i32
      %broadcast_in_dim3A_1402 = vector.broadcast %broadcast_in_dim3A_1401 : i32 to vector<16xi32>
      %eq3A_1403 = arith.cmpi eq, %select_n3A_964, %broadcast_in_dim3A_1402 : vector<16xi32>
      %eq3A_1404 = arith.cmpi eq, %select_n3A_962, %broadcast_in_dim3A_1402 : vector<16xi32>
      %select_n3A_1405 = arith.select %eq3A_1404, %sub3A_968, %broadcast_in_dim3A_970 : vector<16xi1>, vector<16xf32>
      %select_n3A_1406 = arith.select %eq3A_1403, %div3A, %select_n3A_1405 : vector<16xi1>, vector<16xf32>
      %swap3A_1407 = arith.constant 36 : i32
      %swap3A_1408 = arith.index_cast %swap3A_1407 : i32 to index
      %swap3A_1409 = arith.constant 0 : index
      %swap3A_1410 = tpu.vector_load %arg5[%swap3A_1408, %swap3A_1409] {strides = array<i32>} : memref<64x16xf32, #tpu.memory_space<vmem>>, vector<1x16xf32>,
      %swap3A_1411 = vector.shape_cast %swap3A_1410 : vector<1x16xf32> to vector<16xf32>
      %swap3A_1412 = vector.shape_cast %select_n3A_1406 : vector<16xf32> to vector<1x16xf32>
      tpu.vector_store %arg5[%swap3A_1408, %swap3A_1409], %swap3A_1412 {strides = array<i32>} : memref<64x16xf32, #tpu.memory_space<vmem>>, vector<1x16xf32>,
      %broadcast_in_dim3A_1413 = arith.constant 37 : i32
      %broadcast_in_dim3A_1414 = vector.broadcast %broadcast_in_dim3A_1413 : i32 to vector<16xi32>
      %eq3A_1415 = arith.cmpi eq, %select_n3A_964, %broadcast_in_dim3A_1414 : vector<16xi32>
      %eq3A_1416 = arith.cmpi eq, %select_n3A_962, %broadcast_in_dim3A_1414 : vector<16xi32>
      %select_n3A_1417 = arith.select %eq3A_1416, %sub3A_968, %broadcast_in_dim3A_970 : vector<16xi1>, vector<16xf32>
      %select_n3A_1418 = arith.select %eq3A_1415, %div3A, %select_n3A_1417 : vector<16xi1>, vector<16xf32>
      %swap3A_1419 = arith.constant 37 : i32
      %swap3A_1420 = arith.index_cast %swap3A_1419 : i32 to index
      %swap3A_1421 = arith.constant 0 : index
      %swap3A_1422 = tpu.vector_load %arg5[%swap3A_1420, %swap3A_1421] {strides = array<i32>} : memref<64x16xf32, #tpu.memory_space<vmem>>, vector<1x16xf32>,
      %swap3A_1423 = vector.shape_cast %swap3A_1422 : vector<1x16xf32> to vector<16xf32>
      %swap3A_1424 = vector.shape_cast %select_n3A_1418 : vector<16xf32> to vector<1x16xf32>
      tpu.vector_store %arg5[%swap3A_1420, %swap3A_1421], %swap3A_1424 {strides = array<i32>} : memref<64x16xf32, #tpu.memory_space<vmem>>, vector<1x16xf32>,
      %broadcast_in_dim3A_1425 = arith.constant 38 : i32
      %broadcast_in_dim3A_1426 = vector.broadcast %broadcast_in_dim3A_1425 : i32 to vector<16xi32>
      %eq3A_1427 = arith.cmpi eq, %select_n3A_964, %broadcast_in_dim3A_1426 : vector<16xi32>
      %eq3A_1428 = arith.cmpi eq, %select_n3A_962, %broadcast_in_dim3A_1426 : vector<16xi32>
      %select_n3A_1429 = arith.select %eq3A_1428, %sub3A_968, %broadcast_in_dim3A_970 : vector<16xi1>, vector<16xf32>
      %select_n3A_1430 = arith.select %eq3A_1427, %div3A, %select_n3A_1429 : vector<16xi1>, vector<16xf32>
      %swap3A_1431 = arith.constant 38 : i32
      %swap3A_1432 = arith.index_cast %swap3A_1431 : i32 to index
      %swap3A_1433 = arith.constant 0 : index
      %swap3A_1434 = tpu.vector_load %arg5[%swap3A_1432, %swap3A_1433] {strides = array<i32>} : memref<64x16xf32, #tpu.memory_space<vmem>>, vector<1x16xf32>,
      %swap3A_1435 = vector.shape_cast %swap3A_1434 : vector<1x16xf32> to vector<16xf32>
      %swap3A_1436 = vector.shape_cast %select_n3A_1430 : vector<16xf32> to vector<1x16xf32>
      tpu.vector_store %arg5[%swap3A_1432, %swap3A_1433], %swap3A_1436 {strides = array<i32>} : memref<64x16xf32, #tpu.memory_space<vmem>>, vector<1x16xf32>,
      %broadcast_in_dim3A_1437 = arith.constant 39 : i32
      %broadcast_in_dim3A_1438 = vector.broadcast %broadcast_in_dim3A_1437 : i32 to vector<16xi32>
      %eq3A_1439 = arith.cmpi eq, %select_n3A_964, %broadcast_in_dim3A_1438 : vector<16xi32>
      %eq3A_1440 = arith.cmpi eq, %select_n3A_962, %broadcast_in_dim3A_1438 : vector<16xi32>
      %select_n3A_1441 = arith.select %eq3A_1440, %sub3A_968, %broadcast_in_dim3A_970 : vector<16xi1>, vector<16xf32>
      %select_n3A_1442 = arith.select %eq3A_1439, %div3A, %select_n3A_1441 : vector<16xi1>, vector<16xf32>
      %swap3A_1443 = arith.constant 39 : i32
      %swap3A_1444 = arith.index_cast %swap3A_1443 : i32 to index
      %swap3A_1445 = arith.constant 0 : index
      %swap3A_1446 = tpu.vector_load %arg5[%swap3A_1444, %swap3A_1445] {strides = array<i32>} : memref<64x16xf32, #tpu.memory_space<vmem>>, vector<1x16xf32>,
      %swap3A_1447 = vector.shape_cast %swap3A_1446 : vector<1x16xf32> to vector<16xf32>
      %swap3A_1448 = vector.shape_cast %select_n3A_1442 : vector<16xf32> to vector<1x16xf32>
      tpu.vector_store %arg5[%swap3A_1444, %swap3A_1445], %swap3A_1448 {strides = array<i32>} : memref<64x16xf32, #tpu.memory_space<vmem>>, vector<1x16xf32>,
      %broadcast_in_dim3A_1449 = arith.constant 40 : i32
      %broadcast_in_dim3A_1450 = vector.broadcast %broadcast_in_dim3A_1449 : i32 to vector<16xi32>
      %eq3A_1451 = arith.cmpi eq, %select_n3A_964, %broadcast_in_dim3A_1450 : vector<16xi32>
      %eq3A_1452 = arith.cmpi eq, %select_n3A_962, %broadcast_in_dim3A_1450 : vector<16xi32>
      %select_n3A_1453 = arith.select %eq3A_1452, %sub3A_968, %broadcast_in_dim3A_970 : vector<16xi1>, vector<16xf32>
      %select_n3A_1454 = arith.select %eq3A_1451, %div3A, %select_n3A_1453 : vector<16xi1>, vector<16xf32>
      %swap3A_1455 = arith.constant 40 : i32
      %swap3A_1456 = arith.index_cast %swap3A_1455 : i32 to index
      %swap3A_1457 = arith.constant 0 : index
      %swap3A_1458 = tpu.vector_load %arg5[%swap3A_1456, %swap3A_1457] {strides = array<i32>} : memref<64x16xf32, #tpu.memory_space<vmem>>, vector<1x16xf32>,
      %swap3A_1459 = vector.shape_cast %swap3A_1458 : vector<1x16xf32> to vector<16xf32>
      %swap3A_1460 = vector.shape_cast %select_n3A_1454 : vector<16xf32> to vector<1x16xf32>
      tpu.vector_store %arg5[%swap3A_1456, %swap3A_1457], %swap3A_1460 {strides = array<i32>} : memref<64x16xf32, #tpu.memory_space<vmem>>, vector<1x16xf32>,
      %broadcast_in_dim3A_1461 = arith.constant 41 : i32
      %broadcast_in_dim3A_1462 = vector.broadcast %broadcast_in_dim3A_1461 : i32 to vector<16xi32>
      %eq3A_1463 = arith.cmpi eq, %select_n3A_964, %broadcast_in_dim3A_1462 : vector<16xi32>
      %eq3A_1464 = arith.cmpi eq, %select_n3A_962, %broadcast_in_dim3A_1462 : vector<16xi32>
      %select_n3A_1465 = arith.select %eq3A_1464, %sub3A_968, %broadcast_in_dim3A_970 : vector<16xi1>, vector<16xf32>
      %select_n3A_1466 = arith.select %eq3A_1463, %div3A, %select_n3A_1465 : vector<16xi1>, vector<16xf32>
      %swap3A_1467 = arith.constant 41 : i32
      %swap3A_1468 = arith.index_cast %swap3A_1467 : i32 to index
      %swap3A_1469 = arith.constant 0 : index
      %swap3A_1470 = tpu.vector_load %arg5[%swap3A_1468, %swap3A_1469] {strides = array<i32>} : memref<64x16xf32, #tpu.memory_space<vmem>>, vector<1x16xf32>,
      %swap3A_1471 = vector.shape_cast %swap3A_1470 : vector<1x16xf32> to vector<16xf32>
      %swap3A_1472 = vector.shape_cast %select_n3A_1466 : vector<16xf32> to vector<1x16xf32>
      tpu.vector_store %arg5[%swap3A_1468, %swap3A_1469], %swap3A_1472 {strides = array<i32>} : memref<64x16xf32, #tpu.memory_space<vmem>>, vector<1x16xf32>,
      %broadcast_in_dim3A_1473 = arith.constant 42 : i32
      %broadcast_in_dim3A_1474 = vector.broadcast %broadcast_in_dim3A_1473 : i32 to vector<16xi32>
      %eq3A_1475 = arith.cmpi eq, %select_n3A_964, %broadcast_in_dim3A_1474 : vector<16xi32>
      %eq3A_1476 = arith.cmpi eq, %select_n3A_962, %broadcast_in_dim3A_1474 : vector<16xi32>
      %select_n3A_1477 = arith.select %eq3A_1476, %sub3A_968, %broadcast_in_dim3A_970 : vector<16xi1>, vector<16xf32>
      %select_n3A_1478 = arith.select %eq3A_1475, %div3A, %select_n3A_1477 : vector<16xi1>, vector<16xf32>
      %swap3A_1479 = arith.constant 42 : i32
      %swap3A_1480 = arith.index_cast %swap3A_1479 : i32 to index
      %swap3A_1481 = arith.constant 0 : index
      %swap3A_1482 = tpu.vector_load %arg5[%swap3A_1480, %swap3A_1481] {strides = array<i32>} : memref<64x16xf32, #tpu.memory_space<vmem>>, vector<1x16xf32>,
      %swap3A_1483 = vector.shape_cast %swap3A_1482 : vector<1x16xf32> to vector<16xf32>
      %swap3A_1484 = vector.shape_cast %select_n3A_1478 : vector<16xf32> to vector<1x16xf32>
      tpu.vector_store %arg5[%swap3A_1480, %swap3A_1481], %swap3A_1484 {strides = array<i32>} : memref<64x16xf32, #tpu.memory_space<vmem>>, vector<1x16xf32>,
      %broadcast_in_dim3A_1485 = arith.constant 43 : i32
      %broadcast_in_dim3A_1486 = vector.broadcast %broadcast_in_dim3A_1485 : i32 to vector<16xi32>
      %eq3A_1487 = arith.cmpi eq, %select_n3A_964, %broadcast_in_dim3A_1486 : vector<16xi32>
      %eq3A_1488 = arith.cmpi eq, %select_n3A_962, %broadcast_in_dim3A_1486 : vector<16xi32>
      %select_n3A_1489 = arith.select %eq3A_1488, %sub3A_968, %broadcast_in_dim3A_970 : vector<16xi1>, vector<16xf32>
      %select_n3A_1490 = arith.select %eq3A_1487, %div3A, %select_n3A_1489 : vector<16xi1>, vector<16xf32>
      %swap3A_1491 = arith.constant 43 : i32
      %swap3A_1492 = arith.index_cast %swap3A_1491 : i32 to index
      %swap3A_1493 = arith.constant 0 : index
      %swap3A_1494 = tpu.vector_load %arg5[%swap3A_1492, %swap3A_1493] {strides = array<i32>} : memref<64x16xf32, #tpu.memory_space<vmem>>, vector<1x16xf32>,
      %swap3A_1495 = vector.shape_cast %swap3A_1494 : vector<1x16xf32> to vector<16xf32>
      %swap3A_1496 = vector.shape_cast %select_n3A_1490 : vector<16xf32> to vector<1x16xf32>
      tpu.vector_store %arg5[%swap3A_1492, %swap3A_1493], %swap3A_1496 {strides = array<i32>} : memref<64x16xf32, #tpu.memory_space<vmem>>, vector<1x16xf32>,
      %broadcast_in_dim3A_1497 = arith.constant 44 : i32
      %broadcast_in_dim3A_1498 = vector.broadcast %broadcast_in_dim3A_1497 : i32 to vector<16xi32>
      %eq3A_1499 = arith.cmpi eq, %select_n3A_964, %broadcast_in_dim3A_1498 : vector<16xi32>
      %eq3A_1500 = arith.cmpi eq, %select_n3A_962, %broadcast_in_dim3A_1498 : vector<16xi32>
      %select_n3A_1501 = arith.select %eq3A_1500, %sub3A_968, %broadcast_in_dim3A_970 : vector<16xi1>, vector<16xf32>
      %select_n3A_1502 = arith.select %eq3A_1499, %div3A, %select_n3A_1501 : vector<16xi1>, vector<16xf32>
      %swap3A_1503 = arith.constant 44 : i32
      %swap3A_1504 = arith.index_cast %swap3A_1503 : i32 to index
      %swap3A_1505 = arith.constant 0 : index
      %swap3A_1506 = tpu.vector_load %arg5[%swap3A_1504, %swap3A_1505] {strides = array<i32>} : memref<64x16xf32, #tpu.memory_space<vmem>>, vector<1x16xf32>,
      %swap3A_1507 = vector.shape_cast %swap3A_1506 : vector<1x16xf32> to vector<16xf32>
      %swap3A_1508 = vector.shape_cast %select_n3A_1502 : vector<16xf32> to vector<1x16xf32>
      tpu.vector_store %arg5[%swap3A_1504, %swap3A_1505], %swap3A_1508 {strides = array<i32>} : memref<64x16xf32, #tpu.memory_space<vmem>>, vector<1x16xf32>,
      %broadcast_in_dim3A_1509 = arith.constant 45 : i32
      %broadcast_in_dim3A_1510 = vector.broadcast %broadcast_in_dim3A_1509 : i32 to vector<16xi32>
      %eq3A_1511 = arith.cmpi eq, %select_n3A_964, %broadcast_in_dim3A_1510 : vector<16xi32>
      %eq3A_1512 = arith.cmpi eq, %select_n3A_962, %broadcast_in_dim3A_1510 : vector<16xi32>
      %select_n3A_1513 = arith.select %eq3A_1512, %sub3A_968, %broadcast_in_dim3A_970 : vector<16xi1>, vector<16xf32>
      %select_n3A_1514 = arith.select %eq3A_1511, %div3A, %select_n3A_1513 : vector<16xi1>, vector<16xf32>
      %swap3A_1515 = arith.constant 45 : i32
      %swap3A_1516 = arith.index_cast %swap3A_1515 : i32 to index
      %swap3A_1517 = arith.constant 0 : index
      %swap3A_1518 = tpu.vector_load %arg5[%swap3A_1516, %swap3A_1517] {strides = array<i32>} : memref<64x16xf32, #tpu.memory_space<vmem>>, vector<1x16xf32>,
      %swap3A_1519 = vector.shape_cast %swap3A_1518 : vector<1x16xf32> to vector<16xf32>
      %swap3A_1520 = vector.shape_cast %select_n3A_1514 : vector<16xf32> to vector<1x16xf32>
      tpu.vector_store %arg5[%swap3A_1516, %swap3A_1517], %swap3A_1520 {strides = array<i32>} : memref<64x16xf32, #tpu.memory_space<vmem>>, vector<1x16xf32>,
      %broadcast_in_dim3A_1521 = arith.constant 46 : i32
      %broadcast_in_dim3A_1522 = vector.broadcast %broadcast_in_dim3A_1521 : i32 to vector<16xi32>
      %eq3A_1523 = arith.cmpi eq, %select_n3A_964, %broadcast_in_dim3A_1522 : vector<16xi32>
      %eq3A_1524 = arith.cmpi eq, %select_n3A_962, %broadcast_in_dim3A_1522 : vector<16xi32>
      %select_n3A_1525 = arith.select %eq3A_1524, %sub3A_968, %broadcast_in_dim3A_970 : vector<16xi1>, vector<16xf32>
      %select_n3A_1526 = arith.select %eq3A_1523, %div3A, %select_n3A_1525 : vector<16xi1>, vector<16xf32>
      %swap3A_1527 = arith.constant 46 : i32
      %swap3A_1528 = arith.index_cast %swap3A_1527 : i32 to index
      %swap3A_1529 = arith.constant 0 : index
      %swap3A_1530 = tpu.vector_load %arg5[%swap3A_1528, %swap3A_1529] {strides = array<i32>} : memref<64x16xf32, #tpu.memory_space<vmem>>, vector<1x16xf32>,
      %swap3A_1531 = vector.shape_cast %swap3A_1530 : vector<1x16xf32> to vector<16xf32>
      %swap3A_1532 = vector.shape_cast %select_n3A_1526 : vector<16xf32> to vector<1x16xf32>
      tpu.vector_store %arg5[%swap3A_1528, %swap3A_1529], %swap3A_1532 {strides = array<i32>} : memref<64x16xf32, #tpu.memory_space<vmem>>, vector<1x16xf32>,
      %broadcast_in_dim3A_1533 = arith.constant 47 : i32
      %broadcast_in_dim3A_1534 = vector.broadcast %broadcast_in_dim3A_1533 : i32 to vector<16xi32>
      %eq3A_1535 = arith.cmpi eq, %select_n3A_964, %broadcast_in_dim3A_1534 : vector<16xi32>
      %eq3A_1536 = arith.cmpi eq, %select_n3A_962, %broadcast_in_dim3A_1534 : vector<16xi32>
      %select_n3A_1537 = arith.select %eq3A_1536, %sub3A_968, %broadcast_in_dim3A_970 : vector<16xi1>, vector<16xf32>
      %select_n3A_1538 = arith.select %eq3A_1535, %div3A, %select_n3A_1537 : vector<16xi1>, vector<16xf32>
      %swap3A_1539 = arith.constant 47 : i32
      %swap3A_1540 = arith.index_cast %swap3A_1539 : i32 to index
      %swap3A_1541 = arith.constant 0 : index
      %swap3A_1542 = tpu.vector_load %arg5[%swap3A_1540, %swap3A_1541] {strides = array<i32>} : memref<64x16xf32, #tpu.memory_space<vmem>>, vector<1x16xf32>,
      %swap3A_1543 = vector.shape_cast %swap3A_1542 : vector<1x16xf32> to vector<16xf32>
      %swap3A_1544 = vector.shape_cast %select_n3A_1538 : vector<16xf32> to vector<1x16xf32>
      tpu.vector_store %arg5[%swap3A_1540, %swap3A_1541], %swap3A_1544 {strides = array<i32>} : memref<64x16xf32, #tpu.memory_space<vmem>>, vector<1x16xf32>,
      %broadcast_in_dim3A_1545 = arith.constant 48 : i32
      %broadcast_in_dim3A_1546 = vector.broadcast %broadcast_in_dim3A_1545 : i32 to vector<16xi32>
      %eq3A_1547 = arith.cmpi eq, %select_n3A_964, %broadcast_in_dim3A_1546 : vector<16xi32>
      %eq3A_1548 = arith.cmpi eq, %select_n3A_962, %broadcast_in_dim3A_1546 : vector<16xi32>
      %select_n3A_1549 = arith.select %eq3A_1548, %sub3A_968, %broadcast_in_dim3A_970 : vector<16xi1>, vector<16xf32>
      %select_n3A_1550 = arith.select %eq3A_1547, %div3A, %select_n3A_1549 : vector<16xi1>, vector<16xf32>
      %swap3A_1551 = arith.constant 48 : i32
      %swap3A_1552 = arith.index_cast %swap3A_1551 : i32 to index
      %swap3A_1553 = arith.constant 0 : index
      %swap3A_1554 = tpu.vector_load %arg5[%swap3A_1552, %swap3A_1553] {strides = array<i32>} : memref<64x16xf32, #tpu.memory_space<vmem>>, vector<1x16xf32>,
      %swap3A_1555 = vector.shape_cast %swap3A_1554 : vector<1x16xf32> to vector<16xf32>
      %swap3A_1556 = vector.shape_cast %select_n3A_1550 : vector<16xf32> to vector<1x16xf32>
      tpu.vector_store %arg5[%swap3A_1552, %swap3A_1553], %swap3A_1556 {strides = array<i32>} : memref<64x16xf32, #tpu.memory_space<vmem>>, vector<1x16xf32>,
      %broadcast_in_dim3A_1557 = arith.constant 49 : i32
      %broadcast_in_dim3A_1558 = vector.broadcast %broadcast_in_dim3A_1557 : i32 to vector<16xi32>
      %eq3A_1559 = arith.cmpi eq, %select_n3A_964, %broadcast_in_dim3A_1558 : vector<16xi32>
      %eq3A_1560 = arith.cmpi eq, %select_n3A_962, %broadcast_in_dim3A_1558 : vector<16xi32>
      %select_n3A_1561 = arith.select %eq3A_1560, %sub3A_968, %broadcast_in_dim3A_970 : vector<16xi1>, vector<16xf32>
      %select_n3A_1562 = arith.select %eq3A_1559, %div3A, %select_n3A_1561 : vector<16xi1>, vector<16xf32>
      %swap3A_1563 = arith.constant 49 : i32
      %swap3A_1564 = arith.index_cast %swap3A_1563 : i32 to index
      %swap3A_1565 = arith.constant 0 : index
      %swap3A_1566 = tpu.vector_load %arg5[%swap3A_1564, %swap3A_1565] {strides = array<i32>} : memref<64x16xf32, #tpu.memory_space<vmem>>, vector<1x16xf32>,
      %swap3A_1567 = vector.shape_cast %swap3A_1566 : vector<1x16xf32> to vector<16xf32>
      %swap3A_1568 = vector.shape_cast %select_n3A_1562 : vector<16xf32> to vector<1x16xf32>
      tpu.vector_store %arg5[%swap3A_1564, %swap3A_1565], %swap3A_1568 {strides = array<i32>} : memref<64x16xf32, #tpu.memory_space<vmem>>, vector<1x16xf32>,
      %broadcast_in_dim3A_1569 = arith.constant 50 : i32
      %broadcast_in_dim3A_1570 = vector.broadcast %broadcast_in_dim3A_1569 : i32 to vector<16xi32>
      %eq3A_1571 = arith.cmpi eq, %select_n3A_964, %broadcast_in_dim3A_1570 : vector<16xi32>
      %eq3A_1572 = arith.cmpi eq, %select_n3A_962, %broadcast_in_dim3A_1570 : vector<16xi32>
      %select_n3A_1573 = arith.select %eq3A_1572, %sub3A_968, %broadcast_in_dim3A_970 : vector<16xi1>, vector<16xf32>
      %select_n3A_1574 = arith.select %eq3A_1571, %div3A, %select_n3A_1573 : vector<16xi1>, vector<16xf32>
      %swap3A_1575 = arith.constant 50 : i32
      %swap3A_1576 = arith.index_cast %swap3A_1575 : i32 to index
      %swap3A_1577 = arith.constant 0 : index
      %swap3A_1578 = tpu.vector_load %arg5[%swap3A_1576, %swap3A_1577] {strides = array<i32>} : memref<64x16xf32, #tpu.memory_space<vmem>>, vector<1x16xf32>,
      %swap3A_1579 = vector.shape_cast %swap3A_1578 : vector<1x16xf32> to vector<16xf32>
      %swap3A_1580 = vector.shape_cast %select_n3A_1574 : vector<16xf32> to vector<1x16xf32>
      tpu.vector_store %arg5[%swap3A_1576, %swap3A_1577], %swap3A_1580 {strides = array<i32>} : memref<64x16xf32, #tpu.memory_space<vmem>>, vector<1x16xf32>,
      %broadcast_in_dim3A_1581 = arith.constant 51 : i32
      %broadcast_in_dim3A_1582 = vector.broadcast %broadcast_in_dim3A_1581 : i32 to vector<16xi32>
      %eq3A_1583 = arith.cmpi eq, %select_n3A_964, %broadcast_in_dim3A_1582 : vector<16xi32>
      %eq3A_1584 = arith.cmpi eq, %select_n3A_962, %broadcast_in_dim3A_1582 : vector<16xi32>
      %select_n3A_1585 = arith.select %eq3A_1584, %sub3A_968, %broadcast_in_dim3A_970 : vector<16xi1>, vector<16xf32>
      %select_n3A_1586 = arith.select %eq3A_1583, %div3A, %select_n3A_1585 : vector<16xi1>, vector<16xf32>
      %swap3A_1587 = arith.constant 51 : i32
      %swap3A_1588 = arith.index_cast %swap3A_1587 : i32 to index
      %swap3A_1589 = arith.constant 0 : index
      %swap3A_1590 = tpu.vector_load %arg5[%swap3A_1588, %swap3A_1589] {strides = array<i32>} : memref<64x16xf32, #tpu.memory_space<vmem>>, vector<1x16xf32>,
      %swap3A_1591 = vector.shape_cast %swap3A_1590 : vector<1x16xf32> to vector<16xf32>
      %swap3A_1592 = vector.shape_cast %select_n3A_1586 : vector<16xf32> to vector<1x16xf32>
      tpu.vector_store %arg5[%swap3A_1588, %swap3A_1589], %swap3A_1592 {strides = array<i32>} : memref<64x16xf32, #tpu.memory_space<vmem>>, vector<1x16xf32>,
      %broadcast_in_dim3A_1593 = arith.constant 52 : i32
      %broadcast_in_dim3A_1594 = vector.broadcast %broadcast_in_dim3A_1593 : i32 to vector<16xi32>
      %eq3A_1595 = arith.cmpi eq, %select_n3A_964, %broadcast_in_dim3A_1594 : vector<16xi32>
      %eq3A_1596 = arith.cmpi eq, %select_n3A_962, %broadcast_in_dim3A_1594 : vector<16xi32>
      %select_n3A_1597 = arith.select %eq3A_1596, %sub3A_968, %broadcast_in_dim3A_970 : vector<16xi1>, vector<16xf32>
      %select_n3A_1598 = arith.select %eq3A_1595, %div3A, %select_n3A_1597 : vector<16xi1>, vector<16xf32>
      %swap3A_1599 = arith.constant 52 : i32
      %swap3A_1600 = arith.index_cast %swap3A_1599 : i32 to index
      %swap3A_1601 = arith.constant 0 : index
      %swap3A_1602 = tpu.vector_load %arg5[%swap3A_1600, %swap3A_1601] {strides = array<i32>} : memref<64x16xf32, #tpu.memory_space<vmem>>, vector<1x16xf32>,
      %swap3A_1603 = vector.shape_cast %swap3A_1602 : vector<1x16xf32> to vector<16xf32>
      %swap3A_1604 = vector.shape_cast %select_n3A_1598 : vector<16xf32> to vector<1x16xf32>
      tpu.vector_store %arg5[%swap3A_1600, %swap3A_1601], %swap3A_1604 {strides = array<i32>} : memref<64x16xf32, #tpu.memory_space<vmem>>, vector<1x16xf32>,
      %broadcast_in_dim3A_1605 = arith.constant 53 : i32
      %broadcast_in_dim3A_1606 = vector.broadcast %broadcast_in_dim3A_1605 : i32 to vector<16xi32>
      %eq3A_1607 = arith.cmpi eq, %select_n3A_964, %broadcast_in_dim3A_1606 : vector<16xi32>
      %eq3A_1608 = arith.cmpi eq, %select_n3A_962, %broadcast_in_dim3A_1606 : vector<16xi32>
      %select_n3A_1609 = arith.select %eq3A_1608, %sub3A_968, %broadcast_in_dim3A_970 : vector<16xi1>, vector<16xf32>
      %select_n3A_1610 = arith.select %eq3A_1607, %div3A, %select_n3A_1609 : vector<16xi1>, vector<16xf32>
      %swap3A_1611 = arith.constant 53 : i32
      %swap3A_1612 = arith.index_cast %swap3A_1611 : i32 to index
      %swap3A_1613 = arith.constant 0 : index
      %swap3A_1614 = tpu.vector_load %arg5[%swap3A_1612, %swap3A_1613] {strides = array<i32>} : memref<64x16xf32, #tpu.memory_space<vmem>>, vector<1x16xf32>,
      %swap3A_1615 = vector.shape_cast %swap3A_1614 : vector<1x16xf32> to vector<16xf32>
      %swap3A_1616 = vector.shape_cast %select_n3A_1610 : vector<16xf32> to vector<1x16xf32>
      tpu.vector_store %arg5[%swap3A_1612, %swap3A_1613], %swap3A_1616 {strides = array<i32>} : memref<64x16xf32, #tpu.memory_space<vmem>>, vector<1x16xf32>,
      %broadcast_in_dim3A_1617 = arith.constant 54 : i32
      %broadcast_in_dim3A_1618 = vector.broadcast %broadcast_in_dim3A_1617 : i32 to vector<16xi32>
      %eq3A_1619 = arith.cmpi eq, %select_n3A_964, %broadcast_in_dim3A_1618 : vector<16xi32>
      %eq3A_1620 = arith.cmpi eq, %select_n3A_962, %broadcast_in_dim3A_1618 : vector<16xi32>
      %select_n3A_1621 = arith.select %eq3A_1620, %sub3A_968, %broadcast_in_dim3A_970 : vector<16xi1>, vector<16xf32>
      %select_n3A_1622 = arith.select %eq3A_1619, %div3A, %select_n3A_1621 : vector<16xi1>, vector<16xf32>
      %swap3A_1623 = arith.constant 54 : i32
      %swap3A_1624 = arith.index_cast %swap3A_1623 : i32 to index
      %swap3A_1625 = arith.constant 0 : index
      %swap3A_1626 = tpu.vector_load %arg5[%swap3A_1624, %swap3A_1625] {strides = array<i32>} : memref<64x16xf32, #tpu.memory_space<vmem>>, vector<1x16xf32>,
      %swap3A_1627 = vector.shape_cast %swap3A_1626 : vector<1x16xf32> to vector<16xf32>
      %swap3A_1628 = vector.shape_cast %select_n3A_1622 : vector<16xf32> to vector<1x16xf32>
      tpu.vector_store %arg5[%swap3A_1624, %swap3A_1625], %swap3A_1628 {strides = array<i32>} : memref<64x16xf32, #tpu.memory_space<vmem>>, vector<1x16xf32>,
      %broadcast_in_dim3A_1629 = arith.constant 55 : i32
      %broadcast_in_dim3A_1630 = vector.broadcast %broadcast_in_dim3A_1629 : i32 to vector<16xi32>
      %eq3A_1631 = arith.cmpi eq, %select_n3A_964, %broadcast_in_dim3A_1630 : vector<16xi32>
      %eq3A_1632 = arith.cmpi eq, %select_n3A_962, %broadcast_in_dim3A_1630 : vector<16xi32>
      %select_n3A_1633 = arith.select %eq3A_1632, %sub3A_968, %broadcast_in_dim3A_970 : vector<16xi1>, vector<16xf32>
      %select_n3A_1634 = arith.select %eq3A_1631, %div3A, %select_n3A_1633 : vector<16xi1>, vector<16xf32>
      %swap3A_1635 = arith.constant 55 : i32
      %swap3A_1636 = arith.index_cast %swap3A_1635 : i32 to index
      %swap3A_1637 = arith.constant 0 : index
      %swap3A_1638 = tpu.vector_load %arg5[%swap3A_1636, %swap3A_1637] {strides = array<i32>} : memref<64x16xf32, #tpu.memory_space<vmem>>, vector<1x16xf32>,
      %swap3A_1639 = vector.shape_cast %swap3A_1638 : vector<1x16xf32> to vector<16xf32>
      %swap3A_1640 = vector.shape_cast %select_n3A_1634 : vector<16xf32> to vector<1x16xf32>
      tpu.vector_store %arg5[%swap3A_1636, %swap3A_1637], %swap3A_1640 {strides = array<i32>} : memref<64x16xf32, #tpu.memory_space<vmem>>, vector<1x16xf32>,
      %broadcast_in_dim3A_1641 = arith.constant 56 : i32
      %broadcast_in_dim3A_1642 = vector.broadcast %broadcast_in_dim3A_1641 : i32 to vector<16xi32>
      %eq3A_1643 = arith.cmpi eq, %select_n3A_964, %broadcast_in_dim3A_1642 : vector<16xi32>
      %eq3A_1644 = arith.cmpi eq, %select_n3A_962, %broadcast_in_dim3A_1642 : vector<16xi32>
      %select_n3A_1645 = arith.select %eq3A_1644, %sub3A_968, %broadcast_in_dim3A_970 : vector<16xi1>, vector<16xf32>
      %select_n3A_1646 = arith.select %eq3A_1643, %div3A, %select_n3A_1645 : vector<16xi1>, vector<16xf32>
      %swap3A_1647 = arith.constant 56 : i32
      %swap3A_1648 = arith.index_cast %swap3A_1647 : i32 to index
      %swap3A_1649 = arith.constant 0 : index
      %swap3A_1650 = tpu.vector_load %arg5[%swap3A_1648, %swap3A_1649] {strides = array<i32>} : memref<64x16xf32, #tpu.memory_space<vmem>>, vector<1x16xf32>,
      %swap3A_1651 = vector.shape_cast %swap3A_1650 : vector<1x16xf32> to vector<16xf32>
      %swap3A_1652 = vector.shape_cast %select_n3A_1646 : vector<16xf32> to vector<1x16xf32>
      tpu.vector_store %arg5[%swap3A_1648, %swap3A_1649], %swap3A_1652 {strides = array<i32>} : memref<64x16xf32, #tpu.memory_space<vmem>>, vector<1x16xf32>,
      %broadcast_in_dim3A_1653 = arith.constant 57 : i32
      %broadcast_in_dim3A_1654 = vector.broadcast %broadcast_in_dim3A_1653 : i32 to vector<16xi32>
      %eq3A_1655 = arith.cmpi eq, %select_n3A_964, %broadcast_in_dim3A_1654 : vector<16xi32>
      %eq3A_1656 = arith.cmpi eq, %select_n3A_962, %broadcast_in_dim3A_1654 : vector<16xi32>
      %select_n3A_1657 = arith.select %eq3A_1656, %sub3A_968, %broadcast_in_dim3A_970 : vector<16xi1>, vector<16xf32>
      %select_n3A_1658 = arith.select %eq3A_1655, %div3A, %select_n3A_1657 : vector<16xi1>, vector<16xf32>
      %swap3A_1659 = arith.constant 57 : i32
      %swap3A_1660 = arith.index_cast %swap3A_1659 : i32 to index
      %swap3A_1661 = arith.constant 0 : index
      %swap3A_1662 = tpu.vector_load %arg5[%swap3A_1660, %swap3A_1661] {strides = array<i32>} : memref<64x16xf32, #tpu.memory_space<vmem>>, vector<1x16xf32>,
      %swap3A_1663 = vector.shape_cast %swap3A_1662 : vector<1x16xf32> to vector<16xf32>
      %swap3A_1664 = vector.shape_cast %select_n3A_1658 : vector<16xf32> to vector<1x16xf32>
      tpu.vector_store %arg5[%swap3A_1660, %swap3A_1661], %swap3A_1664 {strides = array<i32>} : memref<64x16xf32, #tpu.memory_space<vmem>>, vector<1x16xf32>,
      %broadcast_in_dim3A_1665 = arith.constant 58 : i32
      %broadcast_in_dim3A_1666 = vector.broadcast %broadcast_in_dim3A_1665 : i32 to vector<16xi32>
      %eq3A_1667 = arith.cmpi eq, %select_n3A_964, %broadcast_in_dim3A_1666 : vector<16xi32>
      %eq3A_1668 = arith.cmpi eq, %select_n3A_962, %broadcast_in_dim3A_1666 : vector<16xi32>
      %select_n3A_1669 = arith.select %eq3A_1668, %sub3A_968, %broadcast_in_dim3A_970 : vector<16xi1>, vector<16xf32>
      %select_n3A_1670 = arith.select %eq3A_1667, %div3A, %select_n3A_1669 : vector<16xi1>, vector<16xf32>
      %swap3A_1671 = arith.constant 58 : i32
      %swap3A_1672 = arith.index_cast %swap3A_1671 : i32 to index
      %swap3A_1673 = arith.constant 0 : index
      %swap3A_1674 = tpu.vector_load %arg5[%swap3A_1672, %swap3A_1673] {strides = array<i32>} : memref<64x16xf32, #tpu.memory_space<vmem>>, vector<1x16xf32>,
      %swap3A_1675 = vector.shape_cast %swap3A_1674 : vector<1x16xf32> to vector<16xf32>
      %swap3A_1676 = vector.shape_cast %select_n3A_1670 : vector<16xf32> to vector<1x16xf32>
      tpu.vector_store %arg5[%swap3A_1672, %swap3A_1673], %swap3A_1676 {strides = array<i32>} : memref<64x16xf32, #tpu.memory_space<vmem>>, vector<1x16xf32>,
      %broadcast_in_dim3A_1677 = arith.constant 59 : i32
      %broadcast_in_dim3A_1678 = vector.broadcast %broadcast_in_dim3A_1677 : i32 to vector<16xi32>
      %eq3A_1679 = arith.cmpi eq, %select_n3A_964, %broadcast_in_dim3A_1678 : vector<16xi32>
      %eq3A_1680 = arith.cmpi eq, %select_n3A_962, %broadcast_in_dim3A_1678 : vector<16xi32>
      %select_n3A_1681 = arith.select %eq3A_1680, %sub3A_968, %broadcast_in_dim3A_970 : vector<16xi1>, vector<16xf32>
      %select_n3A_1682 = arith.select %eq3A_1679, %div3A, %select_n3A_1681 : vector<16xi1>, vector<16xf32>
      %swap3A_1683 = arith.constant 59 : i32
      %swap3A_1684 = arith.index_cast %swap3A_1683 : i32 to index
      %swap3A_1685 = arith.constant 0 : index
      %swap3A_1686 = tpu.vector_load %arg5[%swap3A_1684, %swap3A_1685] {strides = array<i32>} : memref<64x16xf32, #tpu.memory_space<vmem>>, vector<1x16xf32>,
      %swap3A_1687 = vector.shape_cast %swap3A_1686 : vector<1x16xf32> to vector<16xf32>
      %swap3A_1688 = vector.shape_cast %select_n3A_1682 : vector<16xf32> to vector<1x16xf32>
      tpu.vector_store %arg5[%swap3A_1684, %swap3A_1685], %swap3A_1688 {strides = array<i32>} : memref<64x16xf32, #tpu.memory_space<vmem>>, vector<1x16xf32>,
      %broadcast_in_dim3A_1689 = arith.constant 60 : i32
      %broadcast_in_dim3A_1690 = vector.broadcast %broadcast_in_dim3A_1689 : i32 to vector<16xi32>
      %eq3A_1691 = arith.cmpi eq, %select_n3A_964, %broadcast_in_dim3A_1690 : vector<16xi32>
      %eq3A_1692 = arith.cmpi eq, %select_n3A_962, %broadcast_in_dim3A_1690 : vector<16xi32>
      %select_n3A_1693 = arith.select %eq3A_1692, %sub3A_968, %broadcast_in_dim3A_970 : vector<16xi1>, vector<16xf32>
      %select_n3A_1694 = arith.select %eq3A_1691, %div3A, %select_n3A_1693 : vector<16xi1>, vector<16xf32>
      %swap3A_1695 = arith.constant 60 : i32
      %swap3A_1696 = arith.index_cast %swap3A_1695 : i32 to index
      %swap3A_1697 = arith.constant 0 : index
      %swap3A_1698 = tpu.vector_load %arg5[%swap3A_1696, %swap3A_1697] {strides = array<i32>} : memref<64x16xf32, #tpu.memory_space<vmem>>, vector<1x16xf32>,
      %swap3A_1699 = vector.shape_cast %swap3A_1698 : vector<1x16xf32> to vector<16xf32>
      %swap3A_1700 = vector.shape_cast %select_n3A_1694 : vector<16xf32> to vector<1x16xf32>
      tpu.vector_store %arg5[%swap3A_1696, %swap3A_1697], %swap3A_1700 {strides = array<i32>} : memref<64x16xf32, #tpu.memory_space<vmem>>, vector<1x16xf32>,
      %broadcast_in_dim3A_1701 = arith.constant 61 : i32
      %broadcast_in_dim3A_1702 = vector.broadcast %broadcast_in_dim3A_1701 : i32 to vector<16xi32>
      %eq3A_1703 = arith.cmpi eq, %select_n3A_964, %broadcast_in_dim3A_1702 : vector<16xi32>
      %eq3A_1704 = arith.cmpi eq, %select_n3A_962, %broadcast_in_dim3A_1702 : vector<16xi32>
      %select_n3A_1705 = arith.select %eq3A_1704, %sub3A_968, %broadcast_in_dim3A_970 : vector<16xi1>, vector<16xf32>
      %select_n3A_1706 = arith.select %eq3A_1703, %div3A, %select_n3A_1705 : vector<16xi1>, vector<16xf32>
      %swap3A_1707 = arith.constant 61 : i32
      %swap3A_1708 = arith.index_cast %swap3A_1707 : i32 to index
      %swap3A_1709 = arith.constant 0 : index
      %swap3A_1710 = tpu.vector_load %arg5[%swap3A_1708, %swap3A_1709] {strides = array<i32>} : memref<64x16xf32, #tpu.memory_space<vmem>>, vector<1x16xf32>,
      %swap3A_1711 = vector.shape_cast %swap3A_1710 : vector<1x16xf32> to vector<16xf32>
      %swap3A_1712 = vector.shape_cast %select_n3A_1706 : vector<16xf32> to vector<1x16xf32>
      tpu.vector_store %arg5[%swap3A_1708, %swap3A_1709], %swap3A_1712 {strides = array<i32>} : memref<64x16xf32, #tpu.memory_space<vmem>>, vector<1x16xf32>,
      %broadcast_in_dim3A_1713 = arith.constant 62 : i32
      %broadcast_in_dim3A_1714 = vector.broadcast %broadcast_in_dim3A_1713 : i32 to vector<16xi32>
      %eq3A_1715 = arith.cmpi eq, %select_n3A_964, %broadcast_in_dim3A_1714 : vector<16xi32>
      %eq3A_1716 = arith.cmpi eq, %select_n3A_962, %broadcast_in_dim3A_1714 : vector<16xi32>
      %select_n3A_1717 = arith.select %eq3A_1716, %sub3A_968, %broadcast_in_dim3A_970 : vector<16xi1>, vector<16xf32>
      %select_n3A_1718 = arith.select %eq3A_1715, %div3A, %select_n3A_1717 : vector<16xi1>, vector<16xf32>
      %swap3A_1719 = arith.constant 62 : i32
      %swap3A_1720 = arith.index_cast %swap3A_1719 : i32 to index
      %swap3A_1721 = arith.constant 0 : index
      %swap3A_1722 = tpu.vector_load %arg5[%swap3A_1720, %swap3A_1721] {strides = array<i32>} : memref<64x16xf32, #tpu.memory_space<vmem>>, vector<1x16xf32>,
      %swap3A_1723 = vector.shape_cast %swap3A_1722 : vector<1x16xf32> to vector<16xf32>
      %swap3A_1724 = vector.shape_cast %select_n3A_1718 : vector<16xf32> to vector<1x16xf32>
      tpu.vector_store %arg5[%swap3A_1720, %swap3A_1721], %swap3A_1724 {strides = array<i32>} : memref<64x16xf32, #tpu.memory_space<vmem>>, vector<1x16xf32>,
      %broadcast_in_dim3A_1725 = arith.constant 63 : i32
      %broadcast_in_dim3A_1726 = vector.broadcast %broadcast_in_dim3A_1725 : i32 to vector<16xi32>
      %eq3A_1727 = arith.cmpi eq, %select_n3A_964, %broadcast_in_dim3A_1726 : vector<16xi32>
      %eq3A_1728 = arith.cmpi eq, %select_n3A_962, %broadcast_in_dim3A_1726 : vector<16xi32>
      %select_n3A_1729 = arith.select %eq3A_1728, %sub3A_968, %broadcast_in_dim3A_970 : vector<16xi1>, vector<16xf32>
      %select_n3A_1730 = arith.select %eq3A_1727, %div3A, %select_n3A_1729 : vector<16xi1>, vector<16xf32>
      %swap3A_1731 = arith.constant 63 : i32
      %swap3A_1732 = arith.index_cast %swap3A_1731 : i32 to index
      %swap3A_1733 = arith.constant 0 : index
      %swap3A_1734 = tpu.vector_load %arg5[%swap3A_1732, %swap3A_1733] {strides = array<i32>} : memref<64x16xf32, #tpu.memory_space<vmem>>, vector<1x16xf32>,
      %swap3A_1735 = vector.shape_cast %swap3A_1734 : vector<1x16xf32> to vector<16xf32>
      %swap3A_1736 = vector.shape_cast %select_n3A_1730 : vector<16xf32> to vector<1x16xf32>
      tpu.vector_store %arg5[%swap3A_1732, %swap3A_1733], %swap3A_1736 {strides = array<i32>} : memref<64x16xf32, #tpu.memory_space<vmem>>, vector<1x16xf32>,
      "tpu.region"() ({
        %run_scoped3A = tpu.sem_alloc : memref<!tpu.dma_semaphore, #tpu.memory_space<semaphore_mem>>
        %dma_start3A = arith.constant 0 : i32
        %dma_start3A_1737 = arith.constant 0 : i32
        %dma_start3A_1738 = tpu.memref_slice %arg3[%add3A, %dma_start3A, %dma_start3A_1737] : memref<16x64x16xf32, #tpu.memory_space<hbm>> -> memref<1x64x16xf32, #tpu.memory_space<hbm>>
        %dma_start3A_1739 = tpu.memref_squeeze %dma_start3A_1738 : memref<1x64x16xf32, #tpu.memory_space<hbm>> -> memref<64x16xf32, #tpu.memory_space<hbm>>
        %dma_start3A_1740 = arith.constant 0 : i32
        %dma_start3A_1741 = arith.constant 0 : i32
        %dma_start3A_1742 = tpu.memref_slice %arg3[%add3A, %dma_start3A_1740, %dma_start3A_1741] : memref<16x64x16xf32, #tpu.memory_space<hbm>> -> memref<1x64x16xf32, #tpu.memory_space<hbm>>
        %dma_start3A_1743 = tpu.memref_squeeze %dma_start3A_1742 : memref<1x64x16xf32, #tpu.memory_space<hbm>> -> memref<64x16xf32, #tpu.memory_space<hbm>>
        tpu.enqueue_dma source(%arg5 : memref<64x16xf32, #tpu.memory_space<vmem>>) target(%dma_start3A_1743 : memref<64x16xf32, #tpu.memory_space<hbm>>) target_semaphore(%run_scoped3A : memref<!tpu.dma_semaphore, #tpu.memory_space<semaphore_mem>>)
        %dma_wait3A = arith.constant 0 : i32
        %dma_wait3A_1744 = arith.constant 0 : i32
        %dma_wait3A_1745 = tpu.memref_slice %arg3[%add3A, %dma_wait3A, %dma_wait3A_1744] : memref<16x64x16xf32, #tpu.memory_space<hbm>> -> memref<1x64x16xf32, #tpu.memory_space<hbm>>
        %dma_wait3A_1746 = tpu.memref_squeeze %dma_wait3A_1745 : memref<1x64x16xf32, #tpu.memory_space<hbm>> -> memref<64x16xf32, #tpu.memory_space<hbm>>
        %dma_wait3A_1747 = arith.constant 0 : i32
        %dma_wait3A_1748 = arith.constant 0 : i32
        %dma_wait3A_1749 = tpu.memref_slice %arg3[%add3A, %dma_wait3A_1747, %dma_wait3A_1748] : memref<16x64x16xf32, #tpu.memory_space<hbm>> -> memref<1x64x16xf32, #tpu.memory_space<hbm>>
        %dma_wait3A_1750 = tpu.memref_squeeze %dma_wait3A_1749 : memref<1x64x16xf32, #tpu.memory_space<hbm>> -> memref<64x16xf32, #tpu.memory_space<hbm>>
        tpu.wait_dma2 semaphore(%run_scoped3A : memref<!tpu.dma_semaphore, #tpu.memory_space<semaphore_mem>>) src(%arg5 : memref<64x16xf32, #tpu.memory_space<vmem>>) dst(%dma_wait3A_1750 : memref<64x16xf32, #tpu.memory_space<hbm>>)
        tpu.yield
      }) : () -> ()
    } else {
    }
    return
  }
}

module attributes {stable_mosaic.version = 14 : i64} {
  func.func @_logits_kernel(%arg0: memref<256x256xf32, #tpu.memory_space<vmem>>, %arg1: memref<64x256xf32, #tpu.memory_space<vmem>>, %arg2: memref<16x64x16xf32, #tpu.memory_space<vmem>>) attributes {dimension_semantics = [], scalar_prefetch = 0 : i64, scratch_operands = 0 : i64, tpu.core_type = #tpu.core_type<tc>} {
    %get3A = arith.constant 0 : index
    %get3A_0 = arith.constant 0 : index
    %get3A_1 = vector.load %arg1[%get3A, %get3A_0] : memref<64x256xf32, #tpu.memory_space<vmem>>, vector<64x256xf32>
    %get3A_2 = arith.constant 0 : index
    %get3A_3 = arith.constant 0 : index
    %get3A_4 = vector.load %arg0[%get3A_2, %get3A_3] : memref<256x256xf32, #tpu.memory_space<vmem>>, vector<256x256xf32>
    %dot_general3A = arith.constant dense<0.000000e+00> : vector<64x256xf32>
    %dot_general3A_5 = tpu.matmul %get3A_1, %get3A_4, %dot_general3A {dimension_numbers = #tpu.dot_dimension_numbers<[1], [1], [0], [0], [0, 0, 1, 0], [], []>, transpose_lhs_hint = false} : vector<64x256xf32>, vector<256x256xf32>, vector<64x256xf32> -> vector<64x256xf32>
    %slice3A = vector.extract_strided_slice %dot_general3A_5 {offsets = [0, 0], sizes = [64, 16], strides = [1, 1]} : vector<64x256xf32> to vector<64x16xf32>
    %swap3A = arith.constant 0 : index
    %swap3A_6 = arith.constant 0 : index
    %swap3A_7 = arith.constant 0 : index
    %swap3A_8 = vector.load %arg2[%swap3A, %swap3A_6, %swap3A_7] : memref<16x64x16xf32, #tpu.memory_space<vmem>>, vector<1x64x16xf32>
    %swap3A_9 = vector.shape_cast %swap3A_8 : vector<1x64x16xf32> to vector<64x16xf32>
    %swap3A_10 = vector.shape_cast %slice3A : vector<64x16xf32> to vector<1x64x16xf32>
    tpu.vector_store %arg2[%swap3A, %swap3A_6, %swap3A_7], %swap3A_10 {strides = array<i32>} : memref<16x64x16xf32, #tpu.memory_space<vmem>>, vector<1x64x16xf32>,
    %slice3A_11 = vector.extract_strided_slice %dot_general3A_5 {offsets = [0, 16], sizes = [64, 16], strides = [1, 1]} : vector<64x256xf32> to vector<64x16xf32>
    %swap3A_12 = arith.constant 1 : index
    %swap3A_13 = arith.constant 0 : index
    %swap3A_14 = arith.constant 0 : index
    %swap3A_15 = vector.load %arg2[%swap3A_12, %swap3A_13, %swap3A_14] : memref<16x64x16xf32, #tpu.memory_space<vmem>>, vector<1x64x16xf32>
    %swap3A_16 = vector.shape_cast %swap3A_15 : vector<1x64x16xf32> to vector<64x16xf32>
    %swap3A_17 = vector.shape_cast %slice3A_11 : vector<64x16xf32> to vector<1x64x16xf32>
    tpu.vector_store %arg2[%swap3A_12, %swap3A_13, %swap3A_14], %swap3A_17 {strides = array<i32>} : memref<16x64x16xf32, #tpu.memory_space<vmem>>, vector<1x64x16xf32>,
    %slice3A_18 = vector.extract_strided_slice %dot_general3A_5 {offsets = [0, 32], sizes = [64, 16], strides = [1, 1]} : vector<64x256xf32> to vector<64x16xf32>
    %swap3A_19 = arith.constant 2 : index
    %swap3A_20 = arith.constant 0 : index
    %swap3A_21 = arith.constant 0 : index
    %swap3A_22 = vector.load %arg2[%swap3A_19, %swap3A_20, %swap3A_21] : memref<16x64x16xf32, #tpu.memory_space<vmem>>, vector<1x64x16xf32>
    %swap3A_23 = vector.shape_cast %swap3A_22 : vector<1x64x16xf32> to vector<64x16xf32>
    %swap3A_24 = vector.shape_cast %slice3A_18 : vector<64x16xf32> to vector<1x64x16xf32>
    tpu.vector_store %arg2[%swap3A_19, %swap3A_20, %swap3A_21], %swap3A_24 {strides = array<i32>} : memref<16x64x16xf32, #tpu.memory_space<vmem>>, vector<1x64x16xf32>,
    %slice3A_25 = vector.extract_strided_slice %dot_general3A_5 {offsets = [0, 48], sizes = [64, 16], strides = [1, 1]} : vector<64x256xf32> to vector<64x16xf32>
    %swap3A_26 = arith.constant 3 : index
    %swap3A_27 = arith.constant 0 : index
    %swap3A_28 = arith.constant 0 : index
    %swap3A_29 = vector.load %arg2[%swap3A_26, %swap3A_27, %swap3A_28] : memref<16x64x16xf32, #tpu.memory_space<vmem>>, vector<1x64x16xf32>
    %swap3A_30 = vector.shape_cast %swap3A_29 : vector<1x64x16xf32> to vector<64x16xf32>
    %swap3A_31 = vector.shape_cast %slice3A_25 : vector<64x16xf32> to vector<1x64x16xf32>
    tpu.vector_store %arg2[%swap3A_26, %swap3A_27, %swap3A_28], %swap3A_31 {strides = array<i32>} : memref<16x64x16xf32, #tpu.memory_space<vmem>>, vector<1x64x16xf32>,
    %slice3A_32 = vector.extract_strided_slice %dot_general3A_5 {offsets = [0, 64], sizes = [64, 16], strides = [1, 1]} : vector<64x256xf32> to vector<64x16xf32>
    %swap3A_33 = arith.constant 4 : index
    %swap3A_34 = arith.constant 0 : index
    %swap3A_35 = arith.constant 0 : index
    %swap3A_36 = vector.load %arg2[%swap3A_33, %swap3A_34, %swap3A_35] : memref<16x64x16xf32, #tpu.memory_space<vmem>>, vector<1x64x16xf32>
    %swap3A_37 = vector.shape_cast %swap3A_36 : vector<1x64x16xf32> to vector<64x16xf32>
    %swap3A_38 = vector.shape_cast %slice3A_32 : vector<64x16xf32> to vector<1x64x16xf32>
    tpu.vector_store %arg2[%swap3A_33, %swap3A_34, %swap3A_35], %swap3A_38 {strides = array<i32>} : memref<16x64x16xf32, #tpu.memory_space<vmem>>, vector<1x64x16xf32>,
    %slice3A_39 = vector.extract_strided_slice %dot_general3A_5 {offsets = [0, 80], sizes = [64, 16], strides = [1, 1]} : vector<64x256xf32> to vector<64x16xf32>
    %swap3A_40 = arith.constant 5 : index
    %swap3A_41 = arith.constant 0 : index
    %swap3A_42 = arith.constant 0 : index
    %swap3A_43 = vector.load %arg2[%swap3A_40, %swap3A_41, %swap3A_42] : memref<16x64x16xf32, #tpu.memory_space<vmem>>, vector<1x64x16xf32>
    %swap3A_44 = vector.shape_cast %swap3A_43 : vector<1x64x16xf32> to vector<64x16xf32>
    %swap3A_45 = vector.shape_cast %slice3A_39 : vector<64x16xf32> to vector<1x64x16xf32>
    tpu.vector_store %arg2[%swap3A_40, %swap3A_41, %swap3A_42], %swap3A_45 {strides = array<i32>} : memref<16x64x16xf32, #tpu.memory_space<vmem>>, vector<1x64x16xf32>,
    %slice3A_46 = vector.extract_strided_slice %dot_general3A_5 {offsets = [0, 96], sizes = [64, 16], strides = [1, 1]} : vector<64x256xf32> to vector<64x16xf32>
    %swap3A_47 = arith.constant 6 : index
    %swap3A_48 = arith.constant 0 : index
    %swap3A_49 = arith.constant 0 : index
    %swap3A_50 = vector.load %arg2[%swap3A_47, %swap3A_48, %swap3A_49] : memref<16x64x16xf32, #tpu.memory_space<vmem>>, vector<1x64x16xf32>
    %swap3A_51 = vector.shape_cast %swap3A_50 : vector<1x64x16xf32> to vector<64x16xf32>
    %swap3A_52 = vector.shape_cast %slice3A_46 : vector<64x16xf32> to vector<1x64x16xf32>
    tpu.vector_store %arg2[%swap3A_47, %swap3A_48, %swap3A_49], %swap3A_52 {strides = array<i32>} : memref<16x64x16xf32, #tpu.memory_space<vmem>>, vector<1x64x16xf32>,
    %slice3A_53 = vector.extract_strided_slice %dot_general3A_5 {offsets = [0, 112], sizes = [64, 16], strides = [1, 1]} : vector<64x256xf32> to vector<64x16xf32>
    %swap3A_54 = arith.constant 7 : index
    %swap3A_55 = arith.constant 0 : index
    %swap3A_56 = arith.constant 0 : index
    %swap3A_57 = vector.load %arg2[%swap3A_54, %swap3A_55, %swap3A_56] : memref<16x64x16xf32, #tpu.memory_space<vmem>>, vector<1x64x16xf32>
    %swap3A_58 = vector.shape_cast %swap3A_57 : vector<1x64x16xf32> to vector<64x16xf32>
    %swap3A_59 = vector.shape_cast %slice3A_53 : vector<64x16xf32> to vector<1x64x16xf32>
    tpu.vector_store %arg2[%swap3A_54, %swap3A_55, %swap3A_56], %swap3A_59 {strides = array<i32>} : memref<16x64x16xf32, #tpu.memory_space<vmem>>, vector<1x64x16xf32>,
    %slice3A_60 = vector.extract_strided_slice %dot_general3A_5 {offsets = [0, 128], sizes = [64, 16], strides = [1, 1]} : vector<64x256xf32> to vector<64x16xf32>
    %swap3A_61 = arith.constant 8 : index
    %swap3A_62 = arith.constant 0 : index
    %swap3A_63 = arith.constant 0 : index
    %swap3A_64 = vector.load %arg2[%swap3A_61, %swap3A_62, %swap3A_63] : memref<16x64x16xf32, #tpu.memory_space<vmem>>, vector<1x64x16xf32>
    %swap3A_65 = vector.shape_cast %swap3A_64 : vector<1x64x16xf32> to vector<64x16xf32>
    %swap3A_66 = vector.shape_cast %slice3A_60 : vector<64x16xf32> to vector<1x64x16xf32>
    tpu.vector_store %arg2[%swap3A_61, %swap3A_62, %swap3A_63], %swap3A_66 {strides = array<i32>} : memref<16x64x16xf32, #tpu.memory_space<vmem>>, vector<1x64x16xf32>,
    %slice3A_67 = vector.extract_strided_slice %dot_general3A_5 {offsets = [0, 144], sizes = [64, 16], strides = [1, 1]} : vector<64x256xf32> to vector<64x16xf32>
    %swap3A_68 = arith.constant 9 : index
    %swap3A_69 = arith.constant 0 : index
    %swap3A_70 = arith.constant 0 : index
    %swap3A_71 = vector.load %arg2[%swap3A_68, %swap3A_69, %swap3A_70] : memref<16x64x16xf32, #tpu.memory_space<vmem>>, vector<1x64x16xf32>
    %swap3A_72 = vector.shape_cast %swap3A_71 : vector<1x64x16xf32> to vector<64x16xf32>
    %swap3A_73 = vector.shape_cast %slice3A_67 : vector<64x16xf32> to vector<1x64x16xf32>
    tpu.vector_store %arg2[%swap3A_68, %swap3A_69, %swap3A_70], %swap3A_73 {strides = array<i32>} : memref<16x64x16xf32, #tpu.memory_space<vmem>>, vector<1x64x16xf32>,
    %slice3A_74 = vector.extract_strided_slice %dot_general3A_5 {offsets = [0, 160], sizes = [64, 16], strides = [1, 1]} : vector<64x256xf32> to vector<64x16xf32>
    %swap3A_75 = arith.constant 10 : index
    %swap3A_76 = arith.constant 0 : index
    %swap3A_77 = arith.constant 0 : index
    %swap3A_78 = vector.load %arg2[%swap3A_75, %swap3A_76, %swap3A_77] : memref<16x64x16xf32, #tpu.memory_space<vmem>>, vector<1x64x16xf32>
    %swap3A_79 = vector.shape_cast %swap3A_78 : vector<1x64x16xf32> to vector<64x16xf32>
    %swap3A_80 = vector.shape_cast %slice3A_74 : vector<64x16xf32> to vector<1x64x16xf32>
    tpu.vector_store %arg2[%swap3A_75, %swap3A_76, %swap3A_77], %swap3A_80 {strides = array<i32>} : memref<16x64x16xf32, #tpu.memory_space<vmem>>, vector<1x64x16xf32>,
    %slice3A_81 = vector.extract_strided_slice %dot_general3A_5 {offsets = [0, 176], sizes = [64, 16], strides = [1, 1]} : vector<64x256xf32> to vector<64x16xf32>
    %swap3A_82 = arith.constant 11 : index
    %swap3A_83 = arith.constant 0 : index
    %swap3A_84 = arith.constant 0 : index
    %swap3A_85 = vector.load %arg2[%swap3A_82, %swap3A_83, %swap3A_84] : memref<16x64x16xf32, #tpu.memory_space<vmem>>, vector<1x64x16xf32>
    %swap3A_86 = vector.shape_cast %swap3A_85 : vector<1x64x16xf32> to vector<64x16xf32>
    %swap3A_87 = vector.shape_cast %slice3A_81 : vector<64x16xf32> to vector<1x64x16xf32>
    tpu.vector_store %arg2[%swap3A_82, %swap3A_83, %swap3A_84], %swap3A_87 {strides = array<i32>} : memref<16x64x16xf32, #tpu.memory_space<vmem>>, vector<1x64x16xf32>,
    %slice3A_88 = vector.extract_strided_slice %dot_general3A_5 {offsets = [0, 192], sizes = [64, 16], strides = [1, 1]} : vector<64x256xf32> to vector<64x16xf32>
    %swap3A_89 = arith.constant 12 : index
    %swap3A_90 = arith.constant 0 : index
    %swap3A_91 = arith.constant 0 : index
    %swap3A_92 = vector.load %arg2[%swap3A_89, %swap3A_90, %swap3A_91] : memref<16x64x16xf32, #tpu.memory_space<vmem>>, vector<1x64x16xf32>
    %swap3A_93 = vector.shape_cast %swap3A_92 : vector<1x64x16xf32> to vector<64x16xf32>
    %swap3A_94 = vector.shape_cast %slice3A_88 : vector<64x16xf32> to vector<1x64x16xf32>
    tpu.vector_store %arg2[%swap3A_89, %swap3A_90, %swap3A_91], %swap3A_94 {strides = array<i32>} : memref<16x64x16xf32, #tpu.memory_space<vmem>>, vector<1x64x16xf32>,
    %slice3A_95 = vector.extract_strided_slice %dot_general3A_5 {offsets = [0, 208], sizes = [64, 16], strides = [1, 1]} : vector<64x256xf32> to vector<64x16xf32>
    %swap3A_96 = arith.constant 13 : index
    %swap3A_97 = arith.constant 0 : index
    %swap3A_98 = arith.constant 0 : index
    %swap3A_99 = vector.load %arg2[%swap3A_96, %swap3A_97, %swap3A_98] : memref<16x64x16xf32, #tpu.memory_space<vmem>>, vector<1x64x16xf32>
    %swap3A_100 = vector.shape_cast %swap3A_99 : vector<1x64x16xf32> to vector<64x16xf32>
    %swap3A_101 = vector.shape_cast %slice3A_95 : vector<64x16xf32> to vector<1x64x16xf32>
    tpu.vector_store %arg2[%swap3A_96, %swap3A_97, %swap3A_98], %swap3A_101 {strides = array<i32>} : memref<16x64x16xf32, #tpu.memory_space<vmem>>, vector<1x64x16xf32>,
    %slice3A_102 = vector.extract_strided_slice %dot_general3A_5 {offsets = [0, 224], sizes = [64, 16], strides = [1, 1]} : vector<64x256xf32> to vector<64x16xf32>
    %swap3A_103 = arith.constant 14 : index
    %swap3A_104 = arith.constant 0 : index
    %swap3A_105 = arith.constant 0 : index
    %swap3A_106 = vector.load %arg2[%swap3A_103, %swap3A_104, %swap3A_105] : memref<16x64x16xf32, #tpu.memory_space<vmem>>, vector<1x64x16xf32>
    %swap3A_107 = vector.shape_cast %swap3A_106 : vector<1x64x16xf32> to vector<64x16xf32>
    %swap3A_108 = vector.shape_cast %slice3A_102 : vector<64x16xf32> to vector<1x64x16xf32>
    tpu.vector_store %arg2[%swap3A_103, %swap3A_104, %swap3A_105], %swap3A_108 {strides = array<i32>} : memref<16x64x16xf32, #tpu.memory_space<vmem>>, vector<1x64x16xf32>,
    %slice3A_109 = vector.extract_strided_slice %dot_general3A_5 {offsets = [0, 240], sizes = [64, 16], strides = [1, 1]} : vector<64x256xf32> to vector<64x16xf32>
    %swap3A_110 = arith.constant 15 : index
    %swap3A_111 = arith.constant 0 : index
    %swap3A_112 = arith.constant 0 : index
    %swap3A_113 = vector.load %arg2[%swap3A_110, %swap3A_111, %swap3A_112] : memref<16x64x16xf32, #tpu.memory_space<vmem>>, vector<1x64x16xf32>
    %swap3A_114 = vector.shape_cast %swap3A_113 : vector<1x64x16xf32> to vector<64x16xf32>
    %swap3A_115 = vector.shape_cast %slice3A_109 : vector<64x16xf32> to vector<1x64x16xf32>
    tpu.vector_store %arg2[%swap3A_110, %swap3A_111, %swap3A_112], %swap3A_115 {strides = array<i32>} : memref<16x64x16xf32, #tpu.memory_space<vmem>>, vector<1x64x16xf32>,
    return
  }
}

module attributes {stable_mosaic.version = 14 : i64} {
  func.func @_moe_kernel(%arg0: i32, %arg1: memref<256x256xf32, #tpu.memory_space<vmem>>, %arg2: memref<256x64xf32, #tpu.memory_space<vmem>>, %arg3: memref<8x512x256xf32, #tpu.memory_space<vmem>>, %arg4: memref<8x256x512xf32, #tpu.memory_space<vmem>>, %arg5: memref<8x1x512xf32, #tpu.memory_space<vmem>>, %arg6: memref<8x1x256xf32, #tpu.memory_space<vmem>>, %arg7: memref<256x256xf32, #tpu.memory_space<vmem>>, %arg8: memref<8x256x8xf32, #tpu.memory_space<vmem>>) attributes {dimension_semantics = [#tpu.dimension_semantics<arbitrary>], iteration_bounds = array<i64: 8>, scalar_prefetch = 0 : i64, scratch_operands = 1 : i64, tpu.core_type = #tpu.core_type<tc>, window_params = [{pipeline_mode = #tpu.pipeline_mode<synchronous>, transform_indices = @transform_0, window_bounds = array<i64: 256, 256>}, {pipeline_mode = #tpu.pipeline_mode<synchronous>, transform_indices = @transform_1, window_bounds = array<i64: 256, 64>}, {transform_indices = @transform_2, window_bounds = array<i64: 8, 512, 256>}, {transform_indices = @transform_3, window_bounds = array<i64: 8, 256, 512>}, {transform_indices = @transform_4, window_bounds = array<i64: 8, 1, 512>}, {transform_indices = @transform_5, window_bounds = array<i64: 8, 1, 256>}, {pipeline_mode = #tpu.pipeline_mode<synchronous>, transform_indices = @transform_6, window_bounds = array<i64: 256, 256>}]} {
    %get3A = arith.constant 0 : index
    %get3A_0 = arith.constant 0 : index
    %get3A_1 = vector.load %arg1[%get3A, %get3A_0] : memref<256x256xf32, #tpu.memory_space<vmem>>, vector<256x256xf32>
    %eq3A = arith.constant 0 : i32
    %eq3A_2 = arith.cmpi eq, %arg0, %eq3A : i32
    %convert_element_type3A = arith.extui %eq3A_2 : i1 to i32
    %cond3A = arith.constant 0 : i32
    %cond3A_3 = arith.cmpi ne, %convert_element_type3A, %cond3A : i32
    scf.if %cond3A_3 {
      %get3A_356 = arith.constant 0 : index
      %get3A_357 = arith.constant 0 : index
      %get3A_358 = vector.load %arg2[%get3A_356, %get3A_357] : memref<256x64xf32, #tpu.memory_space<vmem>>, vector<256x64xf32>
      %slice3A_359 = vector.extract_strided_slice %get3A_358 {offsets = [0, 0], sizes = [256, 8], strides = [1, 1]} : vector<256x64xf32> to vector<256x8xf32>
      %swap3A = arith.constant 0 : index
      %swap3A_360 = arith.constant 0 : index
      %swap3A_361 = arith.constant 0 : index
      %swap3A_362 = vector.load %arg8[%swap3A, %swap3A_360, %swap3A_361] : memref<8x256x8xf32, #tpu.memory_space<vmem>>, vector<1x256x8xf32>
      %swap3A_363 = vector.shape_cast %swap3A_362 : vector<1x256x8xf32> to vector<256x8xf32>
      %swap3A_364 = vector.shape_cast %slice3A_359 : vector<256x8xf32> to vector<1x256x8xf32>
      tpu.vector_store %arg8[%swap3A, %swap3A_360, %swap3A_361], %swap3A_364 {strides = array<i32>} : memref<8x256x8xf32, #tpu.memory_space<vmem>>, vector<1x256x8xf32>,
      %slice3A_365 = vector.extract_strided_slice %get3A_358 {offsets = [0, 8], sizes = [256, 8], strides = [1, 1]} : vector<256x64xf32> to vector<256x8xf32>
      %swap3A_366 = arith.constant 1 : index
      %swap3A_367 = arith.constant 0 : index
      %swap3A_368 = arith.constant 0 : index
      %swap3A_369 = vector.load %arg8[%swap3A_366, %swap3A_367, %swap3A_368] : memref<8x256x8xf32, #tpu.memory_space<vmem>>, vector<1x256x8xf32>
      %swap3A_370 = vector.shape_cast %swap3A_369 : vector<1x256x8xf32> to vector<256x8xf32>
      %swap3A_371 = vector.shape_cast %slice3A_365 : vector<256x8xf32> to vector<1x256x8xf32>
      tpu.vector_store %arg8[%swap3A_366, %swap3A_367, %swap3A_368], %swap3A_371 {strides = array<i32>} : memref<8x256x8xf32, #tpu.memory_space<vmem>>, vector<1x256x8xf32>,
      %slice3A_372 = vector.extract_strided_slice %get3A_358 {offsets = [0, 16], sizes = [256, 8], strides = [1, 1]} : vector<256x64xf32> to vector<256x8xf32>
      %swap3A_373 = arith.constant 2 : index
      %swap3A_374 = arith.constant 0 : index
      %swap3A_375 = arith.constant 0 : index
      %swap3A_376 = vector.load %arg8[%swap3A_373, %swap3A_374, %swap3A_375] : memref<8x256x8xf32, #tpu.memory_space<vmem>>, vector<1x256x8xf32>
      %swap3A_377 = vector.shape_cast %swap3A_376 : vector<1x256x8xf32> to vector<256x8xf32>
      %swap3A_378 = vector.shape_cast %slice3A_372 : vector<256x8xf32> to vector<1x256x8xf32>
      tpu.vector_store %arg8[%swap3A_373, %swap3A_374, %swap3A_375], %swap3A_378 {strides = array<i32>} : memref<8x256x8xf32, #tpu.memory_space<vmem>>, vector<1x256x8xf32>,
      %slice3A_379 = vector.extract_strided_slice %get3A_358 {offsets = [0, 24], sizes = [256, 8], strides = [1, 1]} : vector<256x64xf32> to vector<256x8xf32>
      %swap3A_380 = arith.constant 3 : index
      %swap3A_381 = arith.constant 0 : index
      %swap3A_382 = arith.constant 0 : index
      %swap3A_383 = vector.load %arg8[%swap3A_380, %swap3A_381, %swap3A_382] : memref<8x256x8xf32, #tpu.memory_space<vmem>>, vector<1x256x8xf32>
      %swap3A_384 = vector.shape_cast %swap3A_383 : vector<1x256x8xf32> to vector<256x8xf32>
      %swap3A_385 = vector.shape_cast %slice3A_379 : vector<256x8xf32> to vector<1x256x8xf32>
      tpu.vector_store %arg8[%swap3A_380, %swap3A_381, %swap3A_382], %swap3A_385 {strides = array<i32>} : memref<8x256x8xf32, #tpu.memory_space<vmem>>, vector<1x256x8xf32>,
      %slice3A_386 = vector.extract_strided_slice %get3A_358 {offsets = [0, 32], sizes = [256, 8], strides = [1, 1]} : vector<256x64xf32> to vector<256x8xf32>
      %swap3A_387 = arith.constant 4 : index
      %swap3A_388 = arith.constant 0 : index
      %swap3A_389 = arith.constant 0 : index
      %swap3A_390 = vector.load %arg8[%swap3A_387, %swap3A_388, %swap3A_389] : memref<8x256x8xf32, #tpu.memory_space<vmem>>, vector<1x256x8xf32>
      %swap3A_391 = vector.shape_cast %swap3A_390 : vector<1x256x8xf32> to vector<256x8xf32>
      %swap3A_392 = vector.shape_cast %slice3A_386 : vector<256x8xf32> to vector<1x256x8xf32>
      tpu.vector_store %arg8[%swap3A_387, %swap3A_388, %swap3A_389], %swap3A_392 {strides = array<i32>} : memref<8x256x8xf32, #tpu.memory_space<vmem>>, vector<1x256x8xf32>,
      %slice3A_393 = vector.extract_strided_slice %get3A_358 {offsets = [0, 40], sizes = [256, 8], strides = [1, 1]} : vector<256x64xf32> to vector<256x8xf32>
      %swap3A_394 = arith.constant 5 : index
      %swap3A_395 = arith.constant 0 : index
      %swap3A_396 = arith.constant 0 : index
      %swap3A_397 = vector.load %arg8[%swap3A_394, %swap3A_395, %swap3A_396] : memref<8x256x8xf32, #tpu.memory_space<vmem>>, vector<1x256x8xf32>
      %swap3A_398 = vector.shape_cast %swap3A_397 : vector<1x256x8xf32> to vector<256x8xf32>
      %swap3A_399 = vector.shape_cast %slice3A_393 : vector<256x8xf32> to vector<1x256x8xf32>
      tpu.vector_store %arg8[%swap3A_394, %swap3A_395, %swap3A_396], %swap3A_399 {strides = array<i32>} : memref<8x256x8xf32, #tpu.memory_space<vmem>>, vector<1x256x8xf32>,
      %slice3A_400 = vector.extract_strided_slice %get3A_358 {offsets = [0, 48], sizes = [256, 8], strides = [1, 1]} : vector<256x64xf32> to vector<256x8xf32>
      %swap3A_401 = arith.constant 6 : index
      %swap3A_402 = arith.constant 0 : index
      %swap3A_403 = arith.constant 0 : index
      %swap3A_404 = vector.load %arg8[%swap3A_401, %swap3A_402, %swap3A_403] : memref<8x256x8xf32, #tpu.memory_space<vmem>>, vector<1x256x8xf32>
      %swap3A_405 = vector.shape_cast %swap3A_404 : vector<1x256x8xf32> to vector<256x8xf32>
      %swap3A_406 = vector.shape_cast %slice3A_400 : vector<256x8xf32> to vector<1x256x8xf32>
      tpu.vector_store %arg8[%swap3A_401, %swap3A_402, %swap3A_403], %swap3A_406 {strides = array<i32>} : memref<8x256x8xf32, #tpu.memory_space<vmem>>, vector<1x256x8xf32>,
      %slice3A_407 = vector.extract_strided_slice %get3A_358 {offsets = [0, 56], sizes = [256, 8], strides = [1, 1]} : vector<256x64xf32> to vector<256x8xf32>
      %swap3A_408 = arith.constant 7 : index
      %swap3A_409 = arith.constant 0 : index
      %swap3A_410 = arith.constant 0 : index
      %swap3A_411 = vector.load %arg8[%swap3A_408, %swap3A_409, %swap3A_410] : memref<8x256x8xf32, #tpu.memory_space<vmem>>, vector<1x256x8xf32>
      %swap3A_412 = vector.shape_cast %swap3A_411 : vector<1x256x8xf32> to vector<256x8xf32>
      %swap3A_413 = vector.shape_cast %slice3A_407 : vector<256x8xf32> to vector<1x256x8xf32>
      tpu.vector_store %arg8[%swap3A_408, %swap3A_409, %swap3A_410], %swap3A_413 {strides = array<i32>} : memref<8x256x8xf32, #tpu.memory_space<vmem>>, vector<1x256x8xf32>,
    } else {
    }
    %get3A_4 = arith.index_cast %arg0 : i32 to index
    %get3A_5 = arith.constant 0 : index
    %get3A_6 = arith.constant 0 : index
    %get3A_7 = vector.load %arg8[%get3A_4, %get3A_5, %get3A_6] : memref<8x256x8xf32, #tpu.memory_space<vmem>>, vector<1x256x8xf32>
    %get3A_8 = vector.shape_cast %get3A_7 : vector<1x256x8xf32> to vector<256x8xf32>
    %get3A_9 = arith.constant 0 : index
    %get3A_10 = arith.constant 0 : index
    %get3A_11 = arith.constant 0 : index
    %get3A_12 = vector.load %arg3[%get3A_9, %get3A_10, %get3A_11] : memref<8x512x256xf32, #tpu.memory_space<vmem>>, vector<1x512x256xf32>
    %get3A_13 = vector.shape_cast %get3A_12 : vector<1x512x256xf32> to vector<512x256xf32>
    %dot_general3A = arith.constant dense<0.000000e+00> : vector<256x512xf32>
    %dot_general3A_14 = tpu.matmul %get3A_1, %get3A_13, %dot_general3A {dimension_numbers = #tpu.dot_dimension_numbers<[1], [1], [0], [0], [0, 0, 1, 0], [], []>, transpose_lhs_hint = false} : vector<256x256xf32>, vector<512x256xf32>, vector<256x512xf32> -> vector<256x512xf32>
    %get3A_15 = arith.constant 0 : index
    %get3A_16 = arith.constant 0 : index
    %get3A_17 = arith.constant 0 : index
    %get3A_18 = vector.load %arg5[%get3A_15, %get3A_16, %get3A_17] : memref<8x1x512xf32, #tpu.memory_space<vmem>>, vector<1x1x512xf32>
    %get3A_19 = vector.shape_cast %get3A_18 : vector<1x1x512xf32> to vector<1x512xf32>
    %add3A = vector.broadcast %get3A_19 : vector<1x512xf32> to vector<256x512xf32>
    %add3A_20 = arith.addf %dot_general3A_14, %add3A : vector<256x512xf32>
    %mul3A = arith.constant 5.000000e-01 : f32
    %mul3A_21 = vector.broadcast %mul3A : f32 to vector<256x512xf32>
    %mul3A_22 = arith.mulf %mul3A_21, %add3A_20 : vector<256x512xf32>
    %mul3A_23 = arith.constant 0.707106769 : f32
    %mul3A_24 = vector.broadcast %mul3A_23 : f32 to vector<256x512xf32>
    %mul3A_25 = arith.mulf %add3A_20, %mul3A_24 : vector<256x512xf32>
    %erf3A = math.erf %mul3A_25 : vector<256x512xf32>
    %add3A_26 = arith.constant 1.000000e+00 : f32
    %add3A_27 = vector.broadcast %add3A_26 : f32 to vector<256x512xf32>
    %add3A_28 = arith.addf %add3A_27, %erf3A : vector<256x512xf32>
    %mul3A_29 = arith.mulf %mul3A_22, %add3A_28 : vector<256x512xf32>
    %get3A_30 = arith.constant 0 : index
    %get3A_31 = arith.constant 0 : index
    %get3A_32 = arith.constant 0 : index
    %get3A_33 = vector.load %arg4[%get3A_30, %get3A_31, %get3A_32] : memref<8x256x512xf32, #tpu.memory_space<vmem>>, vector<1x256x512xf32>
    %get3A_34 = vector.shape_cast %get3A_33 : vector<1x256x512xf32> to vector<256x512xf32>
    %dot_general3A_35 = arith.constant dense<0.000000e+00> : vector<256x256xf32>
    %dot_general3A_36 = tpu.matmul %mul3A_29, %get3A_34, %dot_general3A_35 {dimension_numbers = #tpu.dot_dimension_numbers<[1], [1], [0], [0], [0, 0, 1, 0], [], []>, transpose_lhs_hint = false} : vector<256x512xf32>, vector<256x512xf32>, vector<256x256xf32> -> vector<256x256xf32>
    %get3A_37 = arith.constant 0 : index
    %get3A_38 = arith.constant 0 : index
    %get3A_39 = arith.constant 0 : index
    %get3A_40 = vector.load %arg6[%get3A_37, %get3A_38, %get3A_39] : memref<8x1x256xf32, #tpu.memory_space<vmem>>, vector<1x1x256xf32>
    %get3A_41 = vector.shape_cast %get3A_40 : vector<1x1x256xf32> to vector<1x256xf32>
    %add3A_42 = vector.broadcast %get3A_41 : vector<1x256xf32> to vector<256x256xf32>
    %add3A_43 = arith.addf %dot_general3A_36, %add3A_42 : vector<256x256xf32>
    %slice3A = vector.extract_strided_slice %get3A_8 {offsets = [0, 0], sizes = [256, 1], strides = [1, 1]} : vector<256x8xf32> to vector<256x1xf32>
    %mul3A_44 = vector.broadcast %slice3A : vector<256x1xf32> to vector<256x256xf32>
    %mul3A_45 = arith.mulf %add3A_43, %mul3A_44 : vector<256x256xf32>
    %get3A_46 = arith.constant 1 : index
    %get3A_47 = arith.constant 0 : index
    %get3A_48 = arith.constant 0 : index
    %get3A_49 = vector.load %arg3[%get3A_46, %get3A_47, %get3A_48] : memref<8x512x256xf32, #tpu.memory_space<vmem>>, vector<1x512x256xf32>
    %get3A_50 = vector.shape_cast %get3A_49 : vector<1x512x256xf32> to vector<512x256xf32>
    %dot_general3A_51 = arith.constant dense<0.000000e+00> : vector<256x512xf32>
    %dot_general3A_52 = tpu.matmul %get3A_1, %get3A_50, %dot_general3A_51 {dimension_numbers = #tpu.dot_dimension_numbers<[1], [1], [0], [0], [0, 0, 1, 0], [], []>, transpose_lhs_hint = false} : vector<256x256xf32>, vector<512x256xf32>, vector<256x512xf32> -> vector<256x512xf32>
    %get3A_53 = arith.constant 1 : index
    %get3A_54 = arith.constant 0 : index
    %get3A_55 = arith.constant 0 : index
    %get3A_56 = vector.load %arg5[%get3A_53, %get3A_54, %get3A_55] : memref<8x1x512xf32, #tpu.memory_space<vmem>>, vector<1x1x512xf32>
    %get3A_57 = vector.shape_cast %get3A_56 : vector<1x1x512xf32> to vector<1x512xf32>
    %add3A_58 = vector.broadcast %get3A_57 : vector<1x512xf32> to vector<256x512xf32>
    %add3A_59 = arith.addf %dot_general3A_52, %add3A_58 : vector<256x512xf32>
    %mul3A_60 = arith.constant 5.000000e-01 : f32
    %mul3A_61 = vector.broadcast %mul3A_60 : f32 to vector<256x512xf32>
    %mul3A_62 = arith.mulf %mul3A_61, %add3A_59 : vector<256x512xf32>
    %mul3A_63 = arith.constant 0.707106769 : f32
    %mul3A_64 = vector.broadcast %mul3A_63 : f32 to vector<256x512xf32>
    %mul3A_65 = arith.mulf %add3A_59, %mul3A_64 : vector<256x512xf32>
    %erf3A_66 = math.erf %mul3A_65 : vector<256x512xf32>
    %add3A_67 = arith.constant 1.000000e+00 : f32
    %add3A_68 = vector.broadcast %add3A_67 : f32 to vector<256x512xf32>
    %add3A_69 = arith.addf %add3A_68, %erf3A_66 : vector<256x512xf32>
    %mul3A_70 = arith.mulf %mul3A_62, %add3A_69 : vector<256x512xf32>
    %get3A_71 = arith.constant 1 : index
    %get3A_72 = arith.constant 0 : index
    %get3A_73 = arith.constant 0 : index
    %get3A_74 = vector.load %arg4[%get3A_71, %get3A_72, %get3A_73] : memref<8x256x512xf32, #tpu.memory_space<vmem>>, vector<1x256x512xf32>
    %get3A_75 = vector.shape_cast %get3A_74 : vector<1x256x512xf32> to vector<256x512xf32>
    %dot_general3A_76 = arith.constant dense<0.000000e+00> : vector<256x256xf32>
    %dot_general3A_77 = tpu.matmul %mul3A_70, %get3A_75, %dot_general3A_76 {dimension_numbers = #tpu.dot_dimension_numbers<[1], [1], [0], [0], [0, 0, 1, 0], [], []>, transpose_lhs_hint = false} : vector<256x512xf32>, vector<256x512xf32>, vector<256x256xf32> -> vector<256x256xf32>
    %get3A_78 = arith.constant 1 : index
    %get3A_79 = arith.constant 0 : index
    %get3A_80 = arith.constant 0 : index
    %get3A_81 = vector.load %arg6[%get3A_78, %get3A_79, %get3A_80] : memref<8x1x256xf32, #tpu.memory_space<vmem>>, vector<1x1x256xf32>
    %get3A_82 = vector.shape_cast %get3A_81 : vector<1x1x256xf32> to vector<1x256xf32>
    %add3A_83 = vector.broadcast %get3A_82 : vector<1x256xf32> to vector<256x256xf32>
    %add3A_84 = arith.addf %dot_general3A_77, %add3A_83 : vector<256x256xf32>
    %slice3A_85 = vector.extract_strided_slice %get3A_8 {offsets = [0, 1], sizes = [256, 1], strides = [1, 1]} : vector<256x8xf32> to vector<256x1xf32>
    %mul3A_86 = vector.broadcast %slice3A_85 : vector<256x1xf32> to vector<256x256xf32>
    %mul3A_87 = arith.mulf %add3A_84, %mul3A_86 : vector<256x256xf32>
    %add3A_88 = arith.addf %mul3A_45, %mul3A_87 : vector<256x256xf32>
    %get3A_89 = arith.constant 2 : index
    %get3A_90 = arith.constant 0 : index
    %get3A_91 = arith.constant 0 : index
    %get3A_92 = vector.load %arg3[%get3A_89, %get3A_90, %get3A_91] : memref<8x512x256xf32, #tpu.memory_space<vmem>>, vector<1x512x256xf32>
    %get3A_93 = vector.shape_cast %get3A_92 : vector<1x512x256xf32> to vector<512x256xf32>
    %dot_general3A_94 = arith.constant dense<0.000000e+00> : vector<256x512xf32>
    %dot_general3A_95 = tpu.matmul %get3A_1, %get3A_93, %dot_general3A_94 {dimension_numbers = #tpu.dot_dimension_numbers<[1], [1], [0], [0], [0, 0, 1, 0], [], []>, transpose_lhs_hint = false} : vector<256x256xf32>, vector<512x256xf32>, vector<256x512xf32> -> vector<256x512xf32>
    %get3A_96 = arith.constant 2 : index
    %get3A_97 = arith.constant 0 : index
    %get3A_98 = arith.constant 0 : index
    %get3A_99 = vector.load %arg5[%get3A_96, %get3A_97, %get3A_98] : memref<8x1x512xf32, #tpu.memory_space<vmem>>, vector<1x1x512xf32>
    %get3A_100 = vector.shape_cast %get3A_99 : vector<1x1x512xf32> to vector<1x512xf32>
    %add3A_101 = vector.broadcast %get3A_100 : vector<1x512xf32> to vector<256x512xf32>
    %add3A_102 = arith.addf %dot_general3A_95, %add3A_101 : vector<256x512xf32>
    %mul3A_103 = arith.constant 5.000000e-01 : f32
    %mul3A_104 = vector.broadcast %mul3A_103 : f32 to vector<256x512xf32>
    %mul3A_105 = arith.mulf %mul3A_104, %add3A_102 : vector<256x512xf32>
    %mul3A_106 = arith.constant 0.707106769 : f32
    %mul3A_107 = vector.broadcast %mul3A_106 : f32 to vector<256x512xf32>
    %mul3A_108 = arith.mulf %add3A_102, %mul3A_107 : vector<256x512xf32>
    %erf3A_109 = math.erf %mul3A_108 : vector<256x512xf32>
    %add3A_110 = arith.constant 1.000000e+00 : f32
    %add3A_111 = vector.broadcast %add3A_110 : f32 to vector<256x512xf32>
    %add3A_112 = arith.addf %add3A_111, %erf3A_109 : vector<256x512xf32>
    %mul3A_113 = arith.mulf %mul3A_105, %add3A_112 : vector<256x512xf32>
    %get3A_114 = arith.constant 2 : index
    %get3A_115 = arith.constant 0 : index
    %get3A_116 = arith.constant 0 : index
    %get3A_117 = vector.load %arg4[%get3A_114, %get3A_115, %get3A_116] : memref<8x256x512xf32, #tpu.memory_space<vmem>>, vector<1x256x512xf32>
    %get3A_118 = vector.shape_cast %get3A_117 : vector<1x256x512xf32> to vector<256x512xf32>
    %dot_general3A_119 = arith.constant dense<0.000000e+00> : vector<256x256xf32>
    %dot_general3A_120 = tpu.matmul %mul3A_113, %get3A_118, %dot_general3A_119 {dimension_numbers = #tpu.dot_dimension_numbers<[1], [1], [0], [0], [0, 0, 1, 0], [], []>, transpose_lhs_hint = false} : vector<256x512xf32>, vector<256x512xf32>, vector<256x256xf32> -> vector<256x256xf32>
    %get3A_121 = arith.constant 2 : index
    %get3A_122 = arith.constant 0 : index
    %get3A_123 = arith.constant 0 : index
    %get3A_124 = vector.load %arg6[%get3A_121, %get3A_122, %get3A_123] : memref<8x1x256xf32, #tpu.memory_space<vmem>>, vector<1x1x256xf32>
    %get3A_125 = vector.shape_cast %get3A_124 : vector<1x1x256xf32> to vector<1x256xf32>
    %add3A_126 = vector.broadcast %get3A_125 : vector<1x256xf32> to vector<256x256xf32>
    %add3A_127 = arith.addf %dot_general3A_120, %add3A_126 : vector<256x256xf32>
    %slice3A_128 = vector.extract_strided_slice %get3A_8 {offsets = [0, 2], sizes = [256, 1], strides = [1, 1]} : vector<256x8xf32> to vector<256x1xf32>
    %mul3A_129 = vector.broadcast %slice3A_128 : vector<256x1xf32> to vector<256x256xf32>
    %mul3A_130 = arith.mulf %add3A_127, %mul3A_129 : vector<256x256xf32>
    %add3A_131 = arith.addf %add3A_88, %mul3A_130 : vector<256x256xf32>
    %get3A_132 = arith.constant 3 : index
    %get3A_133 = arith.constant 0 : index
    %get3A_134 = arith.constant 0 : index
    %get3A_135 = vector.load %arg3[%get3A_132, %get3A_133, %get3A_134] : memref<8x512x256xf32, #tpu.memory_space<vmem>>, vector<1x512x256xf32>
    %get3A_136 = vector.shape_cast %get3A_135 : vector<1x512x256xf32> to vector<512x256xf32>
    %dot_general3A_137 = arith.constant dense<0.000000e+00> : vector<256x512xf32>
    %dot_general3A_138 = tpu.matmul %get3A_1, %get3A_136, %dot_general3A_137 {dimension_numbers = #tpu.dot_dimension_numbers<[1], [1], [0], [0], [0, 0, 1, 0], [], []>, transpose_lhs_hint = false} : vector<256x256xf32>, vector<512x256xf32>, vector<256x512xf32> -> vector<256x512xf32>
    %get3A_139 = arith.constant 3 : index
    %get3A_140 = arith.constant 0 : index
    %get3A_141 = arith.constant 0 : index
    %get3A_142 = vector.load %arg5[%get3A_139, %get3A_140, %get3A_141] : memref<8x1x512xf32, #tpu.memory_space<vmem>>, vector<1x1x512xf32>
    %get3A_143 = vector.shape_cast %get3A_142 : vector<1x1x512xf32> to vector<1x512xf32>
    %add3A_144 = vector.broadcast %get3A_143 : vector<1x512xf32> to vector<256x512xf32>
    %add3A_145 = arith.addf %dot_general3A_138, %add3A_144 : vector<256x512xf32>
    %mul3A_146 = arith.constant 5.000000e-01 : f32
    %mul3A_147 = vector.broadcast %mul3A_146 : f32 to vector<256x512xf32>
    %mul3A_148 = arith.mulf %mul3A_147, %add3A_145 : vector<256x512xf32>
    %mul3A_149 = arith.constant 0.707106769 : f32
    %mul3A_150 = vector.broadcast %mul3A_149 : f32 to vector<256x512xf32>
    %mul3A_151 = arith.mulf %add3A_145, %mul3A_150 : vector<256x512xf32>
    %erf3A_152 = math.erf %mul3A_151 : vector<256x512xf32>
    %add3A_153 = arith.constant 1.000000e+00 : f32
    %add3A_154 = vector.broadcast %add3A_153 : f32 to vector<256x512xf32>
    %add3A_155 = arith.addf %add3A_154, %erf3A_152 : vector<256x512xf32>
    %mul3A_156 = arith.mulf %mul3A_148, %add3A_155 : vector<256x512xf32>
    %get3A_157 = arith.constant 3 : index
    %get3A_158 = arith.constant 0 : index
    %get3A_159 = arith.constant 0 : index
    %get3A_160 = vector.load %arg4[%get3A_157, %get3A_158, %get3A_159] : memref<8x256x512xf32, #tpu.memory_space<vmem>>, vector<1x256x512xf32>
    %get3A_161 = vector.shape_cast %get3A_160 : vector<1x256x512xf32> to vector<256x512xf32>
    %dot_general3A_162 = arith.constant dense<0.000000e+00> : vector<256x256xf32>
    %dot_general3A_163 = tpu.matmul %mul3A_156, %get3A_161, %dot_general3A_162 {dimension_numbers = #tpu.dot_dimension_numbers<[1], [1], [0], [0], [0, 0, 1, 0], [], []>, transpose_lhs_hint = false} : vector<256x512xf32>, vector<256x512xf32>, vector<256x256xf32> -> vector<256x256xf32>
    %get3A_164 = arith.constant 3 : index
    %get3A_165 = arith.constant 0 : index
    %get3A_166 = arith.constant 0 : index
    %get3A_167 = vector.load %arg6[%get3A_164, %get3A_165, %get3A_166] : memref<8x1x256xf32, #tpu.memory_space<vmem>>, vector<1x1x256xf32>
    %get3A_168 = vector.shape_cast %get3A_167 : vector<1x1x256xf32> to vector<1x256xf32>
    %add3A_169 = vector.broadcast %get3A_168 : vector<1x256xf32> to vector<256x256xf32>
    %add3A_170 = arith.addf %dot_general3A_163, %add3A_169 : vector<256x256xf32>
    %slice3A_171 = vector.extract_strided_slice %get3A_8 {offsets = [0, 3], sizes = [256, 1], strides = [1, 1]} : vector<256x8xf32> to vector<256x1xf32>
    %mul3A_172 = vector.broadcast %slice3A_171 : vector<256x1xf32> to vector<256x256xf32>
    %mul3A_173 = arith.mulf %add3A_170, %mul3A_172 : vector<256x256xf32>
    %add3A_174 = arith.addf %add3A_131, %mul3A_173 : vector<256x256xf32>
    %get3A_175 = arith.constant 4 : index
    %get3A_176 = arith.constant 0 : index
    %get3A_177 = arith.constant 0 : index
    %get3A_178 = vector.load %arg3[%get3A_175, %get3A_176, %get3A_177] : memref<8x512x256xf32, #tpu.memory_space<vmem>>, vector<1x512x256xf32>
    %get3A_179 = vector.shape_cast %get3A_178 : vector<1x512x256xf32> to vector<512x256xf32>
    %dot_general3A_180 = arith.constant dense<0.000000e+00> : vector<256x512xf32>
    %dot_general3A_181 = tpu.matmul %get3A_1, %get3A_179, %dot_general3A_180 {dimension_numbers = #tpu.dot_dimension_numbers<[1], [1], [0], [0], [0, 0, 1, 0], [], []>, transpose_lhs_hint = false} : vector<256x256xf32>, vector<512x256xf32>, vector<256x512xf32> -> vector<256x512xf32>
    %get3A_182 = arith.constant 4 : index
    %get3A_183 = arith.constant 0 : index
    %get3A_184 = arith.constant 0 : index
    %get3A_185 = vector.load %arg5[%get3A_182, %get3A_183, %get3A_184] : memref<8x1x512xf32, #tpu.memory_space<vmem>>, vector<1x1x512xf32>
    %get3A_186 = vector.shape_cast %get3A_185 : vector<1x1x512xf32> to vector<1x512xf32>
    %add3A_187 = vector.broadcast %get3A_186 : vector<1x512xf32> to vector<256x512xf32>
    %add3A_188 = arith.addf %dot_general3A_181, %add3A_187 : vector<256x512xf32>
    %mul3A_189 = arith.constant 5.000000e-01 : f32
    %mul3A_190 = vector.broadcast %mul3A_189 : f32 to vector<256x512xf32>
    %mul3A_191 = arith.mulf %mul3A_190, %add3A_188 : vector<256x512xf32>
    %mul3A_192 = arith.constant 0.707106769 : f32
    %mul3A_193 = vector.broadcast %mul3A_192 : f32 to vector<256x512xf32>
    %mul3A_194 = arith.mulf %add3A_188, %mul3A_193 : vector<256x512xf32>
    %erf3A_195 = math.erf %mul3A_194 : vector<256x512xf32>
    %add3A_196 = arith.constant 1.000000e+00 : f32
    %add3A_197 = vector.broadcast %add3A_196 : f32 to vector<256x512xf32>
    %add3A_198 = arith.addf %add3A_197, %erf3A_195 : vector<256x512xf32>
    %mul3A_199 = arith.mulf %mul3A_191, %add3A_198 : vector<256x512xf32>
    %get3A_200 = arith.constant 4 : index
    %get3A_201 = arith.constant 0 : index
    %get3A_202 = arith.constant 0 : index
    %get3A_203 = vector.load %arg4[%get3A_200, %get3A_201, %get3A_202] : memref<8x256x512xf32, #tpu.memory_space<vmem>>, vector<1x256x512xf32>
    %get3A_204 = vector.shape_cast %get3A_203 : vector<1x256x512xf32> to vector<256x512xf32>
    %dot_general3A_205 = arith.constant dense<0.000000e+00> : vector<256x256xf32>
    %dot_general3A_206 = tpu.matmul %mul3A_199, %get3A_204, %dot_general3A_205 {dimension_numbers = #tpu.dot_dimension_numbers<[1], [1], [0], [0], [0, 0, 1, 0], [], []>, transpose_lhs_hint = false} : vector<256x512xf32>, vector<256x512xf32>, vector<256x256xf32> -> vector<256x256xf32>
    %get3A_207 = arith.constant 4 : index
    %get3A_208 = arith.constant 0 : index
    %get3A_209 = arith.constant 0 : index
    %get3A_210 = vector.load %arg6[%get3A_207, %get3A_208, %get3A_209] : memref<8x1x256xf32, #tpu.memory_space<vmem>>, vector<1x1x256xf32>
    %get3A_211 = vector.shape_cast %get3A_210 : vector<1x1x256xf32> to vector<1x256xf32>
    %add3A_212 = vector.broadcast %get3A_211 : vector<1x256xf32> to vector<256x256xf32>
    %add3A_213 = arith.addf %dot_general3A_206, %add3A_212 : vector<256x256xf32>
    %slice3A_214 = vector.extract_strided_slice %get3A_8 {offsets = [0, 4], sizes = [256, 1], strides = [1, 1]} : vector<256x8xf32> to vector<256x1xf32>
    %mul3A_215 = vector.broadcast %slice3A_214 : vector<256x1xf32> to vector<256x256xf32>
    %mul3A_216 = arith.mulf %add3A_213, %mul3A_215 : vector<256x256xf32>
    %add3A_217 = arith.addf %add3A_174, %mul3A_216 : vector<256x256xf32>
    %get3A_218 = arith.constant 5 : index
    %get3A_219 = arith.constant 0 : index
    %get3A_220 = arith.constant 0 : index
    %get3A_221 = vector.load %arg3[%get3A_218, %get3A_219, %get3A_220] : memref<8x512x256xf32, #tpu.memory_space<vmem>>, vector<1x512x256xf32>
    %get3A_222 = vector.shape_cast %get3A_221 : vector<1x512x256xf32> to vector<512x256xf32>
    %dot_general3A_223 = arith.constant dense<0.000000e+00> : vector<256x512xf32>
    %dot_general3A_224 = tpu.matmul %get3A_1, %get3A_222, %dot_general3A_223 {dimension_numbers = #tpu.dot_dimension_numbers<[1], [1], [0], [0], [0, 0, 1, 0], [], []>, transpose_lhs_hint = false} : vector<256x256xf32>, vector<512x256xf32>, vector<256x512xf32> -> vector<256x512xf32>
    %get3A_225 = arith.constant 5 : index
    %get3A_226 = arith.constant 0 : index
    %get3A_227 = arith.constant 0 : index
    %get3A_228 = vector.load %arg5[%get3A_225, %get3A_226, %get3A_227] : memref<8x1x512xf32, #tpu.memory_space<vmem>>, vector<1x1x512xf32>
    %get3A_229 = vector.shape_cast %get3A_228 : vector<1x1x512xf32> to vector<1x512xf32>
    %add3A_230 = vector.broadcast %get3A_229 : vector<1x512xf32> to vector<256x512xf32>
    %add3A_231 = arith.addf %dot_general3A_224, %add3A_230 : vector<256x512xf32>
    %mul3A_232 = arith.constant 5.000000e-01 : f32
    %mul3A_233 = vector.broadcast %mul3A_232 : f32 to vector<256x512xf32>
    %mul3A_234 = arith.mulf %mul3A_233, %add3A_231 : vector<256x512xf32>
    %mul3A_235 = arith.constant 0.707106769 : f32
    %mul3A_236 = vector.broadcast %mul3A_235 : f32 to vector<256x512xf32>
    %mul3A_237 = arith.mulf %add3A_231, %mul3A_236 : vector<256x512xf32>
    %erf3A_238 = math.erf %mul3A_237 : vector<256x512xf32>
    %add3A_239 = arith.constant 1.000000e+00 : f32
    %add3A_240 = vector.broadcast %add3A_239 : f32 to vector<256x512xf32>
    %add3A_241 = arith.addf %add3A_240, %erf3A_238 : vector<256x512xf32>
    %mul3A_242 = arith.mulf %mul3A_234, %add3A_241 : vector<256x512xf32>
    %get3A_243 = arith.constant 5 : index
    %get3A_244 = arith.constant 0 : index
    %get3A_245 = arith.constant 0 : index
    %get3A_246 = vector.load %arg4[%get3A_243, %get3A_244, %get3A_245] : memref<8x256x512xf32, #tpu.memory_space<vmem>>, vector<1x256x512xf32>
    %get3A_247 = vector.shape_cast %get3A_246 : vector<1x256x512xf32> to vector<256x512xf32>
    %dot_general3A_248 = arith.constant dense<0.000000e+00> : vector<256x256xf32>
    %dot_general3A_249 = tpu.matmul %mul3A_242, %get3A_247, %dot_general3A_248 {dimension_numbers = #tpu.dot_dimension_numbers<[1], [1], [0], [0], [0, 0, 1, 0], [], []>, transpose_lhs_hint = false} : vector<256x512xf32>, vector<256x512xf32>, vector<256x256xf32> -> vector<256x256xf32>
    %get3A_250 = arith.constant 5 : index
    %get3A_251 = arith.constant 0 : index
    %get3A_252 = arith.constant 0 : index
    %get3A_253 = vector.load %arg6[%get3A_250, %get3A_251, %get3A_252] : memref<8x1x256xf32, #tpu.memory_space<vmem>>, vector<1x1x256xf32>
    %get3A_254 = vector.shape_cast %get3A_253 : vector<1x1x256xf32> to vector<1x256xf32>
    %add3A_255 = vector.broadcast %get3A_254 : vector<1x256xf32> to vector<256x256xf32>
    %add3A_256 = arith.addf %dot_general3A_249, %add3A_255 : vector<256x256xf32>
    %slice3A_257 = vector.extract_strided_slice %get3A_8 {offsets = [0, 5], sizes = [256, 1], strides = [1, 1]} : vector<256x8xf32> to vector<256x1xf32>
    %mul3A_258 = vector.broadcast %slice3A_257 : vector<256x1xf32> to vector<256x256xf32>
    %mul3A_259 = arith.mulf %add3A_256, %mul3A_258 : vector<256x256xf32>
    %add3A_260 = arith.addf %add3A_217, %mul3A_259 : vector<256x256xf32>
    %get3A_261 = arith.constant 6 : index
    %get3A_262 = arith.constant 0 : index
    %get3A_263 = arith.constant 0 : index
    %get3A_264 = vector.load %arg3[%get3A_261, %get3A_262, %get3A_263] : memref<8x512x256xf32, #tpu.memory_space<vmem>>, vector<1x512x256xf32>
    %get3A_265 = vector.shape_cast %get3A_264 : vector<1x512x256xf32> to vector<512x256xf32>
    %dot_general3A_266 = arith.constant dense<0.000000e+00> : vector<256x512xf32>
    %dot_general3A_267 = tpu.matmul %get3A_1, %get3A_265, %dot_general3A_266 {dimension_numbers = #tpu.dot_dimension_numbers<[1], [1], [0], [0], [0, 0, 1, 0], [], []>, transpose_lhs_hint = false} : vector<256x256xf32>, vector<512x256xf32>, vector<256x512xf32> -> vector<256x512xf32>
    %get3A_268 = arith.constant 6 : index
    %get3A_269 = arith.constant 0 : index
    %get3A_270 = arith.constant 0 : index
    %get3A_271 = vector.load %arg5[%get3A_268, %get3A_269, %get3A_270] : memref<8x1x512xf32, #tpu.memory_space<vmem>>, vector<1x1x512xf32>
    %get3A_272 = vector.shape_cast %get3A_271 : vector<1x1x512xf32> to vector<1x512xf32>
    %add3A_273 = vector.broadcast %get3A_272 : vector<1x512xf32> to vector<256x512xf32>
    %add3A_274 = arith.addf %dot_general3A_267, %add3A_273 : vector<256x512xf32>
    %mul3A_275 = arith.constant 5.000000e-01 : f32
    %mul3A_276 = vector.broadcast %mul3A_275 : f32 to vector<256x512xf32>
    %mul3A_277 = arith.mulf %mul3A_276, %add3A_274 : vector<256x512xf32>
    %mul3A_278 = arith.constant 0.707106769 : f32
    %mul3A_279 = vector.broadcast %mul3A_278 : f32 to vector<256x512xf32>
    %mul3A_280 = arith.mulf %add3A_274, %mul3A_279 : vector<256x512xf32>
    %erf3A_281 = math.erf %mul3A_280 : vector<256x512xf32>
    %add3A_282 = arith.constant 1.000000e+00 : f32
    %add3A_283 = vector.broadcast %add3A_282 : f32 to vector<256x512xf32>
    %add3A_284 = arith.addf %add3A_283, %erf3A_281 : vector<256x512xf32>
    %mul3A_285 = arith.mulf %mul3A_277, %add3A_284 : vector<256x512xf32>
    %get3A_286 = arith.constant 6 : index
    %get3A_287 = arith.constant 0 : index
    %get3A_288 = arith.constant 0 : index
    %get3A_289 = vector.load %arg4[%get3A_286, %get3A_287, %get3A_288] : memref<8x256x512xf32, #tpu.memory_space<vmem>>, vector<1x256x512xf32>
    %get3A_290 = vector.shape_cast %get3A_289 : vector<1x256x512xf32> to vector<256x512xf32>
    %dot_general3A_291 = arith.constant dense<0.000000e+00> : vector<256x256xf32>
    %dot_general3A_292 = tpu.matmul %mul3A_285, %get3A_290, %dot_general3A_291 {dimension_numbers = #tpu.dot_dimension_numbers<[1], [1], [0], [0], [0, 0, 1, 0], [], []>, transpose_lhs_hint = false} : vector<256x512xf32>, vector<256x512xf32>, vector<256x256xf32> -> vector<256x256xf32>
    %get3A_293 = arith.constant 6 : index
    %get3A_294 = arith.constant 0 : index
    %get3A_295 = arith.constant 0 : index
    %get3A_296 = vector.load %arg6[%get3A_293, %get3A_294, %get3A_295] : memref<8x1x256xf32, #tpu.memory_space<vmem>>, vector<1x1x256xf32>
    %get3A_297 = vector.shape_cast %get3A_296 : vector<1x1x256xf32> to vector<1x256xf32>
    %add3A_298 = vector.broadcast %get3A_297 : vector<1x256xf32> to vector<256x256xf32>
    %add3A_299 = arith.addf %dot_general3A_292, %add3A_298 : vector<256x256xf32>
    %slice3A_300 = vector.extract_strided_slice %get3A_8 {offsets = [0, 6], sizes = [256, 1], strides = [1, 1]} : vector<256x8xf32> to vector<256x1xf32>
    %mul3A_301 = vector.broadcast %slice3A_300 : vector<256x1xf32> to vector<256x256xf32>
    %mul3A_302 = arith.mulf %add3A_299, %mul3A_301 : vector<256x256xf32>
    %add3A_303 = arith.addf %add3A_260, %mul3A_302 : vector<256x256xf32>
    %get3A_304 = arith.constant 7 : index
    %get3A_305 = arith.constant 0 : index
    %get3A_306 = arith.constant 0 : index
    %get3A_307 = vector.load %arg3[%get3A_304, %get3A_305, %get3A_306] : memref<8x512x256xf32, #tpu.memory_space<vmem>>, vector<1x512x256xf32>
    %get3A_308 = vector.shape_cast %get3A_307 : vector<1x512x256xf32> to vector<512x256xf32>
    %dot_general3A_309 = arith.constant dense<0.000000e+00> : vector<256x512xf32>
    %dot_general3A_310 = tpu.matmul %get3A_1, %get3A_308, %dot_general3A_309 {dimension_numbers = #tpu.dot_dimension_numbers<[1], [1], [0], [0], [0, 0, 1, 0], [], []>, transpose_lhs_hint = false} : vector<256x256xf32>, vector<512x256xf32>, vector<256x512xf32> -> vector<256x512xf32>
    %get3A_311 = arith.constant 7 : index
    %get3A_312 = arith.constant 0 : index
    %get3A_313 = arith.constant 0 : index
    %get3A_314 = vector.load %arg5[%get3A_311, %get3A_312, %get3A_313] : memref<8x1x512xf32, #tpu.memory_space<vmem>>, vector<1x1x512xf32>
    %get3A_315 = vector.shape_cast %get3A_314 : vector<1x1x512xf32> to vector<1x512xf32>
    %add3A_316 = vector.broadcast %get3A_315 : vector<1x512xf32> to vector<256x512xf32>
    %add3A_317 = arith.addf %dot_general3A_310, %add3A_316 : vector<256x512xf32>
    %mul3A_318 = arith.constant 5.000000e-01 : f32
    %mul3A_319 = vector.broadcast %mul3A_318 : f32 to vector<256x512xf32>
    %mul3A_320 = arith.mulf %mul3A_319, %add3A_317 : vector<256x512xf32>
    %mul3A_321 = arith.constant 0.707106769 : f32
    %mul3A_322 = vector.broadcast %mul3A_321 : f32 to vector<256x512xf32>
    %mul3A_323 = arith.mulf %add3A_317, %mul3A_322 : vector<256x512xf32>
    %erf3A_324 = math.erf %mul3A_323 : vector<256x512xf32>
    %add3A_325 = arith.constant 1.000000e+00 : f32
    %add3A_326 = vector.broadcast %add3A_325 : f32 to vector<256x512xf32>
    %add3A_327 = arith.addf %add3A_326, %erf3A_324 : vector<256x512xf32>
    %mul3A_328 = arith.mulf %mul3A_320, %add3A_327 : vector<256x512xf32>
    %get3A_329 = arith.constant 7 : index
    %get3A_330 = arith.constant 0 : index
    %get3A_331 = arith.constant 0 : index
    %get3A_332 = vector.load %arg4[%get3A_329, %get3A_330, %get3A_331] : memref<8x256x512xf32, #tpu.memory_space<vmem>>, vector<1x256x512xf32>
    %get3A_333 = vector.shape_cast %get3A_332 : vector<1x256x512xf32> to vector<256x512xf32>
    %dot_general3A_334 = arith.constant dense<0.000000e+00> : vector<256x256xf32>
    %dot_general3A_335 = tpu.matmul %mul3A_328, %get3A_333, %dot_general3A_334 {dimension_numbers = #tpu.dot_dimension_numbers<[1], [1], [0], [0], [0, 0, 1, 0], [], []>, transpose_lhs_hint = false} : vector<256x512xf32>, vector<256x512xf32>, vector<256x256xf32> -> vector<256x256xf32>
    %get3A_336 = arith.constant 7 : index
    %get3A_337 = arith.constant 0 : index
    %get3A_338 = arith.constant 0 : index
    %get3A_339 = vector.load %arg6[%get3A_336, %get3A_337, %get3A_338] : memref<8x1x256xf32, #tpu.memory_space<vmem>>, vector<1x1x256xf32>
    %get3A_340 = vector.shape_cast %get3A_339 : vector<1x1x256xf32> to vector<1x256xf32>
    %add3A_341 = vector.broadcast %get3A_340 : vector<1x256xf32> to vector<256x256xf32>
    %add3A_342 = arith.addf %dot_general3A_335, %add3A_341 : vector<256x256xf32>
    %slice3A_343 = vector.extract_strided_slice %get3A_8 {offsets = [0, 7], sizes = [256, 1], strides = [1, 1]} : vector<256x8xf32> to vector<256x1xf32>
    %mul3A_344 = vector.broadcast %slice3A_343 : vector<256x1xf32> to vector<256x256xf32>
    %mul3A_345 = arith.mulf %add3A_342, %mul3A_344 : vector<256x256xf32>
    %add3A_346 = arith.addf %add3A_303, %mul3A_345 : vector<256x256xf32>
    %eq3A_347 = arith.constant 0 : i32
    %eq3A_348 = arith.cmpi eq, %arg0, %eq3A_347 : i32
    %convert_element_type3A_349 = arith.extui %eq3A_348 : i1 to i32
    %cond3A_350 = arith.constant 0 : i32
    %cond3A_351 = arith.cmpi ne, %convert_element_type3A_349, %cond3A_350 : i32
    scf.if %cond3A_351 {
      %swap3A = arith.constant 0 : index
      %swap3A_356 = arith.constant 0 : index
      %swap3A_357 = vector.load %arg7[%swap3A, %swap3A_356] : memref<256x256xf32, #tpu.memory_space<vmem>>, vector<256x256xf32>
      tpu.vector_store %arg7[%swap3A, %swap3A_356], %add3A_346 {strides = array<i32>} : memref<256x256xf32, #tpu.memory_space<vmem>>, vector<256x256xf32>,
    } else {
    }
    %ne3A = arith.constant 0 : i32
    %ne3A_352 = arith.cmpi ne, %arg0, %ne3A : i32
    %convert_element_type3A_353 = arith.extui %ne3A_352 : i1 to i32
    %cond3A_354 = arith.constant 0 : i32
    %cond3A_355 = arith.cmpi ne, %convert_element_type3A_353, %cond3A_354 : i32
    scf.if %cond3A_355 {
      %get3A_356 = arith.constant 0 : index
      %get3A_357 = arith.constant 0 : index
      %get3A_358 = vector.load %arg7[%get3A_356, %get3A_357] : memref<256x256xf32, #tpu.memory_space<vmem>>, vector<256x256xf32>
      %add3A_359 = arith.addf %get3A_358, %add3A_346 : vector<256x256xf32>
      %swap3A = arith.constant 0 : index
      %swap3A_360 = arith.constant 0 : index
      %swap3A_361 = vector.load %arg7[%swap3A, %swap3A_360] : memref<256x256xf32, #tpu.memory_space<vmem>>, vector<256x256xf32>
      tpu.vector_store %arg7[%swap3A, %swap3A_360], %add3A_359 {strides = array<i32>} : memref<256x256xf32, #tpu.memory_space<vmem>>, vector<256x256xf32>,
    } else {
    }
    return
  }
  func.func @transform_0(%arg0: i32) -> (i32, i32) {
    %c0_i32 = arith.constant 0 : i32
    %c0_i32_0 = arith.constant 0 : i32
    %c0_i32_1 = arith.constant 0 : i32
    return %c0_i32, %c0_i32_0 : i32, i32
  }
  func.func @transform_1(%arg0: i32) -> (i32, i32) {
    %c0_i32 = arith.constant 0 : i32
    %c0_i32_0 = arith.constant 0 : i32
    %c0_i32_1 = arith.constant 0 : i32
    return %c0_i32, %c0_i32_0 : i32, i32
  }
  func.func @transform_2(%arg0: i32) -> (i32, i32, i32) {
    %c0_i32 = arith.constant 0 : i32
    %c0_i32_0 = arith.constant 0 : i32
    %c0_i32_1 = arith.constant 0 : i32
    return %arg0, %c0_i32, %c0_i32_0 : i32, i32, i32
  }
  func.func @transform_3(%arg0: i32) -> (i32, i32, i32) {
    %c0_i32 = arith.constant 0 : i32
    %c0_i32_0 = arith.constant 0 : i32
    %c0_i32_1 = arith.constant 0 : i32
    return %arg0, %c0_i32, %c0_i32_0 : i32, i32, i32
  }
  func.func @transform_4(%arg0: i32) -> (i32, i32, i32) {
    %c0_i32 = arith.constant 0 : i32
    %c0_i32_0 = arith.constant 0 : i32
    %c0_i32_1 = arith.constant 0 : i32
    return %arg0, %c0_i32, %c0_i32_0 : i32, i32, i32
  }
  func.func @transform_5(%arg0: i32) -> (i32, i32, i32) {
    %c0_i32 = arith.constant 0 : i32
    %c0_i32_0 = arith.constant 0 : i32
    %c0_i32_1 = arith.constant 0 : i32
    return %arg0, %c0_i32, %c0_i32_0 : i32, i32, i32
  }
  func.func @transform_6(%arg0: i32) -> (i32, i32) {
    %c0_i32 = arith.constant 0 : i32
    %c0_i32_0 = arith.constant 0 : i32
    %c0_i32_1 = arith.constant 0 : i32
    return %c0_i32, %c0_i32_0 : i32, i32
  }
}

</mosaic_0001>

<sc_bundles>
// kernel: kernel.5.cloned.1.call-start
scs
__scs_entry_jumppad:
0x0: {  	(pc) =	sbr.rel $0x88, $3  }
0x1: {  	(tag) =	ssettag $0x0;
	lr =	simm.s32 $0x1  }
0x2: {  	[smem:$0x3F9B] =	sst lr;
	_ =	strace $0xD0000000  }
0x3: {  	_ = 	snop  }
0x4: {  	_ = 	snop  }
0x5: {  	_ = 	snop  }
0x6: {  	_ = 	snop  }
0x7: {  	_ = 	snop  }
__scs_overlays_trampoline_lowered:
0x8: {  	[smem:$0x3FAA] =	sst s0  }
0x9: {  	[smem:$0x3FAB] =	sst s1  }
0xa: {  	[smem:$0x3FAC] =	sst s2  }
0xb: {  	[smem:$0x3FAD] =	sst s3  }
0xc: {  	[smem:$0x3FAE] =	sst s4  }
0xd: {  	[smem:$0x3FAF] =	sst s5  }
0xe: {  	[smem:$0x3FB0] =	sst s6  }
0xf: {  	[smem:$0x3FB1] =	sst s7  }
0x10: {  	[smem:$0x3FB2] =	sst s8  }
0x11: {  	[smem:$0x3FB3] =	sst s9;
	s0 =	simm.s32 @!p0 $0x0  }
0x12: {  	s1 =	sld [smem:$0x3F99];
	s0 =	simm.s32 @p0 $0x1  }
0x13: {  	[smem:$0x3FB4] =	sst s0;
	s0 =	simm.s32 @!p1 $0x0  }
0x14: {  	s2 =	sld [smem:$0x3F98];
	s0 =	simm.s32 @p1 $0x1  }
0x15: {  	[smem:$0x3FB5] =	sst s0;
	s0 =	simm.s32 @!p2 $0x0  }
0x16: {  	s3 =	sld [smem:$0x3FDB];
	s0 =	simm.s32 @p2 $0x1  }
0x17: {  	s4 =	simm.s32 $0x1BF5;
	[smem:$0x3FB7] =	sst s0  }
0x18: {  	s0 =	sld [smem:$0x3F9A];
	_ =	swait.ge [sflag:s4], $0x0  }
0x19: {  	s7 =	sld [smem:$0x3F9B]  }
0x1a: {  	s8 =	sadd.s32 $0xFFFFE003, lr  }
0x1b: {  	s9 =	sadd.s32 $0xFFFFFEF7, lr;
	s5 =	simm.s32 $0xFFFFFFFF;
	p2 =	slt.u32 s8, $0xFFFFF086  }
0x1c: {  	p1 =	slt.u32 s9, $0xF7A;
	s5 =	simm.s32 @!p2 $0x0  }
0x1d: {  	s5 =	simm.s32 @p1 $0x1;
	p0 =	seq.s32 s7, s2  }
0x1e: {  	s7 =	smul.u32 @!p0 $0xF7A, s2;
	p2 =	seq.s32 @!p0 s5, $0x0  }
0x1f: {  	s9 =	smul.u32 $0xF7A, s1;
	s8 =	simm.s32 @!p0 $0x1BF5;
	p2 =	por !p2, p0  }
0x20: {  	[sflag:s8] =	ssyncset.s32 @!p0 $0xFFFFF086;
	s6 =	sadd.s32 @!p0 s3, s7;
	s7 =	simm.s32 @!p0 $0x108  }
0x21: {  	s3 =	sadd.s32 s3, s9;
	s6 =	sadd.s32 @!p0 $0x88, s6;
	s7 =	simm.s32 @p2 $0x1082  }
0x22: {  	[simem:s7], [sflag:s8] =	dma.local @!p0 [hbm:s6], $0xF7A  }
0x23: {  	s9 =	sor.u32 $0xD0000000, s2;
	s6 =	simm.s32 $0x108;
	_ =	swait.ge @!p0 [sflag:s8], $0x0  }
0x24: {  	s3 =	sadd.s32 $0x88, s3;
	s6 =	simm.s32 @!p1 $0x1082;
	[sflag:s4] =	ssyncset.s32 $0xFFFFF086  }
0x25: {  	[simem:s6], [sflag:s4] =	dma.local [hbm:s3], $0xF7A  }
0x26: {  	[smem:$0x3F9B] =	sst s1;
	(tag) =	ssettag s2;
	_ =	strace s9  }
0x27: {  	s1 =	sld [smem:$0x3FAB]  }
0x28: {  	s2 =	sld [smem:$0x3FAC]  }
0x29: {  	s4 =	sld [smem:$0x3FAE]  }
0x2a: {  	p0 =	seq.s32 s5, $0x0;
	s5 =	sld [smem:$0x3FAF]  }
0x2b: {  	s6 =	sld [smem:$0x3FB0]  }
0x2c: {  	s7 =	sld [smem:$0x3FB1]  }
0x2d: {  	s3 =	simm.s32 $0x108;
	s8 =	sld [smem:$0x3FB2]  }
0x2e: {  	s3 =	simm.s32 @!p0 $0x1082;
	s9 =	sld [smem:$0x3FB3]  }
0x2f: {  	lr =	sadd.s32 s0, s3;
	s0 =	sld [smem:$0x3FAA]  }
0x30: {  	s3 =	sld [smem:$0x3FAD]  }
0x31: {  	[smem:$0x3FB6] =	sst s10  }
0x32: {  	s10 =	sld [smem:$0x3FB4];
	_ =	sdelay $0x3  }
0x33: {  	p0 =	seq.s32 s10, $0x1;
	s10 =	sld [smem:$0x3FB6];
	_ =	sdelay $0x3  }
0x34: {  	[smem:$0x3FB6] =	sst s10  }
0x35: {  	s10 =	sld [smem:$0x3FB5];
	_ =	sdelay $0x3  }
0x36: {  	p1 =	seq.s32 s10, $0x1;
	s10 =	sld [smem:$0x3FB6];
	_ =	sdelay $0x3  }
0x37: {  	[smem:$0x3FB6] =	sst s10  }
0x38: {  	s10 =	sld [smem:$0x3FB7]  }
0x39: {  	_ = 	snop;
	(pc) =	sbr.ind lr, $3  }
0x3a: {  	_ = 	snop  }
0x3b: {  	_ = 	snop  }
0x3c: {  	p2 =	seq.s32 s10, $0x1;
	s10 =	sld [smem:$0x3FB6]  }
0x3d: {  	_ =	shalt  }
0x3e: {  	_ =	shalt  }
0x3f: {  	_ =	shalt  }
0x40: {  	_ =	shalt  }
0x41: {  	_ =	shalt  }
0x42: {  	_ =	shalt  }
0x43: {  	_ =	shalt  }
0x44: {  	_ =	shalt  }
0x45: {  	_ =	shalt  }
0x46: {  	_ =	shalt  }
0x47: {  	_ =	shalt  }
0x48: {  	_ =	shalt  }
0x49: {  	_ =	shalt  }
0x4a: {  	_ =	shalt  }
0x4b: {  	_ =	shalt  }
0x4c: {  	_ =	shalt  }
0x4d: {  	_ =	shalt  }
0x4e: {  	_ =	shalt  }
0x4f: {  	_ =	shalt  }
0x50: {  	_ =	shalt  }
0x51: {  	_ =	shalt  }
0x52: {  	_ =	shalt  }
0x53: {  	_ =	shalt  }
0x54: {  	_ =	shalt  }
0x55: {  	_ =	shalt  }
0x56: {  	_ =	shalt  }
0x57: {  	_ =	shalt  }
0x58: {  	_ =	shalt  }
0x59: {  	_ =	shalt  }
0x5a: {  	_ =	shalt  }
0x5b: {  	_ =	shalt  }
0x5c: {  	_ =	shalt  }
0x5d: {  	_ =	shalt  }
0x5e: {  	_ =	shalt  }
0x5f: {  	_ =	shalt  }
0x60: {  	_ =	shalt  }
0x61: {  	_ =	shalt  }
0x62: {  	_ =	shalt  }
0x63: {  	_ =	shalt  }
0x64: {  	_ =	shalt  }
0x65: {  	_ =	shalt  }
0x66: {  	_ =	shalt  }
0x67: {  	_ =	shalt  }
0x68: {  	_ =	shalt  }
0x69: {  	_ =	shalt  }
0x6a: {  	_ =	shalt  }
0x6b: {  	_ =	shalt  }
0x6c: {  	_ =	shalt  }
0x6d: {  	_ =	shalt  }
0x6e: {  	_ =	shalt  }
0x6f: {  	_ =	shalt  }
0x70: {  	_ =	shalt  }
0x71: {  	_ =	shalt  }
0x72: {  	_ =	shalt  }
0x73: {  	_ =	shalt  }
0x74: {  	_ =	shalt  }
0x75: {  	_ =	shalt  }
0x76: {  	_ =	shalt  }
0x77: {  	_ =	shalt  }
0x78: {  	_ =	shalt  }
0x79: {  	_ =	shalt  }
0x7a: {  	_ =	shalt  }
0x7b: {  	_ =	shalt  }
0x7c: {  	_ =	shalt  }
0x7d: {  	_ =	shalt  }
0x7e: {  	_ =	shalt  }
0x7f: {  	_ =	shalt  }
0x80: {  	_ =	shalt  }
0x81: {  	_ =	shalt  }
0x82: {  	_ =	shalt  }
0x83: {  	_ =	shalt  }
0x84: {  	_ =	shalt  }
0x85: {  	_ =	shalt  }
0x86: {  	_ =	shalt  }
0x87: {  	_ =	shalt  }
.Lfunc_end0:
.L_simem_size_0:
called_computation_lowered:
.L_overlay_start_0:
0x88: {  	s2 =	sld [smem:$0x3FD9]  }
0x89: {  	s3 =	sld [smem:$0x3FFE];
	_ =	sdelay $0x1  }
0x8a: {  	s1 =	srdreg.scid  }
0x8b: {  	s0 =	sand.u32 $0x1, s1  }
0x8c: {  	s16 =	sshll.u32 s0, $0xA;
	s2 =	sadd.s32 s3, s2  }
0x8d: {  	s2 =	sadd.s32 s2, s16  }
0x8e: {  	[smem:$0x3FC2] =	sst s2  }
0x8f: {  	_ = 	snop  }
0x90: {  	(tm) =	ssettm $0x1  }
0x91: {  	s17 =	sld [smem:$0x3FFB];
	_ =	sdelay $0x3  }
0x92: {  	_ =	strace s17  }
0x93: {  	s2 =	sld [smem:$0x3FFC];
	_ =	sdelay $0x3  }
0x94: {  	_ =	strace s2  }
0x95: {  	s2 =	sld [smem:$0x3FFD];
	_ =	sdelay $0x3  }
0x96: {  	_ =	strace s2  }
0x97: {  	_ =	strace $0x8FFFFFFF  }
0x98: {  	s18 =	sld [smem:$0x3FDB];
	_ =	sdelay $0x1  }
0x99: {  	s19 =	simm.s32 $_scs_section_size  }
0x9a: {  	s4 =	simm.s32 $_size__tile_overlayer_lowered;
	s5 =	simm.s32 $_tile_overlayer_lowered  }
0x9b: {  	s22 =	simm.s32 $0x1BFF;
	s21 =	sshll.u32 s5, $0x1;
	s2 =	sadd.s32 s19, s18  }
0x9c: {  	s6 =	simm.s32 $0x0;
	s20 =	sshll.u32 s4, $0x1;
	s4 =	sadd.s32 s21, s2  }
0x9d: {  	[timem:s6], [sflag:s22] =	dma.local [hbm:s4], s20  }
0x9e: {  	_ =	swait.ge [sflag:s22], s20  }
0x9f: {  	s3 =	ssub.s32 $0x0, s20;
	[sflag:s22] =	ssyncset.done $0x0  }
0xa0: {  	[sflag:s22] =	ssyncadd.s32 s3;
	_ =	sdelay $0x1  }
0xa1: {  	s23 =	simm.s32 $0x1B8B  }
0xa2: {  	_ =	swait.ge [sflag:s23], $0x1  }
0xa3: {  	[sflag:s23] =	ssyncset.done $0x0  }
0xa4: {  	s25 =	simm.s32 $0x1B8E;
	s24 =	sld [smem:$0x3FFE];
	[sflag:s23] =	ssyncadd.s32 $0xFFFFFFFF  }
0xa5: {  	s26 =	simm.s32 $execute0_lowered;
	[smem:$0x3FD2] =	sst s25  }
0xa6: {  	s4 =	sshll.u32 s26, $0x1;
	_ =	strace $0x80000046;
	[dreg:$0x1] =	wrdreg $0xFFFFFFFF  }
0xa7: {  	s28 =	simm.s32 $_size_execute0_lowered;
	s2 =	sadd.s32 s2, s4;
	[dreg:$0x0] =	wrdreg $0x0  }
0xa8: {  	s4 =	sshll.u32 s28, $0x1;
	[dreg:$0x2] =	wrdreg s2  }
0xa9: {  	[dreg:$0x3] =	wrdreg s4  }
0xaa: {  	[dreg:$0x4] =	wrdreg $0xC0  }
0xab: {  	_ =	task [dreg:s6], $0x5FFFF  }
0xac: {  	[dreg:$0x1] =	wrdreg $0xFFFFFFFF  }
0xad: {  	[dreg:$0x0] =	wrdreg $0x60  }
0xae: {  	[dreg:$0x2] =	wrdreg s24  }
0xaf: {  	[dreg:$0x3] =	wrdreg $0x9  }
0xb0: {  	_ =	task.clear_ibuf [dreg:s6], $0x4FFFF;
	_ =	strace $0x90000046  }
0xb1: {  	s29 =	simm.s32 $0x9;
	_ =	strace $0x80000048  }
0xb2: {  	_ =	swait.ge [sflag:s29], $0x1  }
0xb3: {  	[sflag:s29] =	ssyncadd.s32 $0xFFFFFFFF  }
0xb4: {  	_ =	strace $0x90000048  }
0xb5: {  	_ =	sfence  }
0xb6: {  	s30 =	sld [smem:$0x0];
	_ =	sdelay $0x2  }
0xb7: {  	s31 =	sshll.u32 s1, $0xD;
	s1 =	sshrl.u32 s1, $0x2  }
0xb8: {  	s3 =	sand.u32 $0x4000, s31;
	s1 =	sadd.s32 s1, s30  }
0xb9: {  	s0 =	sor.u32 s3, s0;
	s1 =	sshll.u32 s1, $0x11  }
0xba: {  	s0 =	sor.u32 s1, s0  }
0xbb: {  	s0 =	sadd.s32 $0x8F2B, s0  }
0xbc: {  	[sflag:s0] =	ssyncadd.remote.s32 $0x1  }
0xbd: {  	_ =	sfence.sel $0xFFFF  }
0xbe: {  	[dreg:$0x0] =	wrdreg $0xFFFFFFFF;
	(pc) =	sbr.abs _section_cstart, $3  }
0xbf: {  	[dreg:$0x1] =	wrdreg $0xFFFFFFFF  }
0xc0: {  	_ =	task.clear_ibuf [dreg:s6], $0x2FFFF;
	_ =	strace $0x9FFFFFFF  }
0xc1: {  	(tm) =	ssettm $0x7FFFFFFF  }
tec
execute0_lowered:
.L_overlay_start_1:
0x0: {  	(tag) =	ssettag $0x1  }
0x1: {  	s1 =	stileid.u32  }
0x2: {  	p0 =	sgt.u32 s1, $0x7  }
.Ltmp0:
0x3: {  	_ = 	snop;
	(pc) =	sbr.rel @p0 .LBB2_3-.Ltmp0, $4  }
0x4: {  	_ = 	snop  }
0x5: {  	s3 =	rddreg [dreg:$0x0];
	s2 =	simm.s32 $0x0  }
0x6: {  	[smem:$0x7FF] =	sst s2  }
0x7: {  	s0 =	rddreg [dreg:$0x1];
	_ =	strace $0x80000047  }
0x8: {  	s4 =	srdreg.scid  }
0x9: {  	s5 =	sshll.u32 s1, $0xB;
	s4 =	sand.u32 $0x1, s4  }
0xa: {  	s30 =	sadd.s32 $0xC00, s3;
	s6 =	sshll.u32 s4, $0xA;
	s4 =	ssub.s32 $0x2, s4  }
0xb: {  	s5 =	sor.u32 s6, s5;
	s7 =	sshrl.u32 s4, $0x1;
	s6 =	simm.s32 $0x1  }
0xc: {  	s31 =	sadd.s32 s5, s3;
	s7 =	ssub.s32 s4, s7;
	s4 =	sadd.s32 s30, s5  }
0xd: {  	v0 =	vimm.s32 $0x0;
	s3 =	sadd.s32 $0x4C00, s31;
	s5 =	smax.u32 s7, $0x1;
	s7 =	simm.s32 $0x2000  }
.LBB2_2:
0xe: {  	[tilespmem:s2], [sflag:$0x1] =	stream.linear.gather [hbm4b:s4+s2], $0x2000, $0x38;
	[tilespmem:$0x4000] =	vst v63  }
0xf: {  	_ =	swait.ge [sflag:s6], $0x2000  }
0x10: {  	[sflag:s6] =	ssyncset.done $0x0  }
0x11: {  	[sflag:s6] =	ssyncadd.s32 $0xFFFFE000  }
0x12: {  	v1 =	vld [tilespmem:$0x0];
	_ =	sdelay $0x1  }
0x13: {  	v2 =	vld [tilespmem:$0x80];
	_ =	sdelay $0x2  }
0x14: {  	v3 =	vld [tilespmem:$0x100];
	vm0 =	vgt.f32 v1, $-1.000000020e+30  }
0x15: {  	v1 =	vnsel vm0, $0xF149F2CA, v1  }
0x16: {  	v4 =	vimm.s32 $0x0;
	vm15 =	vgt.f32 v2, $-1.000000020e+30;
	vm0 =	vgt.f32 v2, v1  }
0x17: {  	v35 =	vnsel vm15, $0xF149F2CA, v2;
	v4 =	vsel vm0, $0xFFFFFFFF, v4;
	vm1 =	vmneg vm0  }
0x18: {  	v5 =	vld [tilespmem:$0x180];
	[tilespmem:$0x1FBD0] =	vst v4;
	v4 =	vsel vm1, v35, v1  }
0x19: {  	v1 =	vsel vm1, v1, v2;
	v2 =	vimm.s32 $0x0;
	vm9 =	vgt.f32 v3, v4  }
0x1a: {  	v2 =	vsel vm9, $0xFFFFFFFF, v2  }
0x1b: {  	vm2 =	vgt.f32 v3, v1;
	[tilespmem:$0x1FBE0] =	vst v2;
	v2 =	vsel vm9, v3, v4  }
0x1c: {  	v36 =	vld [tilespmem:$0x200];
	v2 =	vsel vm2, v1, v2  }
0x1d: {  	v1 =	vsel vm2, v3, v1;
	v3 =	vimm.s32 $0x0;
	vm10 =	vgt.f32 v5, v2  }
0x1e: {  	v3 =	vsel vm10, $0xFFFFFFFF, v3  }
0x1f: {  	vm3 =	vgt.f32 v5, v1;
	v2 =	vsel vm10, v5, v2;
	[tilespmem:$0x1FBF0] =	vst v3;
	v3 =	vld [tilespmem:$0x280]  }
0x20: {  	v2 =	vsel vm3, v1, v2  }
0x21: {  	v1 =	vsel vm3, v5, v1;
	vm11 =	vgt.f32 v36, v2  }
0x22: {  	v38 =	vld [tilespmem:$0x300];
	vm4 =	vgt.f32 v36, v1;
	v2 =	vsel vm11, v36, v2  }
0x23: {  	v2 =	vsel vm4, v1, v2  }
0x24: {  	v1 =	vsel vm4, v36, v1;
	vm12 =	vgt.f32 v3, v2  }
0x25: {  	vm5 =	vgt.f32 v3, v1;
	v2 =	vsel vm12, v3, v2  }
0x26: {  	v40 =	vld [tilespmem:$0x380];
	v2 =	vsel vm5, v1, v2  }
0x27: {  	v1 =	vsel vm5, v3, v1;
	v3 =	vimm.s32 $0x0;
	vm13 =	vgt.f32 v38, v2  }
0x28: {  	v3 =	vsel vm13, $0xFFFFFFFF, v3  }
0x29: {  	vm6 =	vgt.f32 v38, v1;
	v2 =	vsel vm13, v38, v2;
	[tilespmem:$0x1FC20] =	vst v3;
	v3 =	vld [tilespmem:$0x400]  }
0x2a: {  	v2 =	vsel vm6, v1, v2  }
0x2b: {  	v1 =	vsel vm6, v38, v1;
	vm14 =	vgt.f32 v40, v2  }
0x2c: {  	v42 =	vld [tilespmem:$0x480];
	vm7 =	vgt.f32 v40, v1;
	v2 =	vsel vm14, v40, v2  }
0x2d: {  	v39 =	vimm.s32 $0x0;
	v43 =	vimm.s32 $0x0;
	v2 =	vsel vm7, v1, v2  }
0x2e: {  	v4 =	vsel vm12, $0xFFFFFFFF, v39;
	v1 =	vsel vm7, v40, v1;
	vm8 =	vgt.f32 v3, v2  }
0x2f: {  	[tilespmem:$0x1FC10] =	vst v4;
	v4 =	vsel vm8, $0xFFFFFFFF, v43;
	v2 =	vsel vm8, v3, v2;
	vm8 =	vgt.f32 v3, v1  }
0x30: {  	v44 =	vld [tilespmem:$0x500];
	v2 =	vsel vm8, v1, v2  }
0x31: {  	v1 =	vsel vm8, v3, v1;
	v3 =	vimm.s32 $0x0;
	vm9 =	vgt.f32 v42, v2  }
0x32: {  	v37 =	vimm.s32 $0x0;
	v3 =	vsel vm9, $0xFFFFFFFF, v3  }
0x33: {  	v41 =	vimm.s32 $0x0;
	v2 =	vsel vm9, v42, v2;
	vm9 =	vgt.f32 v42, v1;
	[tilespmem:$0x1FC50] =	vst v3;
	v3 =	vld [tilespmem:$0x580]  }
0x34: {  	v45 =	vimm.s32 $0x0;
	v5 =	vsel vm11, $0xFFFFFFFF, v37;
	v2 =	vsel vm9, v1, v2  }
0x35: {  	[tilespmem:$0x1FC00] =	vst v5;
	v5 =	vsel vm14, $0xFFFFFFFF, v41;
	v1 =	vsel vm9, v42, v1;
	vm10 =	vgt.f32 v44, v2  }
0x36: {  	v46 =	vld [tilespmem:$0x600];
	[tilespmem:$0x1FC30] =	vst v5;
	v5 =	vsel vm10, $0xFFFFFFFF, v45;
	v2 =	vsel vm10, v44, v2;
	vm10 =	vgt.f32 v44, v1  }
0x37: {  	v2 =	vsel vm10, v1, v2  }
0x38: {  	v47 =	vimm.s32 $0x0;
	v1 =	vsel vm10, v44, v1;
	vm11 =	vgt.f32 v3, v2  }
0x39: {  	[tilespmem:$0x1FC40] =	vst v4;
	v4 =	vsel vm11, $0xFFFFFFFF, v47;
	v2 =	vsel vm11, v3, v2;
	vm11 =	vgt.f32 v3, v1  }
0x3a: {  	v48 =	vld [tilespmem:$0x680];
	v2 =	vsel vm11, v1, v2  }
0x3b: {  	v1 =	vsel vm11, v3, v1;
	v3 =	vimm.s32 $0x0;
	vm12 =	vgt.f32 v46, v2  }
0x3c: {  	v3 =	vsel vm12, $0xFFFFFFFF, v3  }
0x3d: {  	v2 =	vsel vm12, v46, v2;
	vm12 =	vgt.f32 v46, v1;
	[tilespmem:$0x1FC80] =	vst v3;
	v3 =	vld [tilespmem:$0x700]  }
0x3e: {  	v2 =	vsel vm12, v1, v2  }
0x3f: {  	v49 =	vimm.s32 $0x0;
	v1 =	vsel vm12, v46, v1;
	vm13 =	vgt.f32 v48, v2  }
0x40: {  	v50 =	vld [tilespmem:$0x780];
	[tilespmem:$0x1FC60] =	vst v5;
	v5 =	vsel vm13, $0xFFFFFFFF, v49;
	v2 =	vsel vm13, v48, v2;
	vm13 =	vgt.f32 v48, v1  }
0x41: {  	v2 =	vsel vm13, v1, v2  }
0x42: {  	v51 =	vimm.s32 $0x0;
	v7 =	vld [tilespmem:$0x1FBD0];
	v1 =	vsel vm13, v48, v1;
	vm14 =	vgt.f32 v3, v2  }
0x43: {  	v52 =	vld [tilespmem:$0x800];
	[tilespmem:$0x1FC70] =	vst v4;
	v4 =	vsel vm14, $0xFFFFFFFF, v51;
	v2 =	vsel vm14, v3, v2;
	vm14 =	vgt.f32 v3, v1  }
0x44: {  	v53 =	vimm.s32 $0x0;
	v56 =	vimm.s32 $0x0;
	v54 =	vld [tilespmem:$0x1FBE0];
	v2 =	vsel vm14, v1, v2  }
0x45: {  	v1 =	vsel vm14, v3, v1;
	v3 =	vimm.s32 $0x0;
	vm0 =	vgt.f32 v50, v2  }
0x46: {  	v60 =	vimm.s32 $0x0;
	vm1 =	vmand vm15, vm1;
	v3 =	vsel vm0, $0xFFFFFFFF, v3  }
0x47: {  	vm15 =	vnez.u8 v7;
	v2 =	vsel vm0, v50, v2;
	vm0 =	vgt.f32 v50, v1;
	[tilespmem:$0x1FCB0] =	vst v3;
	v3 =	vld [tilespmem:$0x880]  }
0x48: {  	v6 =	vsel vm1, $0x1, v0;
	v7 =	vsel vm15, $0x1, v0;
	v57 =	vld [tilespmem:$0x1FBF0];
	v2 =	vsel vm0, v1, v2  }
0x49: {  	vm15 =	vnez.u8 v54;
	v1 =	vsel vm0, v50, v1;
	vm1 =	vgt.f32 v52, v2  }
0x4a: {  	[tilespmem:$0x1FC90] =	vst v5;
	v5 =	vsel vm1, $0xFFFFFFFF, v53;
	v2 =	vsel vm1, v52, v2;
	vm1 =	vgt.f32 v52, v1  }
0x4b: {  	v63 =	vimm.s32 $0x0;
	v55 =	vld [tilespmem:$0x900];
	[tilespmem:$0x1FCC0] =	vst v5;
	v5 =	vsel vm15, $0x2, v6;
	v2 =	vsel vm1, v1, v2  }
0x4c: {  	v5 =	vsel vm2, v7, v5;
	v7 =	vsel vm2, $0x2, v7;
	vm2 =	vgt.f32 v3, v2  }
0x4d: {  	[tilespmem:$0x1FCA0] =	vst v4;
	v1 =	vsel vm1, v52, v1;
	vm15 =	vnez.u8 v57;
	v4 =	vsel vm2, $0xFFFFFFFF, v56  }
0x4e: {  	v2 =	vsel vm2, v3, v2;
	vm2 =	vgt.f32 v3, v1;
	[tilespmem:$0x1FCD0] =	vst v4;
	v4 =	vsel vm15, $0x3, v5  }
0x4f: {  	v2 =	vsel vm2, v1, v2;
	v1 =	vsel vm2, v3, v1;
	v3 =	vimm.s32 $0x0  }
0x50: {  	v4 =	vsel vm3, v7, v4;
	v7 =	vsel vm3, $0x3, v7;
	vm3 =	vgt.f32 v55, v2  }
0x51: {  	v10 =	vimm.s32 $0x0;
	v13 =	vimm.s32 $0x0;
	v3 =	vsel vm3, $0xFFFFFFFF, v3  }
0x52: {  	v16 =	vimm.s32 $0x0;
	v19 =	vimm.s32 $0x0;
	v22 =	vimm.s32 $0x0;
	[tilespmem:$0x1FCE0] =	vst v3;
	v3 =	vld [tilespmem:$0x1FC00]  }
0x53: {  	v25 =	vimm.s32 $0x0;
	v28 =	vimm.s32 $0x0;
	v31 =	vimm.s32 $0x0;
	v61 =	vld [tilespmem:$0x1FC10]  }
0x54: {  	v34 =	vimm.s32 $0x0;
	v58 =	vld [tilespmem:$0x980];
	v37 =	vimm.s32 $0x0;
	v40 =	vimm.s32 $0x0  }
0x55: {  	v43 =	vimm.s32 $0x0;
	v46 =	vimm.s32 $0x0;
	v49 =	vimm.s32 $0x0  }
0x56: {  	v8 =	vld [tilespmem:$0x1FC20];
	v52 =	vimm.s32 $0x0;
	v2 =	vsel vm3, v55, v2;
	vm3 =	vgt.f32 v55, v1  }
0x57: {  	v2 =	vsel vm3, v1, v2;
	v1 =	vsel vm3, v55, v1;
	vm15 =	vnez.u8 v3  }
0x58: {  	v59 =	vld [tilespmem:$0xA00];
	v55 =	vimm.s32 $0x0;
	v3 =	vsel vm15, $0x4, v4;
	vm15 =	vnez.u8 v61  }
0x59: {  	v11 =	vld [tilespmem:$0x1FC30];
	v3 =	vsel vm4, v7, v3;
	v7 =	vsel vm4, $0x4, v7;
	vm4 =	vgt.f32 v58, v2  }
0x5a: {  	v61 =	vimm.s32 $0x0;
	v6 =	vsel vm4, $0xFFFFFFFF, v60;
	v3 =	vsel vm15, $0x5, v3  }
0x5b: {  	v2 =	vsel vm4, v58, v2;
	vm4 =	vgt.f32 v58, v1;
	vm15 =	vnez.u8 v8  }
0x5c: {  	v14 =	vld [tilespmem:$0x1FC40];
	v8 =	vimm.s32 $0x0;
	v3 =	vsel vm5, v7, v3;
	v2 =	vsel vm4, v1, v2  }
0x5d: {  	v62 =	vld [tilespmem:$0xA80];
	v7 =	vsel vm5, $0x5, v7;
	v1 =	vsel vm4, v58, v1;
	v58 =	vimm.s32 $0x0  }
0x5e: {  	vm5 =	vgt.f32 v59, v2;
	v3 =	vsel vm15, $0x6, v3;
	vm15 =	vnez.u8 v11  }
0x5f: {  	v17 =	vld [tilespmem:$0x1FC50];
	v5 =	vsel vm5, $0xFFFFFFFF, v63;
	v2 =	vsel vm5, v59, v2;
	vm5 =	vgt.f32 v59, v1  }
0x60: {  	v3 =	vsel vm6, v7, v3;
	v7 =	vsel vm6, $0x6, v7;
	v2 =	vsel vm5, v1, v2  }
0x61: {  	v9 =	vld [tilespmem:$0xB00];
	v1 =	vsel vm5, v59, v1;
	v3 =	vsel vm15, $0x7, v3;
	vm15 =	vnez.u8 v14  }
0x62: {  	v20 =	vld [tilespmem:$0x1FC60];
	vm6 =	vgt.f32 v62, v2;
	v3 =	vsel vm7, v7, v3;
	v7 =	vsel vm7, $0x7, v7  }
0x63: {  	v4 =	vsel vm6, $0xFFFFFFFF, v10;
	v2 =	vsel vm6, v62, v2;
	vm6 =	vgt.f32 v62, v1  }
0x64: {  	v3 =	vsel vm15, $0x8, v3;
	vm15 =	vnez.u8 v17;
	v10 =	vimm.s32 $0x0  }
0x65: {  	v12 =	vld [tilespmem:$0xB80];
	v17 =	vimm.s32 $0x0;
	v2 =	vsel vm6, v1, v2;
	v1 =	vsel vm6, v62, v1  }
0x66: {  	v23 =	vld [tilespmem:$0x1FC70];
	v3 =	vsel vm8, v7, v3;
	v7 =	vsel vm8, $0x8, v7;
	vm7 =	vgt.f32 v9, v2  }
0x67: {  	v3 =	vsel vm15, $0x9, v3;
	vm15 =	vnez.u8 v20;
	v20 =	vimm.s32 $0x0  }
0x68: {  	v26 =	vld [tilespmem:$0x1FC80];
	[tilespmem:$0x1FCF0] =	vst v6;
	v6 =	vsel vm7, $0xFFFFFFFF, v13;
	v2 =	vsel vm7, v9, v2;
	vm7 =	vgt.f32 v9, v1  }
0x69: {  	v3 =	vsel vm9, v7, v3;
	v7 =	vsel vm9, $0x9, v7;
	v13 =	vimm.s32 $0x0  }
0x6a: {  	v15 =	vld [tilespmem:$0xC00];
	v2 =	vsel vm7, v1, v2;
	v1 =	vsel vm7, v9, v1;
	v3 =	vsel vm15, $0xA, v3  }
0x6b: {  	v29 =	vld [tilespmem:$0x1FC90];
	vm15 =	vnez.u8 v23;
	vm8 =	vgt.f32 v12, v2;
	v3 =	vsel vm10, v7, v3  }
0x6c: {  	[tilespmem:$0x1FD00] =	vst v5;
	v7 =	vsel vm10, $0xA, v7;
	v5 =	vsel vm8, $0xFFFFFFFF, v16;
	v2 =	vsel vm8, v12, v2  }
0x6d: {  	vm8 =	vgt.f32 v12, v1;
	v3 =	vsel vm15, $0xB, v3;
	vm15 =	vnez.u8 v26  }
0x6e: {  	v32 =	vld [tilespmem:$0x1FCA0];
	v16 =	vimm.s32 $0x0;
	v2 =	vsel vm8, v1, v2;
	v1 =	vsel vm8, v12, v1  }
0x6f: {  	v18 =	vld [tilespmem:$0xC80];
	v3 =	vsel vm11, v7, v3;
	v7 =	vsel vm11, $0xB, v7;
	vm9 =	vgt.f32 v15, v2  }
0x70: {  	[tilespmem:$0x1FD10] =	vst v4;
	v3 =	vsel vm15, $0xC, v3;
	vm15 =	vnez.u8 v29;
	v4 =	vsel vm9, $0xFFFFFFFF, v19  }
0x71: {  	v35 =	vld [tilespmem:$0x1FCB0];
	v2 =	vsel vm9, v15, v2;
	vm9 =	vgt.f32 v15, v1;
	v3 =	vsel vm12, v7, v3  }
0x72: {  	v7 =	vsel vm12, $0xC, v7;
	v2 =	vsel vm9, v1, v2;
	v1 =	vsel vm9, v15, v1  }
0x73: {  	v21 =	vld [tilespmem:$0xD00];
	v3 =	vsel vm15, $0xD, v3;
	vm15 =	vnez.u8 v32;
	v32 =	vimm.s32 $0x0  }
0x74: {  	vm10 =	vgt.f32 v18, v2;
	v3 =	vsel vm13, v7, v3;
	v7 =	vsel vm13, $0xD, v7  }
0x75: {  	v24 =	vld [tilespmem:$0xD80];
	[tilespmem:$0x1FD20] =	vst v6;
	v6 =	vsel vm10, $0xFFFFFFFF, v22;
	v2 =	vsel vm10, v18, v2;
	vm10 =	vgt.f32 v18, v1  }
0x76: {  	v38 =	vld [tilespmem:$0x1FCC0];
	v3 =	vsel vm15, $0xE, v3;
	vm15 =	vnez.u8 v35;
	v35 =	vimm.s32 $0x0  }
0x77: {  	v2 =	vsel vm10, v1, v2;
	v1 =	vsel vm10, v18, v1;
	v3 =	vsel vm14, v7, v3  }
0x78: {  	v7 =	vsel vm14, $0xE, v7;
	vm11 =	vgt.f32 v21, v2;
	v3 =	vsel vm15, $0xF, v3  }
0x79: {  	v27 =	vld [tilespmem:$0xE00];
	[tilespmem:$0x1FD30] =	vst v5;
	v5 =	vsel vm11, $0xFFFFFFFF, v25;
	v2 =	vsel vm11, v21, v2;
	vm11 =	vgt.f32 v21, v1  }
0x7a: {  	v3 =	vsel vm0, v7, v3;
	v7 =	vsel vm0, $0xF, v7;
	v2 =	vsel vm11, v1, v2  }
0x7b: {  	vm0 =	vnez.u8 v38;
	v1 =	vsel vm11, v21, v1;
	vm12 =	vgt.f32 v24, v2  }
0x7c: {  	v30 =	vld [tilespmem:$0xE80];
	[tilespmem:$0x1FD40] =	vst v4;
	v4 =	vsel vm12, $0xFFFFFFFF, v28;
	v2 =	vsel vm12, v24, v2;
	vm12 =	vgt.f32 v24, v1  }
0x7d: {  	v38 =	vimm.s32 $0x0;
	v3 =	vsel vm0, $0x10, v3;
	v2 =	vsel vm12, v1, v2  }
0x7e: {  	v21 =	vimm.s32 $0x0;
	v1 =	vsel vm12, v24, v1;
	vm13 =	vgt.f32 v27, v2  }
0x7f: {  	v33 =	vld [tilespmem:$0xF00];
	[tilespmem:$0x1FD50] =	vst v6;
	v6 =	vsel vm13, $0xFFFFFFFF, v31;
	v2 =	vsel vm13, v27, v2;
	vm13 =	vgt.f32 v27, v1  }
0x80: {  	v3 =	vsel vm1, v7, v3;
	v7 =	vsel vm1, $0x10, v7;
	v2 =	vsel vm13, v1, v2  }
0x81: {  	v41 =	vld [tilespmem:$0x1FCD0];
	v28 =	vimm.s32 $0x0;
	v1 =	vsel vm13, v27, v1;
	vm14 =	vgt.f32 v30, v2  }
0x82: {  	v44 =	vld [tilespmem:$0x1FCE0];
	[tilespmem:$0x1FD60] =	vst v5;
	v5 =	vsel vm14, $0xFFFFFFFF, v34;
	v2 =	vsel vm14, v30, v2;
	vm14 =	vgt.f32 v30, v1  }
0x83: {  	v36 =	vld [tilespmem:$0xF80];
	v24 =	vimm.s32 $0x0;
	v31 =	vimm.s32 $0x0;
	v2 =	vsel vm14, v1, v2  }
0x84: {  	v27 =	vimm.s32 $0x0;
	v1 =	vsel vm14, v30, v1;
	vm15 =	vgt.f32 v33, v2  }
0x85: {  	v47 =	vld [tilespmem:$0x1FCF0];
	[tilespmem:$0x1FD70] =	vst v4;
	vm0 =	vgt.f32 v33, v1;
	v4 =	vsel vm15, $0xFFFFFFFF, v37;
	v2 =	vsel vm15, v33, v2  }
0x86: {  	vm15 =	vnez.u8 v41;
	v41 =	vimm.s32 $0x0;
	v2 =	vsel vm0, v1, v2  }
0x87: {  	v39 =	vld [tilespmem:$0x1000];
	v1 =	vsel vm0, v33, v1;
	v3 =	vsel vm15, $0x11, v3;
	vm15 =	vnez.u8 v44  }
0x88: {  	v50 =	vld [tilespmem:$0x1FD00];
	v44 =	vimm.s32 $0x0;
	vm1 =	vgt.f32 v36, v2;
	v3 =	vsel vm2, v7, v3  }
0x89: {  	[tilespmem:$0x1FD80] =	vst v6;
	v7 =	vsel vm2, $0x11, v7;
	v6 =	vsel vm1, $0xFFFFFFFF, v40;
	v2 =	vsel vm1, v36, v2  }
0x8a: {  	vm1 =	vgt.f32 v36, v1;
	v3 =	vsel vm15, $0x12, v3;
	vm15 =	vnez.u8 v47  }
0x8b: {  	v53 =	vld [tilespmem:$0x1FD10];
	v47 =	vimm.s32 $0x0;
	v2 =	vsel vm1, v1, v2;
	v1 =	vsel vm1, v36, v1  }
0x8c: {  	v42 =	vld [tilespmem:$0x1080];
	v3 =	vsel vm3, v7, v3;
	v7 =	vsel vm3, $0x12, v7;
	vm2 =	vgt.f32 v39, v2  }
0x8d: {  	v3 =	vsel vm15, $0x13, v3;
	vm15 =	vnez.u8 v50;
	v50 =	vimm.s32 $0x0  }
0x8e: {  	v56 =	vld [tilespmem:$0x1FD20];
	[tilespmem:$0x1FD90] =	vst v5;
	v5 =	vsel vm2, $0xFFFFFFFF, v43;
	v2 =	vsel vm2, v39, v2;
	vm2 =	vgt.f32 v39, v1  }
0x8f: {  	v45 =	vld [tilespmem:$0x1100];
	v3 =	vsel vm4, v7, v3;
	v7 =	vsel vm4, $0x13, v7;
	v2 =	vsel vm2, v1, v2  }
0x90: {  	v59 =	vld [tilespmem:$0x1FD30];
	v1 =	vsel vm2, v39, v1;
	v3 =	vsel vm15, $0x14, v3;
	vm15 =	vnez.u8 v53  }
0x91: {  	vm3 =	vgt.f32 v42, v2;
	v3 =	vsel vm5, v7, v3;
	v7 =	vsel vm5, $0x14, v7  }
0x92: {  	[tilespmem:$0x1FDA0] =	vst v4;
	v4 =	vsel vm3, $0xFFFFFFFF, v46;
	v2 =	vsel vm3, v42, v2;
	vm3 =	vgt.f32 v42, v1  }
0x93: {  	v62 =	vld [tilespmem:$0x1FD40];
	v3 =	vsel vm15, $0x15, v3;
	vm15 =	vnez.u8 v56;
	v2 =	vsel vm3, v1, v2  }
0x94: {  	v48 =	vld [tilespmem:$0x1180];
	v1 =	vsel vm3, v42, v1;
	v3 =	vsel vm6, v7, v3;
	v7 =	vsel vm6, $0x15, v7  }
0x95: {  	vm4 =	vgt.f32 v45, v2;
	v3 =	vsel vm15, $0x16, v3;
	vm15 =	vnez.u8 v59  }
0x96: {  	v11 =	vld [tilespmem:$0x1FD50];
	[tilespmem:$0x1FDB0] =	vst v6;
	v6 =	vsel vm4, $0xFFFFFFFF, v49;
	v2 =	vsel vm4, v45, v2;
	vm4 =	vgt.f32 v45, v1  }
0x97: {  	v51 =	vld [tilespmem:$0x1200];
	v3 =	vsel vm7, v7, v3;
	v7 =	vsel vm7, $0x16, v7;
	v2 =	vsel vm4, v1, v2  }
0x98: {  	v1 =	vsel vm4, v45, v1;
	v3 =	vsel vm15, $0x17, v3;
	vm15 =	vnez.u8 v62  }
0x99: {  	vm5 =	vgt.f32 v48, v2;
	v3 =	vsel vm8, v7, v3;
	v7 =	vsel vm8, $0x17, v7  }
0x9a: {  	v54 =	vld [tilespmem:$0x1280];
	[tilespmem:$0x1FDC0] =	vst v5;
	v5 =	vsel vm5, $0xFFFFFFFF, v52;
	v2 =	vsel vm5, v48, v2;
	vm5 =	vgt.f32 v48, v1  }
0x9b: {  	v3 =	vsel vm15, $0x18, v3;
	vm15 =	vnez.u8 v11;
	v2 =	vsel vm5, v1, v2  }
0x9c: {  	v57 =	vld [tilespmem:$0x1300];
	[tilespmem:$0x1FDF0] =	vst v5;
	v1 =	vsel vm5, v48, v1;
	v3 =	vsel vm9, v7, v3;
	vm6 =	vgt.f32 v51, v2  }
0x9d: {  	[tilespmem:$0x1FDD0] =	vst v4;
	v45 =	vld [tilespmem:$0x1FDF0];
	v4 =	vsel vm6, $0xFFFFFFFF, v55;
	v2 =	vsel vm6, v51, v2;
	vm6 =	vgt.f32 v51, v1  }
0x9e: {  	v7 =	vsel vm9, $0x18, v7;
	v3 =	vsel vm15, $0x19, v3;
	v2 =	vsel vm6, v1, v2  }
0x9f: {  	v3 =	vsel vm10, v7, v3;
	v1 =	vsel vm6, v51, v1;
	vm7 =	vgt.f32 v54, v2  }
0xa0: {  	v60 =	vld [tilespmem:$0x1380];
	[tilespmem:$0x1FDE0] =	vst v6;
	v6 =	vsel vm7, $0xFFFFFFFF, v58;
	v2 =	vsel vm7, v54, v2;
	vm7 =	vgt.f32 v54, v1  }
0xa1: {  	v7 =	vsel vm10, $0x19, v7;
	v51 =	vimm.s32 $0x0;
	v2 =	vsel vm7, v1, v2  }
0xa2: {  	v14 =	vld [tilespmem:$0x1FD60];
	v1 =	vsel vm7, v54, v1;
	vm10 =	vnez.u8 v45;
	vm8 =	vgt.f32 v57, v2  }
0xa3: {  	v63 =	vld [tilespmem:$0x1400];
	v5 =	vsel vm8, $0xFFFFFFFF, v61;
	v2 =	vsel vm8, v57, v2;
	vm8 =	vgt.f32 v57, v1  }
0xa4: {  	v54 =	vimm.s32 $0x0;
	v2 =	vsel vm8, v1, v2;
	v1 =	vsel vm8, v57, v1  }
0xa5: {  	v61 =	vimm.s32 $0x0;
	vm9 =	vgt.f32 v60, v2;
	vm15 =	vgt.f32 v60, v1  }
0xa6: {  	v18 =	vld [tilespmem:$0x1FD70];
	v57 =	vimm.s32 $0x0;
	v2 =	vsel vm9, v60, v2;
	v8 =	vsel vm15, $0xFFFFFFFF, v8  }
0xa7: {  	v12 =	vld [tilespmem:$0x1480];
	v2 =	vsel vm15, v1, v2;
	v1 =	vsel vm15, v60, v1;
	vm15 =	vnez.u8 v14  }
0xa8: {  	[tilespmem:$0x1FE00] =	vst v4;
	v4 =	vsel vm9, $0xFFFFFFFF, v10;
	vm9 =	vgt.f32 v63, v2;
	v3 =	vsel vm15, $0x1A, v3  }
0xa9: {  	[tilespmem:$0x1FE10] =	vst v6;
	vm15 =	vgt.f32 v63, v1;
	v6 =	vsel vm9, $0xFFFFFFFF, v13;
	v2 =	vsel vm9, v63, v2  }
0xaa: {  	v22 =	vld [tilespmem:$0x1FD80];
	[tilespmem:$0x1FE40] =	vst v8;
	v8 =	vsel vm15, $0xFFFFFFFF, v16;
	v3 =	vsel vm11, v7, v3;
	v7 =	vsel vm11, $0x1A, v7  }
0xab: {  	v2 =	vsel vm15, v1, v2;
	v1 =	vsel vm15, v63, v1;
	vm15 =	vnez.u8 v18  }
0xac: {  	v15 =	vld [tilespmem:$0x1500];
	v13 =	vimm.s32 $0x0;
	vm9 =	vgt.f32 v12, v2;
	v3 =	vsel vm15, $0x1B, v3  }
0xad: {  	v25 =	vld [tilespmem:$0x1FD90];
	[tilespmem:$0x1FE20] =	vst v5;
	vm15 =	vgt.f32 v12, v1;
	v5 =	vsel vm9, $0xFFFFFFFF, v17;
	v2 =	vsel vm9, v12, v2  }
0xae: {  	[tilespmem:$0x1FE60] =	vst v8;
	v8 =	vsel vm15, $0xFFFFFFFF, v20;
	v3 =	vsel vm12, v7, v3;
	v7 =	vsel vm12, $0x1B, v7  }
0xaf: {  	v29 =	vld [tilespmem:$0x1FDA0];
	vm12 =	vnez.u8 v22;
	v17 =	vimm.s32 $0x0;
	v20 =	vimm.s32 $0x0  }
0xb0: {  	v19 =	vld [tilespmem:$0x1580];
	v2 =	vsel vm15, v1, v2;
	v1 =	vsel vm15, v12, v1;
	v3 =	vsel vm12, $0x1C, v3  }
0xb1: {  	v33 =	vld [tilespmem:$0x1FDB0];
	vm15 =	vgt.f32 v15, v2;
	vm12 =	vgt.f32 v15, v1;
	v3 =	vsel vm13, v7, v3  }
0xb2: {  	v7 =	vsel vm13, $0x1C, v7;
	vm13 =	vnez.u8 v25;
	v2 =	vsel vm15, v15, v2  }
0xb3: {  	[tilespmem:$0x1FE30] =	vst v4;
	v4 =	vsel vm15, $0xFFFFFFFF, v21;
	v3 =	vsel vm13, $0x1D, v3;
	v2 =	vsel vm12, v1, v2  }
0xb4: {  	v23 =	vld [tilespmem:$0x1600];
	v3 =	vsel vm14, v7, v3;
	v7 =	vsel vm14, $0x1D, v7;
	vm14 =	vnez.u8 v29  }
0xb5: {  	v1 =	vsel vm12, v15, v1;
	vm15 =	vgt.f32 v19, v2;
	v3 =	vsel vm14, $0x1E, v3  }
0xb6: {  	[tilespmem:$0x1FE50] =	vst v6;
	vm14 =	vnez.u8 v33;
	v6 =	vsel vm15, $0xFFFFFFFF, v24;
	v2 =	vsel vm15, v19, v2  }
0xb7: {  	vm15 =	vgt.f32 v19, v1;
	v3 =	vsel vm0, v7, v3;
	v7 =	vsel vm0, $0x1E, v7  }
0xb8: {  	v26 =	vld [tilespmem:$0x1680];
	[tilespmem:$0x1FE80] =	vst v8;
	v24 =	vimm.s32 $0x0;
	v8 =	vsel vm15, $0xFFFFFFFF, v27;
	v2 =	vsel vm15, v1, v2  }
0xb9: {  	v36 =	vld [tilespmem:$0x1FDC0];
	v1 =	vsel vm15, v19, v1;
	v3 =	vsel vm14, $0x1F, v3;
	vm13 =	vgt.f32 v23, v2  }
0xba: {  	[tilespmem:$0x1FE70] =	vst v5;
	vm15 =	vgt.f32 v23, v1;
	v3 =	vsel vm1, v7, v3;
	v7 =	vsel vm1, $0x1F, v7  }
0xbb: {  	v30 =	vld [tilespmem:$0x1700];
	[tilespmem:$0x1FEB0] =	vst v8;
	v5 =	vsel vm13, $0xFFFFFFFF, v28;
	v2 =	vsel vm13, v23, v2;
	v8 =	vsel vm15, $0xFFFFFFFF, v31  }
0xbc: {  	v28 =	vimm.s32 $0x0;
	v2 =	vsel vm15, v1, v2;
	v1 =	vsel vm15, v23, v1  }
0xbd: {  	v39 =	vld [tilespmem:$0x1FDD0];
	v31 =	vimm.s32 $0x0;
	vm13 =	vgt.f32 v26, v2;
	vm0 =	vgt.f32 v26, v1  }
0xbe: {  	v34 =	vld [tilespmem:$0x1780];
	[tilespmem:$0x1FE90] =	vst v4;
	v4 =	vsel vm13, $0xFFFFFFFF, v32;
	v2 =	vsel vm13, v26, v2;
	vm13 =	vnez.u8 v36  }
0xbf: {  	v2 =	vsel vm0, v1, v2;
	v1 =	vsel vm0, v26, v1;
	v3 =	vsel vm13, $0x20, v3  }
0xc0: {  	v42 =	vld [tilespmem:$0x1FDE0];
	vm15 =	vgt.f32 v30, v2;
	vm1 =	vgt.f32 v30, v1;
	v3 =	vsel vm2, v7, v3  }
0xc1: {  	v37 =	vld [tilespmem:$0x1800];
	[tilespmem:$0x1FEA0] =	vst v6;
	v7 =	vsel vm2, $0x20, v7;
	v6 =	vsel vm15, $0xFFFFFFFF, v35;
	v2 =	vsel vm15, v30, v2  }
0xc2: {  	v14 =	vld [tilespmem:$0x1FE70];
	vm15 =	vnez.u8 v39;
	v2 =	vsel vm1, v1, v2;
	v1 =	vsel vm1, v30, v1  }
0xc3: {  	v3 =	vsel vm15, $0x21, v3;
	vm14 =	vgt.f32 v34, v2;
	vm15 =	vgt.f32 v34, v1  }
0xc4: {  	v3 =	vsel vm3, v7, v3;
	v7 =	vsel vm3, $0x21, v7;
	v2 =	vsel vm14, v34, v2  }
0xc5: {  	v40 =	vld [tilespmem:$0x1880];
	[tilespmem:$0x1FEC0] =	vst v5;
	v5 =	vsel vm14, $0xFFFFFFFF, v38;
	vm14 =	vnez.u8 v42;
	v2 =	vsel vm15, v1, v2  }
0xc6: {  	v52 =	vld [tilespmem:$0x1FE10];
	v1 =	vsel vm15, v34, v1;
	v3 =	vsel vm14, $0x22, v3;
	vm13 =	vgt.f32 v37, v2  }
0xc7: {  	v48 =	vld [tilespmem:$0x1FE00];
	v3 =	vsel vm4, v7, v3;
	v7 =	vsel vm4, $0x22, v7;
	vm4 =	vnez.u8 v14  }
0xc8: {  	v43 =	vld [tilespmem:$0x1900];
	[tilespmem:$0x1FEE0] =	vst v4;
	v4 =	vsel vm13, $0xFFFFFFFF, v41;
	v2 =	vsel vm13, v37, v2;
	vm13 =	vgt.f32 v37, v1  }
0xc9: {  	v3 =	vsel vm10, $0x23, v3;
	v2 =	vsel vm13, v1, v2;
	v1 =	vsel vm13, v37, v1  }
0xca: {  	v3 =	vsel vm5, v7, v3;
	v7 =	vsel vm5, $0x23, v7;
	vm9 =	vgt.f32 v40, v2  }
0xcb: {  	v62 =	vld [tilespmem:$0x1FE50];
	vm5 =	vnez.u8 v52;
	vm14 =	vgt.f32 v40, v1;
	v2 =	vsel vm9, v40, v2  }
0xcc: {  	v55 =	vld [tilespmem:$0x1FE20];
	[tilespmem:$0x1FEF0] =	vst v6;
	v6 =	vsel vm9, $0xFFFFFFFF, v44;
	vm9 =	vnez.u8 v48;
	v2 =	vsel vm14, v1, v2  }
0xcd: {  	v46 =	vld [tilespmem:$0x1980];
	v1 =	vsel vm14, v40, v1;
	v3 =	vsel vm9, $0x24, v3;
	vm11 =	vgt.f32 v43, v2  }
0xce: {  	[tilespmem:$0x1FED0] =	vst v8;
	vm10 =	vgt.f32 v43, v1;
	v3 =	vsel vm6, v7, v3;
	v7 =	vsel vm6, $0x24, v7  }
0xcf: {  	v60 =	vld [tilespmem:$0x1FE40];
	[tilespmem:$0x1FF00] =	vst v5;
	v5 =	vsel vm11, $0xFFFFFFFF, v47;
	v2 =	vsel vm11, v43, v2;
	v8 =	vsel vm10, $0xFFFFFFFF, v50  }
0xd0: {  	v49 =	vld [tilespmem:$0x1A00];
	v3 =	vsel vm5, $0x25, v3;
	vm5 =	vnez.u8 v62;
	v2 =	vsel vm10, v1, v2  }
0xd1: {  	v53 =	vld [tilespmem:$0x1A80];
	v3 =	vsel vm7, v7, v3;
	v7 =	vsel vm7, $0x25, v7;
	vm7 =	vnez.u8 v55  }
0xd2: {  	v58 =	vld [tilespmem:$0x1FE30];
	v1 =	vsel vm10, v43, v1;
	vm11 =	vgt.f32 v46, v2;
	v3 =	vsel vm7, $0x26, v3  }
0xd3: {  	v12 =	vld [tilespmem:$0x1FE60];
	[tilespmem:$0x1FF10] =	vst v4;
	v4 =	vsel vm11, $0xFFFFFFFF, v51;
	v2 =	vsel vm11, v46, v2;
	vm11 =	vgt.f32 v46, v1  }
0xd4: {  	vm7 =	vnez.u8 v60;
	v3 =	vsel vm8, v7, v3;
	v2 =	vsel vm11, v1, v2  }
0xd5: {  	v7 =	vsel vm8, $0x26, v7;
	v1 =	vsel vm11, v46, v1;
	vm6 =	vgt.f32 v49, v2  }
0xd6: {  	v16 =	vld [tilespmem:$0x1FE80];
	[tilespmem:$0x1FF20] =	vst v6;
	vm10 =	vgt.f32 v49, v1;
	v6 =	vsel vm6, $0xFFFFFFFF, v54;
	v2 =	vsel vm6, v49, v2  }
0xd7: {  	v56 =	vld [tilespmem:$0x1B00];
	vm6 =	vnez.u8 v58;
	v2 =	vsel vm10, v1, v2;
	v1 =	vsel vm10, v49, v1  }
0xd8: {  	v23 =	vld [tilespmem:$0x1FEB0];
	v3 =	vsel vm6, $0x27, v3;
	vm6 =	vnez.u8 v12;
	vm9 =	vgt.f32 v53, v2  }
0xd9: {  	[tilespmem:$0x1FF30] =	vst v5;
	v3 =	vsel vm7, v7, v3;
	v7 =	vsel vm7, $0x27, v7;
	v5 =	vsel vm9, $0xFFFFFFFF, v57  }
0xda: {  	v18 =	vld [tilespmem:$0x1FE90];
	v2 =	vsel vm9, v53, v2;
	vm9 =	vgt.f32 v53, v1;
	v3 =	vsel vm5, $0x28, v3  }
0xdb: {  	v59 =	vld [tilespmem:$0x1B80];
	vm5 =	vnez.u8 v16;
	v2 =	vsel vm9, v1, v2;
	v1 =	vsel vm9, v53, v1  }
0xdc: {  	v3 =	vsel vm6, v7, v3;
	v7 =	vsel vm6, $0x28, v7;
	vm8 =	vgt.f32 v56, v2  }
0xdd: {  	v21 =	vld [tilespmem:$0x1FEA0];
	vm7 =	vgt.f32 v56, v1;
	v3 =	vsel vm4, $0x29, v3;
	vm4 =	vnez.u8 v23  }
0xde: {  	v63 =	vld [tilespmem:$0x1C00];
	[tilespmem:$0x1FF50] =	vst v4;
	v4 =	vsel vm8, $0xFFFFFFFF, v61;
	v2 =	vsel vm8, v56, v2;
	v3 =	vsel vm5, v7, v3  }
0xdf: {  	v7 =	vsel vm5, $0x29, v7;
	vm5 =	vnez.u8 v18;
	v2 =	vsel vm7, v1, v2  }
0xe0: {  	v1 =	vsel vm7, v56, v1;
	v3 =	vsel vm5, $0x2A, v3;
	vm8 =	vgt.f32 v59, v2  }
0xe1: {  	v15 =	vld [tilespmem:$0x1C80];
	vm6 =	vgt.f32 v59, v1;
	v3 =	vsel vm12, v7, v3;
	v2 =	vsel vm8, v59, v2  }
0xe2: {  	v25 =	vld [tilespmem:$0x1FEC0];
	v7 =	vsel vm12, $0x2A, v7;
	vm12 =	vnez.u8 v21;
	v2 =	vsel vm6, v1, v2  }
0xe3: {  	[tilespmem:$0x1FF60] =	vst v6;
	v6 =	vsel vm8, $0xFFFFFFFF, v13;
	v1 =	vsel vm6, v59, v1;
	vm8 =	vgt.f32 v63, v2  }
0xe4: {  	v19 =	vld [tilespmem:$0x1D00];
	v3 =	vsel vm12, $0x2B, v3;
	vm5 =	vgt.f32 v63, v1;
	v2 =	vsel vm8, v63, v2  }
0xe5: {  	v27 =	vld [tilespmem:$0x1FED0];
	v3 =	vsel vm4, v7, v3;
	v7 =	vsel vm4, $0x2B, v7;
	v2 =	vsel vm5, v1, v2  }
0xe6: {  	v22 =	vld [tilespmem:$0x1D80];
	[tilespmem:$0x1FF70] =	vst v5;
	v5 =	vsel vm8, $0xFFFFFFFF, v17;
	v1 =	vsel vm5, v63, v1;
	vm8 =	vgt.f32 v15, v2  }
0xe7: {  	v29 =	vld [tilespmem:$0x1FEE0];
	vm4 =	vnez.u8 v25;
	vm12 =	vgt.f32 v15, v1;
	v2 =	vsel vm8, v15, v2  }
0xe8: {  	v32 =	vld [tilespmem:$0x1FEF0];
	v3 =	vsel vm4, $0x2C, v3;
	v2 =	vsel vm12, v1, v2;
	v1 =	vsel vm12, v15, v1  }
0xe9: {  	[tilespmem:$0x1FF80] =	vst v4;
	v4 =	vsel vm8, $0xFFFFFFFF, v20;
	vm8 =	vgt.f32 v19, v2;
	vm4 =	vgt.f32 v19, v1  }
0xea: {  	[tilespmem:$0x1FF90] =	vst v6;
	v6 =	vsel vm8, $0xFFFFFFFF, v24;
	v2 =	vsel vm8, v19, v2;
	vm8 =	vnez.u8 v27  }
0xeb: {  	v34 =	vimm.s32 $0x0;
	v35 =	vld [tilespmem:$0x1FF00];
	v3 =	vsel vm8, v7, v3;
	v2 =	vsel vm4, v1, v2  }
0xec: {  	v26 =	vld [tilespmem:$0x1E00];
	v7 =	vsel vm8, $0x2C, v7;
	v1 =	vsel vm4, v19, v1;
	vm8 =	vnez.u8 v29  }
0xed: {  	vm3 =	vgt.f32 v22, v2;
	v3 =	vsel vm8, $0x2D, v3;
	vm8 =	vnez.u8 v32  }
0xee: {  	v37 =	vld [tilespmem:$0x1FF10];
	[tilespmem:$0x1FFA0] =	vst v5;
	v5 =	vsel vm3, $0xFFFFFFFF, v28;
	v2 =	vsel vm3, v22, v2;
	vm3 =	vgt.f32 v22, v1  }
0xef: {  	v30 =	vld [tilespmem:$0x1E80];
	v3 =	vsel vm0, v7, v3;
	v7 =	vsel vm0, $0x2D, v7;
	v2 =	vsel vm3, v1, v2  }
0xf0: {  	v1 =	vsel vm3, v22, v1;
	v3 =	vsel vm8, $0x2E, v3;
	vm8 =	vnez.u8 v35  }
0xf1: {  	vm2 =	vgt.f32 v26, v2;
	v3 =	vsel vm1, v7, v3;
	v7 =	vsel vm1, $0x2E, v7  }
0xf2: {  	v33 =	vld [tilespmem:$0x1F00];
	[tilespmem:$0x1FFB0] =	vst v4;
	v4 =	vsel vm2, $0xFFFFFFFF, v31;
	v2 =	vsel vm2, v26, v2;
	vm2 =	vgt.f32 v26, v1  }
0xf3: {  	v3 =	vsel vm8, $0x2F, v3;
	vm8 =	vnez.u8 v37;
	v2 =	vsel vm2, v1, v2  }
0xf4: {  	v39 =	vld [tilespmem:$0x1FF20];
	v1 =	vsel vm2, v26, v1;
	v3 =	vsel vm15, v7, v3;
	vm1 =	vgt.f32 v30, v2  }
0xf5: {  	v36 =	vld [tilespmem:$0x1F80];
	[tilespmem:$0x1FFC0] =	vst v6;
	v6 =	vsel vm1, $0xFFFFFFFF, v34;
	v2 =	vsel vm1, v30, v2;
	vm1 =	vgt.f32 v30, v1  }
0xf6: {  	v7 =	vsel vm15, $0x2F, v7;
	v3 =	vsel vm8, $0x30, v3;
	v2 =	vsel vm1, v1, v2  }
0xf7: {  	v38 =	vsel vm13, $0x30, v7;
	v1 =	vsel vm1, v30, v1;
	vm15 =	vgt.f32 v33, v2  }
0xf8: {  	v3 =	vsel vm13, v7, v3;
	vm0 =	vgt.f32 v33, v1;
	v2 =	vsel vm15, v33, v2  }
0xf9: {  	vm13 =	vnez.u8 v39;
	v40 =	vsel vm14, $0x31, v38;
	v2 =	vsel vm0, v1, v2  }
0xfa: {  	v3 =	vsel vm13, $0x31, v3;
	v1 =	vsel vm0, v33, v1;
	vm8 =	vgt.f32 v36, v2  }
0xfb: {  	v3 =	vsel vm14, v38, v3;
	vm14 =	vgt.f32 v36, v1;
	v2 =	vsel vm8, v36, v2  }
0xfc: {  	[tilespmem:$0x1FF40] =	vst v8;
	v41 =	vld [tilespmem:$0x1FF30];
	v2 =	vsel vm14, v1, v2;
	v1 =	vsel vm14, v36, v1  }
0xfd: {  	v1 =	vsub.f32 v2, v1;
	v2 =	vld [tilespmem:$0x1FF40]  }
0xfe: {  	v42 =	vld [tilespmem:$0x1FF50];
	_ =	sdelay $0x1  }
0xff: {  	v43 =	vld [tilespmem:$0x1FF60]  }
0x100: {  	vm13 =	vnez.u8 v41  }
0x101: {  	v3 =	vsel vm13, $0x32, v3;
	vm13 =	vnez.u8 v2  }
0x102: {  	v2 =	vsel vm13, v40, v3;
	v3 =	vsel vm13, $0x32, v40;
	vm13 =	vnez.u8 v42  }
0x103: {  	v2 =	vsel vm13, $0x33, v2  }
0x104: {  	v1 =	vmul.f32 $1.442695020e+00, v1;
	vm13 =	vnez.u8 v43;
	v2 =	vsel vm11, v3, v2  }
0x105: {  	v3 =	vsel vm11, $0x33, v3;
	v2 =	vsel vm13, $0x34, v2  }
0x106: {  	(erf) = vpow2.f32 v1;
	v1 =	vsel vm10, v3, v2;
	v2 =	vsel vm10, $0x34, v3;
	v3 =	vld [tilespmem:$0x1FF70];
	_ =	sdelay $0x4  }
0x107: {  	vm13 =	vnez.u8 v3;
	v3 =	vld [tilespmem:$0x1FF80];
	_ =	sdelay $0x4  }
0x108: {  	v1 =	vsel vm13, $0x35, v1;
	vm13 =	vnez.u8 v3;
	v3 =	vld [tilespmem:$0x1FF90];
	_ =	sdelay $0x4  }
0x109: {  	v1 =	vsel vm9, v2, v1;
	v2 =	vsel vm9, $0x35, v2;
	vm9 =	vnez.u8 v3;
	v3 =	vld [tilespmem:$0x1FFA0];
	_ =	sdelay $0x4  }
0x10a: {  	vm10 =	vnez.u8 v3;
	v3 =	vld [tilespmem:$0x1FFB0];
	_ =	sdelay $0x4  }
0x10b: {  	vm11 =	vnez.u8 v3;
	v3 =	vpop (erf)  }
0x10c: {  	v3 =	vadd.f32 $1.000000000e+00, v3  }
0x10d: {  	[tilespmem:$0x1FFD0] =	vst v5  }
0x10e: {  	(erf) = vrcp.f32 v3;
	v3 =	vld [tilespmem:$0x1FFD0];
	_ =	sdelay $0x1  }
0x10f: {  	v1 =	vsel vm13, $0x36, v1  }
0x110: {  	v1 =	vsel vm7, v2, v1  }
0x111: {  	v44 =	vld [tilespmem:$0x1FFC0];
	[tilespmem:$0x1FFE0] =	vst v4;
	v2 =	vsel vm7, $0x36, v2;
	v1 =	vsel vm9, $0x37, v1  }
0x112: {  	v1 =	vsel vm6, v2, v1;
	vm13 =	vnez.u8 v3;
	v3 =	vld [tilespmem:$0x1FFE0]  }
0x113: {  	v2 =	vsel vm6, $0x37, v2;
	v1 =	vsel vm10, $0x38, v1  }
0x114: {  	v1 =	vsel vm5, v2, v1  }
0x115: {  	v2 =	vsel vm5, $0x38, v2;
	v1 =	vsel vm11, $0x39, v1  }
0x116: {  	[tilespmem:$0x1FFF0] =	vst v6;
	v1 =	vsel vm12, v2, v1;
	v2 =	vsel vm12, $0x39, v2;
	vm12 =	vnez.u8 v44  }
0x117: {  	v1 =	vsel vm12, $0x3A, v1;
	vm6 =	vnez.u8 v3;
	v3 =	vld [tilespmem:$0x1FFF0]  }
0x118: {  	v1 =	vsel vm4, v2, v1  }
0x119: {  	v2 =	vsel vm4, $0x3A, v2;
	v1 =	vsel vm13, $0x3B, v1  }
0x11a: {  	v1 =	vsel vm3, v2, v1  }
0x11b: {  	v2 =	vsel vm3, $0x3B, v2;
	v1 =	vsel vm6, $0x3C, v1  }
0x11c: {  	v1 =	vsel vm2, v2, v1;
	vm7 =	vnez.u8 v3  }
0x11d: {  	v2 =	vsel vm2, $0x3C, v2;
	v1 =	vsel vm7, $0x3D, v1  }
0x11e: {  	v1 =	vsel vm1, v2, v1  }
0x11f: {  	v2 =	vsel vm1, $0x3D, v2;
	v1 =	vsel vm15, $0x3E, v1  }
0x120: {  	v1 =	vsel vm0, v2, v1  }
0x121: {  	v2 =	vsel vm0, $0x3E, v2;
	v3 =	vsel vm8, $0x3F, v1  }
0x122: {  	v4 =	vsel vm14, v2, v3;
	v2 =	vsel vm14, $0x3F, v2  }
0x123: {  	vm8 =	veq.s32 v2, $0x0  }
0x124: {  	vm9 =	veq.s32 v4, $0x0;
	vm10 =	veq.s32 v4, $0x1;
	vm11 =	veq.s32 v4, $0x2  }
0x125: {  	v1 =	vpop (erf);
	vm12 =	veq.s32 v2, $0x1;
	vm13 =	veq.s32 v2, $0x2;
	vm14 =	veq.s32 v2, $0x3  }
0x126: {  	vm15 =	veq.s32 v4, $0x3;
	vm4 =	veq.s32 v4, $0x4;
	v3 =	vsub.f32 $1.000000000e+00, v1  }
0x127: {  	vm5 =	veq.s32 v4, $0x5;
	vm6 =	veq.s32 v2, $0x4;
	vm7 =	veq.s32 v2, $0x5  }
0x128: {  	v45 =	vnsel vm9, $0x0, v3;
	v46 =	vnsel vm10, $0x0, v3;
	v47 =	vnsel vm11, $0x0, v3  }
0x129: {  	v48 =	vnsel vm15, $0x0, v3;
	v9 =	vnsel vm4, $0x0, v3;
	v10 =	vnsel vm5, $0x0, v3  }
0x12a: {  	vm9 =	veq.s32 v4, $0x6;
	vm10 =	veq.s32 v4, $0x7;
	vm11 =	veq.s32 v4, $0x8  }
0x12b: {  	vm15 =	veq.s32 v4, $0x9;
	vm4 =	veq.s32 v4, $0xA;
	vm5 =	veq.s32 v4, $0xB  }
0x12c: {  	v5 =	vsel vm8, v1, v45;
	v6 =	vsel vm12, v1, v46;
	v7 =	vsel vm13, v1, v47  }
0x12d: {  	v8 =	vsel vm14, v1, v48;
	v9 =	vsel vm6, v1, v9;
	v10 =	vsel vm7, v1, v10  }
0x12e: {  	vm8 =	veq.s32 v2, $0x6;
	v11 =	vnsel vm9, $0x0, v3;
	v12 =	vnsel vm10, $0x0, v3  }
0x12f: {  	vm12 =	veq.s32 v2, $0x7;
	v13 =	vnsel vm11, $0x0, v3;
	vm13 =	veq.s32 v2, $0x8  }
0x130: {  	vm14 =	veq.s32 v2, $0x9;
	v14 =	vnsel vm15, $0x0, v3;
	v15 =	vnsel vm4, $0x0, v3  }
0x131: {  	vm6 =	veq.s32 v2, $0xA;
	v16 =	vnsel vm5, $0x0, v3;
	vm7 =	veq.s32 v2, $0xB  }
0x132: {  	vm9 =	veq.s32 v4, $0xC;
	vm10 =	veq.s32 v4, $0xD;
	vm11 =	veq.s32 v4, $0xE  }
0x133: {  	vm15 =	veq.s32 v4, $0xF;
	vm4 =	veq.s32 v4, $0x10;
	vm5 =	veq.s32 v4, $0x11  }
0x134: {  	v11 =	vsel vm8, v1, v11;
	v12 =	vsel vm12, v1, v12;
	v13 =	vsel vm13, v1, v13  }
0x135: {  	v14 =	vsel vm14, v1, v14;
	v15 =	vsel vm6, v1, v15;
	v16 =	vsel vm7, v1, v16  }
0x136: {  	vm8 =	veq.s32 v2, $0xC;
	v17 =	vnsel vm9, $0x0, v3;
	v18 =	vnsel vm10, $0x0, v3  }
0x137: {  	vm12 =	veq.s32 v2, $0xD;
	v19 =	vnsel vm11, $0x0, v3;
	vm13 =	veq.s32 v2, $0xE  }
0x138: {  	vm14 =	veq.s32 v2, $0xF;
	v20 =	vnsel vm15, $0x0, v3;
	v21 =	vnsel vm4, $0x0, v3  }
0x139: {  	vm6 =	veq.s32 v2, $0x10;
	v22 =	vnsel vm5, $0x0, v3;
	vm7 =	veq.s32 v2, $0x11  }
0x13a: {  	vm9 =	veq.s32 v4, $0x12;
	vm10 =	veq.s32 v4, $0x13;
	vm11 =	veq.s32 v4, $0x14  }
0x13b: {  	[tilespmem:$0x2000] =	vst v5;
	vm15 =	veq.s32 v4, $0x15;
	vm4 =	veq.s32 v4, $0x16;
	vm5 =	veq.s32 v4, $0x17  }
0x13c: {  	[tilespmem:$0x2080] =	vst v6;
	v17 =	vsel vm8, v1, v17;
	v18 =	vsel vm12, v1, v18;
	v19 =	vsel vm13, v1, v19  }
0x13d: {  	[tilespmem:$0x2100] =	vst v7;
	v49 =	vsel vm14, v1, v20;
	v50 =	vsel vm6, v1, v21;
	v51 =	vsel vm7, v1, v22  }
0x13e: {  	[tilespmem:$0x2180] =	vst v8;
	vm8 =	veq.s32 v2, $0x12;
	v52 =	vnsel vm9, $0x0, v3;
	v53 =	vnsel vm10, $0x0, v3  }
0x13f: {  	[tilespmem:$0x2200] =	vst v9;
	vm12 =	veq.s32 v2, $0x13;
	v54 =	vnsel vm11, $0x0, v3;
	vm13 =	veq.s32 v2, $0x14  }
0x140: {  	[tilespmem:$0x2280] =	vst v10;
	vm14 =	veq.s32 v2, $0x15;
	v55 =	vnsel vm15, $0x0, v3;
	v56 =	vnsel vm4, $0x0, v3  }
0x141: {  	[tilespmem:$0x2300] =	vst v11;
	vm6 =	veq.s32 v2, $0x16;
	v57 =	vnsel vm5, $0x0, v3;
	vm7 =	veq.s32 v2, $0x17  }
0x142: {  	[tilespmem:$0x2380] =	vst v12;
	vm9 =	veq.s32 v4, $0x18;
	vm10 =	veq.s32 v4, $0x19;
	vm11 =	veq.s32 v4, $0x1A  }
0x143: {  	[tilespmem:$0x2400] =	vst v13;
	vm15 =	veq.s32 v4, $0x1B;
	vm4 =	veq.s32 v4, $0x1C;
	vm5 =	veq.s32 v4, $0x1D  }
0x144: {  	[tilespmem:$0x2480] =	vst v14;
	v6 =	vsel vm8, v1, v52;
	v7 =	vsel vm12, v1, v53;
	v8 =	vsel vm13, v1, v54  }
0x145: {  	[tilespmem:$0x2500] =	vst v15;
	v9 =	vsel vm14, v1, v55;
	v10 =	vsel vm6, v1, v56;
	v11 =	vsel vm7, v1, v57  }
0x146: {  	[tilespmem:$0x2580] =	vst v16;
	vm8 =	veq.s32 v2, $0x18;
	v58 =	vnsel vm9, $0x0, v3;
	v59 =	vnsel vm10, $0x0, v3  }
0x147: {  	vm12 =	veq.s32 v2, $0x19;
	v60 =	vnsel vm11, $0x0, v3;
	vm13 =	veq.s32 v2, $0x1A;
	[tilespmem:$0x2600] =	vst v17  }
0x148: {  	[tilespmem:$0x2680] =	vst v18;
	vm14 =	veq.s32 v2, $0x1B;
	v61 =	vnsel vm15, $0x0, v3;
	v62 =	vnsel vm4, $0x0, v3  }
0x149: {  	[tilespmem:$0x2700] =	vst v19;
	vm6 =	veq.s32 v2, $0x1C;
	v63 =	vnsel vm5, $0x0, v3;
	vm7 =	veq.s32 v2, $0x1D  }
0x14a: {  	[tilespmem:$0x2780] =	vst v49;
	vm9 =	veq.s32 v4, $0x1E;
	vm10 =	veq.s32 v4, $0x1F;
	vm11 =	veq.s32 v4, $0x20  }
0x14b: {  	[tilespmem:$0x2800] =	vst v50;
	vm15 =	veq.s32 v4, $0x21;
	vm4 =	veq.s32 v4, $0x22;
	vm5 =	veq.s32 v4, $0x23  }
0x14c: {  	[tilespmem:$0x2880] =	vst v51;
	v12 =	vsel vm8, v1, v58;
	v13 =	vsel vm12, v1, v59;
	v14 =	vsel vm13, v1, v60  }
0x14d: {  	v15 =	vsel vm14, v1, v61;
	v16 =	vsel vm6, v1, v62;
	v5 =	vsel vm7, v1, v63;
	[tilespmem:$0x2900] =	vst v6  }
0x14e: {  	vm8 =	veq.s32 v2, $0x1E;
	v22 =	vnsel vm9, $0x0, v3;
	v23 =	vnsel vm10, $0x0, v3;
	[tilespmem:$0x2980] =	vst v7  }
0x14f: {  	vm12 =	veq.s32 v2, $0x1F;
	v24 =	vnsel vm11, $0x0, v3;
	vm13 =	veq.s32 v2, $0x20;
	[tilespmem:$0x2A00] =	vst v8  }
0x150: {  	[tilespmem:$0x2A80] =	vst v9;
	vm14 =	veq.s32 v2, $0x21;
	v26 =	vnsel vm15, $0x0, v3;
	v27 =	vnsel vm4, $0x0, v3  }
0x151: {  	[tilespmem:$0x2B00] =	vst v10;
	vm6 =	veq.s32 v2, $0x22;
	v28 =	vnsel vm5, $0x0, v3;
	vm7 =	veq.s32 v2, $0x23  }
0x152: {  	[tilespmem:$0x2B80] =	vst v11;
	vm9 =	veq.s32 v4, $0x24;
	vm10 =	veq.s32 v4, $0x25;
	vm11 =	veq.s32 v4, $0x26  }
0x153: {  	vm15 =	veq.s32 v4, $0x27;
	vm4 =	veq.s32 v4, $0x28;
	vm5 =	veq.s32 v4, $0x29;
	[tilespmem:$0x2C00] =	vst v12  }
0x154: {  	v6 =	vsel vm8, v1, v22;
	v25 =	vsel vm12, v1, v23;
	v7 =	vsel vm13, v1, v24;
	[tilespmem:$0x2C80] =	vst v13  }
0x155: {  	v9 =	vsel vm14, v1, v26;
	v10 =	vsel vm6, v1, v27;
	v11 =	vsel vm7, v1, v28;
	[tilespmem:$0x2D00] =	vst v14  }
0x156: {  	vm8 =	veq.s32 v2, $0x24;
	v29 =	vnsel vm9, $0x0, v3;
	v30 =	vnsel vm10, $0x0, v3;
	[tilespmem:$0x2D80] =	vst v15  }
0x157: {  	vm12 =	veq.s32 v2, $0x25;
	v31 =	vnsel vm11, $0x0, v3;
	vm13 =	veq.s32 v2, $0x26;
	[tilespmem:$0x2E00] =	vst v16  }
0x158: {  	[tilespmem:$0x2E80] =	vst v5;
	vm14 =	veq.s32 v2, $0x27;
	v32 =	vnsel vm15, $0x0, v3;
	v33 =	vnsel vm4, $0x0, v3  }
0x159: {  	vm6 =	veq.s32 v2, $0x28;
	v34 =	vnsel vm5, $0x0, v3;
	vm7 =	veq.s32 v2, $0x29;
	[tilespmem:$0x2F00] =	vst v6  }
0x15a: {  	vm9 =	veq.s32 v4, $0x2A;
	vm10 =	veq.s32 v4, $0x2B;
	vm11 =	veq.s32 v4, $0x2C;
	[tilespmem:$0x2F80] =	vst v25  }
0x15b: {  	vm15 =	veq.s32 v4, $0x2D;
	vm4 =	veq.s32 v4, $0x2E;
	vm5 =	veq.s32 v4, $0x2F;
	[tilespmem:$0x3000] =	vst v7  }
0x15c: {  	v12 =	vsel vm8, v1, v29;
	v13 =	vsel vm12, v1, v30;
	v14 =	vsel vm13, v1, v31;
	[tilespmem:$0x3080] =	vst v9  }
0x15d: {  	v5 =	vsel vm14, v1, v32;
	v6 =	vsel vm6, v1, v33;
	v35 =	vsel vm7, v1, v34;
	[tilespmem:$0x3100] =	vst v10  }
0x15e: {  	vm8 =	veq.s32 v2, $0x2A;
	v36 =	vnsel vm9, $0x0, v3;
	v37 =	vnsel vm10, $0x0, v3;
	[tilespmem:$0x3180] =	vst v11  }
0x15f: {  	vm12 =	veq.s32 v2, $0x2B;
	v38 =	vnsel vm11, $0x0, v3;
	vm13 =	veq.s32 v2, $0x2C;
	[tilespmem:$0x3200] =	vst v12  }
0x160: {  	vm14 =	veq.s32 v2, $0x2D;
	v39 =	vnsel vm15, $0x0, v3;
	v40 =	vnsel vm4, $0x0, v3;
	[tilespmem:$0x3280] =	vst v13  }
0x161: {  	vm6 =	veq.s32 v2, $0x2E;
	v41 =	vnsel vm5, $0x0, v3;
	vm7 =	veq.s32 v2, $0x2F;
	[tilespmem:$0x3300] =	vst v14  }
0x162: {  	vm9 =	veq.s32 v4, $0x30;
	vm10 =	veq.s32 v4, $0x31;
	vm11 =	veq.s32 v4, $0x32;
	[tilespmem:$0x3380] =	vst v5  }
0x163: {  	vm15 =	veq.s32 v4, $0x33;
	vm4 =	veq.s32 v4, $0x34;
	vm5 =	veq.s32 v4, $0x35;
	[tilespmem:$0x3400] =	vst v6  }
0x164: {  	v8 =	vsel vm8, v1, v36;
	v9 =	vsel vm12, v1, v37;
	v10 =	vsel vm13, v1, v38;
	[tilespmem:$0x3480] =	vst v35  }
0x165: {  	v42 =	vsel vm14, v1, v39;
	v43 =	vsel vm6, v1, v40;
	v5 =	vsel vm7, v1, v41;
	[tilespmem:$0x3500] =	vst v8  }
0x166: {  	vm8 =	veq.s32 v2, $0x30;
	v44 =	vnsel vm9, $0x0, v3;
	v45 =	vnsel vm10, $0x0, v3;
	[tilespmem:$0x3580] =	vst v9  }
0x167: {  	vm12 =	veq.s32 v2, $0x31;
	v46 =	vnsel vm11, $0x0, v3;
	vm13 =	veq.s32 v2, $0x32;
	[tilespmem:$0x3600] =	vst v10  }
0x168: {  	vm14 =	veq.s32 v2, $0x33;
	v47 =	vnsel vm15, $0x0, v3;
	v48 =	vnsel vm4, $0x0, v3;
	[tilespmem:$0x3680] =	vst v42  }
0x169: {  	vm6 =	veq.s32 v2, $0x34;
	v49 =	vnsel vm5, $0x0, v3;
	vm7 =	veq.s32 v2, $0x35;
	[tilespmem:$0x3700] =	vst v43  }
0x16a: {  	vm9 =	veq.s32 v4, $0x36;
	vm10 =	veq.s32 v4, $0x37;
	v7 =	vsel vm8, v1, v44;
	[tilespmem:$0x3780] =	vst v5  }
0x16b: {  	vm11 =	veq.s32 v4, $0x38;
	vm15 =	veq.s32 v4, $0x39;
	v8 =	vsel vm12, v1, v45;
	[tilespmem:$0x3800] =	vst v7  }
0x16c: {  	vm4 =	veq.s32 v4, $0x3A;
	vm5 =	veq.s32 v4, $0x3B;
	v9 =	vsel vm13, v1, v46;
	[tilespmem:$0x3880] =	vst v8  }
0x16d: {  	v6 =	vsel vm14, v1, v47;
	v50 =	vsel vm6, v1, v48;
	v5 =	vsel vm7, v1, v49;
	[tilespmem:$0x3900] =	vst v9  }
0x16e: {  	vm8 =	veq.s32 v2, $0x36;
	v51 =	vnsel vm9, $0x0, v3;
	v52 =	vnsel vm10, $0x0, v3;
	[tilespmem:$0x3980] =	vst v6  }
0x16f: {  	vm12 =	veq.s32 v2, $0x37;
	v53 =	vnsel vm11, $0x0, v3;
	vm13 =	veq.s32 v2, $0x38;
	[tilespmem:$0x3A00] =	vst v50  }
0x170: {  	vm14 =	veq.s32 v2, $0x39;
	v56 =	vnsel vm15, $0x0, v3;
	v54 =	vsel vm8, v1, v51;
	[tilespmem:$0x3A80] =	vst v5  }
0x171: {  	v57 =	vnsel vm4, $0x0, v3;
	vm6 =	veq.s32 v2, $0x3A;
	v55 =	vsel vm12, v1, v52;
	[tilespmem:$0x3B00] =	vst v54  }
0x172: {  	v58 =	vnsel vm5, $0x0, v3;
	vm7 =	veq.s32 v2, $0x3B;
	v6 =	vsel vm13, v1, v53;
	[tilespmem:$0x3B80] =	vst v55  }
0x173: {  	vm9 =	veq.s32 v4, $0x3C;
	vm10 =	veq.s32 v4, $0x3D;
	v5 =	vsel vm14, v1, v56;
	[tilespmem:$0x3C00] =	vst v6  }
0x174: {  	vm11 =	veq.s32 v2, $0x3D;
	v59 =	vsel vm6, v1, v57;
	v60 =	vsel vm7, v1, v58;
	[tilespmem:$0x3C80] =	vst v5  }
0x175: {  	vm8 =	veq.s32 v2, $0x3C;
	v61 =	vnsel vm9, $0x0, v3;
	v62 =	vnsel vm10, $0x0, v3;
	[tilespmem:$0x3D00] =	vst v59  }
0x176: {  	vm12 =	veq.s32 v4, $0x3E;
	vm13 =	veq.s32 v2, $0x3E;
	[tilespmem:$0x3D80] =	vst v60;
	v5 =	vsel vm8, v1, v61  }
0x177: {  	vm14 =	veq.s32 v4, $0x3F;
	v6 =	vsel vm11, v1, v62;
	v63 =	vnsel vm12, $0x0, v3;
	[tilespmem:$0x3E00] =	vst v5  }
0x178: {  	vm15 =	veq.s32 v2, $0x3F;
	v2 =	vnsel vm14, $0x0, v3;
	[tilespmem:$0x3E80] =	vst v6;
	v4 =	vsel vm13, v1, v63  }
0x179: {  	p0 =	sne.s32 s5, $0x1;
	v1 =	vsel vm15, v1, v2;
	[tilespmem:$0x3F00] =	vst v4  }
.Ltmp1:
0x17a: {  	[tilespmem:$0x3F80] =	vst v1;
	(pc) =	sbr.rel @p0 .LBB2_2-.Ltmp1, $4  }
0x17b: {  	[hbm4b:s3+s2] =	stream.linear.scatter [tilespmem:s7], [sflag:$0x1], $0x2000, $0x38;
	[tilespmem:$0x4000] =	vst v63  }
0x17c: {  	_ =	swait.ge [sflag:s6], $0x2000  }
0x17d: {  	[sflag:s6] =	ssyncset.done $0x0  }
0x17e: {  	s5 =	sadd.s32 $0xFFFFFFFF, s5;
	[sflag:s6] =	ssyncadd.s32 $0xFFFFE000  }
.LBB2_3:
0x17f: {  	_ =	sfence.sel $0x180000  }
0x180: {  	[bflag:$0x0] =	sbarrier.arrive $0xFFFF  }
0x181: {  	p0 =	sne.s32 s1, $0x0;
	_ =	strace $0x90000047  }
0x182: {  	s0 =	sadd.s32 @!p0 $0x100000, s0;
	[bflag:$0x2] =	sbarrier.arrive $0xFFFF  }
0x183: {  	[sflag:s0] =	ssyncadd.tile.s32 @!p0 $0x1;
	_ =	shalt  }
.Lfunc_end2:
_tile_overlayer_lowered:
.L_overlay_start_2:
0x184: {  	(tag) =	ssettag $0x2  }
0x185: {  	s0 =	rddreg [dreg:$0x0];
	s2 =	stileid.u32  }
0x186: {  	s1 =	rddreg [dreg:$0x1];
	p0 =	sne.s32 s2, $0x0  }
0x187: {  	s3 =	rddreg [dreg:$0x2];
	[bflag:$0x3] =	sbarrier.arrive $0xFFFF;
	s2 =	simm.s32 @!p0 $0x1C01  }
0x188: {  	[timem:s3], [sflag:s2] =	dma.local @!p0 [hbm:s0], s1  }
0x189: {  	s0 =	simm.s32 @!p0 $0x1  }
0x18a: {  	_ =	swait.ge @!p0 [sflag:s0], s1  }
0x18b: {  	s1 =	ssub.s32 @!p0 $0x0, s1;
	[sflag:s0] =	ssyncset.done @!p0 $0x0  }
0x18c: {  	[sflag:s0] =	ssyncadd.s32 @!p0 s1  }
0x18d: {  	[bflag:$0x3] =	sbarrier.arrive $0xFFFF  }
0x18e: {  	_ =	shalt  }

</sc_bundles>
